<compile_context>
chip_gen: v7x
topology: tpu7x:2x2x1
jax: 0.10.2.dev20260603
libtpu: 0.0.44.dev20260713+nightly
codegen_flags: <defaults>
</compile_context>

<pallas_src>
import functools

import jax
import jax.numpy as jnp
from jax import lax
from jax.experimental import pallas as pl
from jax.experimental.pallas import tpu as pltpu
from jax.experimental.pallas import tpu_sc as plsc

NSAMP = 524288
NSEG = 8192
NRAY = 65536

NC = 2
NS = 16
NW = NC * NS
L = 16

CH = NSAMP // NW
SB = 2048
NBLK = CH // SB
NCHUNK = SB // L

F32 = jnp.float32
I32 = jnp.int32


def _lane():
    return lax.iota(I32, L)


def _gather(scr, x, idx):
    scr[...] = x
    return plsc.load_gather(scr, [idx])


def _bcast15(scr, x):
    return _gather(scr, x, jnp.full((L,), L - 1, I32))


def _rsqrt(x):
    i = plsc.bitcast(x, I32)
    i = 0x5F3759DF - lax.shift_right_logical(i, 1)
    r = plsc.bitcast(i, F32)
    for _ in range(3):
        r = r * (1.5 - 0.5 * x * r * r)
    return r




def _ka_body(alpha, t, rgb, nab, seg, partials, meta, a_v, t_v, rgb_v,
             nab_v, seg_v, bins, scrf, scri, mbuf, dsem):
    wid = lax.axis_index("s") * NC + lax.axis_index("c")
    lane = _lane()
    zf = jnp.zeros((L,), F32)

    def zero_body(i, _):
        bins[pl.ds(i * L, L)] = zf
        return 0

    lax.fori_loop(0, (NSEG * 8) // L, zero_body, 0)

    pltpu.sync_copy(seg.at[pl.ds(wid * CH, L)], scri)
    first_seg = plsc.load_gather(scri, [jnp.zeros((L,), I32)])

    def block(b, carry):
        carry_T, carry_seg = carry
        base = wid * CH + b * SB
        cps = [pltpu.make_async_copy(alpha.at[pl.ds(base, SB)], a_v, dsem),
               pltpu.make_async_copy(t.at[pl.ds(base, SB)], t_v, dsem),
               pltpu.make_async_copy(seg.at[pl.ds(base, SB)], seg_v, dsem)]
        for c in range(3):
            cps.append(pltpu.make_async_copy(
                rgb.at[pl.ds(c * NSAMP + base, SB)],
                rgb_v.at[pl.ds(c * SB, SB)], dsem))
            cps.append(pltpu.make_async_copy(
                nab.at[pl.ds(c * NSAMP + base, SB)],
                nab_v.at[pl.ds(c * SB, SB)], dsem))
        for cp in cps:
            cp.start()
        for cp in cps:
            cp.wait()

        def chunk(i, cc):
            c_T, c_seg = cc
            off = i * L
            a = a_v[pl.ds(off, L)]
            s = seg_v[pl.ds(off, L)]
            scri[...] = s
            s_prev = plsc.load_gather(scri, [jnp.maximum(lane - 1, 0)])
            s_next = plsc.load_gather(scri, [jnp.minimum(lane + 1, L - 1)])
            first_run = (lane == 0) | (s != s_prev)
            last_run = (lane == L - 1) | (s != s_next)
            v = 1.0 - a + 1e-10
            p = v
            for st in (1, 2, 4, 8):
                idx = jnp.maximum(lane - st, 0)
                pc = _gather(scrf, p, idx)
                sc_ = plsc.load_gather(scri, [idx])
                ok = (lane >= st) & (sc_ == s)
                p = p * jnp.where(ok, pc, 1.0)
            excl = p / v
            m0 = s == c_seg
            T = excl * jnp.where(m0, c_T, 1.0)
            vw = a * T
            nc_T = _bcast15(scrf, T * v)
            nc_seg = _bcast15(scri, s)
            tt = t_v[pl.ds(off, L)]
            nx = jnp.clip(nab_v[pl.ds(off, L)], -1.0, 1.0)
            ny = jnp.clip(nab_v[pl.ds(SB + off, L)], -1.0, 1.0)
            nz = jnp.clip(nab_v[pl.ds(2 * SB + off, L)], -1.0, 1.0)
            r = jnp.minimum(_rsqrt(nx * nx + ny * ny + nz * nz), 1e12)
            feats = (vw, vw * tt,
                     vw * rgb_v[pl.ds(off, L)],
                     vw * rgb_v[pl.ds(SB + off, L)],
                     vw * rgb_v[pl.ds(2 * SB + off, L)],
                     vw * nx * r, vw * ny * r, vw * nz * r)
            runstart = plsc.cummax(jnp.where(first_run, lane, 0))
            pidx = jnp.maximum(runstart - 1, 0)
            has_prev = runstart > 0
            sidx = s * 8
            for f, g in enumerate(feats):
                cs = plsc.cumsum(g)
                prev = jnp.where(has_prev, _gather(scrf, cs, pidx), 0.0)
                plsc.addupdate_scatter(bins, [sidx + f], cs - prev,
                                       mask=last_run)
            return nc_T, nc_seg

        return lax.fori_loop(0, NCHUNK, chunk, (carry_T, carry_seg))

    carry_T, carry_seg = lax.fori_loop(
        0, NBLK, block, (jnp.ones((L,), F32), jnp.full((L,), -1, I32)))

    pltpu.sync_copy(bins, partials.at[pl.ds(wid * NSEG * 8, NSEG * 8)])
    lane_f = lane.astype(F32)
    mvals = jnp.where(lane == 0, first_seg.astype(F32),
                      jnp.where(lane == 1, carry_seg.astype(F32),
                                jnp.where(lane == 2, carry_T, 0.0)))
    del lane_f
    mbuf[...] = mvals
    pltpu.sync_copy(mbuf, meta.at[pl.ds(wid * L, L)])




def _kb_body(partials, meta, rows, tmp, tmp2, acc, metav, cbuf, scrf, dsem):
    wid = lax.axis_index("s") * NC + lax.axis_index("c")
    lane = _lane()
    lo = wid * (NSEG // NW)
    pltpu.sync_copy(meta, metav)

    zero_i = jnp.zeros((L,), I32)
    cbuf[pl.ds(0, L)] = jnp.ones((L,), F32)

    def chain(j, c_prev):
        fs_p = plsc.load_gather(metav, [zero_i + (j - 1) * L]).astype(I32)
        ls_p = plsc.load_gather(metav, [zero_i + (j - 1) * L + 1]).astype(I32)
        tp_p = plsc.load_gather(metav, [zero_i + (j - 1) * L + 2])
        fs_j = plsc.load_gather(metav, [zero_i + j * L]).astype(I32)
        cj = jnp.where(ls_p == fs_j,
                       tp_p * jnp.where(fs_p == ls_p, c_prev, 1.0),
                       1.0)
        cbuf[pl.ds(j * L, L)] = cj
        return cj

    lax.fori_loop(1, NW, chain, jnp.ones((L,), F32))

    def zacc(i, _):
        acc[pl.ds(i * L, L)] = jnp.zeros((L,), F32)
        return 0

    lax.fori_loop(0, (SB * 8) // (L * 8), zacc, 0)

    def _start(j, buf):
        pltpu.make_async_copy(
            partials.at[pl.ds(j * NSEG * 8 + lo * 8, 2048)], buf, dsem).start()

    def _drain(buf):
        pltpu.make_async_copy(partials.at[pl.ds(lo * 8, 2048)], buf,
                              dsem).wait()

    def _accum(j, buf):
        fs_j = plsc.load_gather(metav, [zero_i + j * L]).astype(I32)
        cj = plsc.load_gather(cbuf, [zero_i + j * L])
        fs_rel = fs_j - lo

        def add(i, __):
            segpos = lax.shift_right_logical(i * L + lane, 3)
            scale = jnp.where(segpos == fs_rel, cj, 1.0)
            acc[pl.ds(i * L, L)] = (acc[pl.ds(i * L, L)]
                                    + buf[pl.ds(i * L, L)] * scale)
            return 0

        lax.fori_loop(0, 2048 // L, add, 0)

    _start(0, tmp)

    def merge(k, _):
        j = k * 2
        _drain(tmp)
        _start(j + 1, tmp2)
        _accum(j, tmp)
        _drain(tmp2)

        @pl.when(j + 2 < NW)
        def _():
            _start(j + 2, tmp)

        _accum(j + 1, tmp2)
        return 0

    lax.fori_loop(0, NW // 2, merge, 0)

    def fin(g, _):
        segl = g * L + lane
        vws = plsc.load_gather(acc, [segl * 8])
        d = plsc.load_gather(acc, [segl * 8 + 1])
        plsc.store_scatter(acc, [segl * 8 + 1], d / (vws + 1e-10))
        return 0

    lax.fori_loop(0, (NSEG // NW) // L, fin, 0)
    pltpu.sync_copy(acc, rows.at[pl.ds(lo * 8, 2048)])




def _kc_body(rows, rih, out, rihv, rowsv, stage, scri, dsem):
    wid = lax.axis_index("s") * NC + lax.axis_index("c")
    lane = _lane()
    rpw = NRAY // NW
    c1 = pltpu.make_async_copy(rih, rihv, dsem)
    c2 = pltpu.make_async_copy(rows, rowsv, dsem)
    c1.start(); c2.start(); c1.wait(); c2.wait()

    def group(i, _):
        row_id = i * L + lane
        ray = wid * rpw + row_id
        pos = jnp.zeros((L,), I32)
        step = NSEG // 2
        while step >= 1:
            v = plsc.load_gather(rihv, [pos + (step - 1)])
            pos = pos + jnp.where(v <= ray, step, 0)
            step //= 2
        vlast = plsc.load_gather(rihv, [jnp.full((L,), NSEG - 1, I32)])
        pos = pos + jnp.where((pos == NSEG - 1) & (vlast <= ray), 1, 0)
        s = jnp.maximum(pos - 1, 0)
        hit = (pos > 0) & (plsc.load_gather(rihv, [s]) == ray)
        s8 = s * 8
        r8 = row_id * 8
        for f in range(8):
            val = jnp.where(hit, plsc.load_gather(rowsv, [s8 + f]), 0.0)
            plsc.store_scatter(stage, [r8 + f], val)
        return 0

    lax.fori_loop(0, rpw // L, group, 0)
    pltpu.sync_copy(stage, out.at[pl.ds(wid * rpw * 8, rpw * 8)])



_MESH = plsc.VectorSubcoreMesh(core_axis_name="c", subcore_axis_name="s")
_CP = pltpu.CompilerParams(needs_layout_passes=False)

_ka = functools.partial(
    pl.kernel, _ka_body, mesh=_MESH, compiler_params=_CP,
    out_type=(jax.ShapeDtypeStruct((NW * NSEG * 8,), F32),
              jax.ShapeDtypeStruct((NW * L,), F32)),
    scratch_types=[
        pltpu.VMEM((SB,), F32),
        pltpu.VMEM((SB,), F32),
        pltpu.VMEM((3 * SB,), F32),
        pltpu.VMEM((3 * SB,), F32),
        pltpu.VMEM((SB,), I32),
        pltpu.VMEM((NSEG * 8,), F32),
        pltpu.VMEM((L,), F32),
        pltpu.VMEM((L,), I32),
        pltpu.VMEM((L,), F32),
        pltpu.SemaphoreType.DMA,
    ])

_kb = functools.partial(
    pl.kernel, _kb_body, mesh=_MESH, compiler_params=_CP,
    out_type=jax.ShapeDtypeStruct((NSEG * 8,), F32),
    scratch_types=[
        pltpu.VMEM((2048,), F32),
        pltpu.VMEM((2048,), F32),
        pltpu.VMEM((2048,), F32),
        pltpu.VMEM((NW * L,), F32),
        pltpu.VMEM((NW * L,), F32),
        pltpu.VMEM((L,), F32),
        pltpu.SemaphoreType.DMA,
    ])

_kc = functools.partial(
    pl.kernel, _kc_body, mesh=_MESH, compiler_params=_CP,
    out_type=jax.ShapeDtypeStruct((NRAY * 8,), F32),
    scratch_types=[
        pltpu.VMEM((NSEG,), I32),
        pltpu.VMEM((NSEG * 8,), F32),
        pltpu.VMEM((NRAY // NW * 8,), F32),
        pltpu.VMEM((L,), I32),
        pltpu.SemaphoreType.DMA,
    ])


def kernel(opacity_alpha, t, rgb, nablas_in_world, segment_ids, ray_inds_hit):
    rgbT = rgb.T.reshape(-1)
    nabT = nablas_in_world.T.reshape(-1)
    rih32 = ray_inds_hit.astype(I32)
    seg32 = segment_ids.astype(I32)
    partials, meta = _ka()(opacity_alpha, t, rgbT, nabT, seg32)
    rows = _kb()(partials, meta)
    return _kc()(rows, rih32).reshape(NRAY, 8)

# --- scband reference (transcript-rebuilt; emitter-appended) ---
"""Pipeline reference for scband-single-volume-renderer-80925773791499 (READ-ONLY COPY).

The authoritative reference and input builder live on the scoring server;
editing this copy changes nothing except your own understanding.
"""

import jax, jax.numpy as jnp
import numpy as np

N_SAMPLES = 524288
N_SEG = 8192
N_RAYS = 65536


def setup_inputs(seed: int = 0) -> dict:
    key = jax.random.key(seed)
    k1, k2, k3, k4, k5, k6 = jax.random.split(key, 6)
    opacity_alpha = jax.random.uniform(k1, (N_SAMPLES,), dtype=jnp.float32)
    t = jax.random.uniform(k2, (N_SAMPLES,), dtype=jnp.float32)
    rgb = jax.random.uniform(k3, (N_SAMPLES, 3), dtype=jnp.float32)
    nablas_in_world = jax.random.normal(k4, (N_SAMPLES, 3), dtype=jnp.float32)
    segment_ids = jnp.sort(jax.random.randint(k5, (N_SAMPLES,), 0, N_SEG, dtype=jnp.int32))
    ray_inds_hit = jnp.sort(jax.random.randint(k6, (N_SEG,), 0, N_RAYS, dtype=jnp.int64))
    return {
        'opacity_alpha': opacity_alpha,
        't': t,
        'rgb': rgb,
        'nablas_in_world': nablas_in_world,
        'segment_ids': segment_ids,
        'ray_inds_hit': ray_inds_hit,
    }


def reference(opacity_alpha, t, rgb, nablas_in_world, segment_ids, ray_inds_hit):
    # packed_alpha_to_vw: vw_i = alpha_i * prod_{j<i in same pack} (1 - alpha_j)
    log1m = jnp.log(1.0 - opacity_alpha + 1e-10)
    cum = jnp.cumsum(log1m)
    excl = cum - log1m  # exclusive cumsum (global)
    # per-segment exclusive cumsum: subtract value at first element of each segment
    first_idx = jnp.searchsorted(segment_ids, jnp.arange(N_SEG, dtype=segment_ids.dtype))
    first_idx = jnp.clip(first_idx, 0, N_SAMPLES - 1)
    offsets = excl[first_idx]
    transmittance = jnp.exp(excl - offsets[segment_ids])
    vw = opacity_alpha * transmittance
    # packed_sum(vw) -> mask_volume
    vw_sum = jax.ops.segment_sum(vw, segment_ids, num_segments=N_SEG)
    # depth_use_normalized_vw=True: packed_div
    depth_w = vw / (vw_sum[segment_ids] + 1e-10)
    depth = jax.ops.segment_sum(depth_w * t, segment_ids, num_segments=N_SEG)
    rgb_seg = jax.ops.segment_sum(vw[:, None] * rgb, segment_ids, num_segments=N_SEG)
    # eval mode: F.normalize(nablas.clamp_(-1, 1), dim=-1)
    nab = jnp.clip(nablas_in_world, -1.0, 1.0)
    nab = nab / jnp.maximum(jnp.linalg.norm(nab, axis=-1, keepdims=True), 1e-12)
    nrm_seg = jax.ops.segment_sum(vw[:, None] * nab, segment_ids, num_segments=N_SEG)
    # scatter into rendered buffers of total_num_rays
    mask_volume = jnp.zeros((N_RAYS,), jnp.float32).at[ray_inds_hit].set(vw_sum)
    depth_volume = jnp.zeros((N_RAYS,), jnp.float32).at[ray_inds_hit].set(depth)
    rgb_volume = jnp.zeros((N_RAYS, 3), jnp.float32).at[ray_inds_hit].set(rgb_seg)
    normals_volume = jnp.zeros((N_RAYS, 3), jnp.float32).at[ray_inds_hit].set(nrm_seg)
    return jnp.concatenate([mask_volume[:, None], depth_volume[:, None], rgb_volume, normals_volume], axis=-1)

if __name__ == "__main__":
    import jax
    _d = setup_inputs()
    print(jax.jit(kernel)(*tuple(_d.values())))

</pallas_src>

<mosaic_0001>
#map = affine_map<(d0, d1) -> (0)>
module attributes {stable_mosaic.version = 14 : i64} {
  func.func @_kb_body(%arg0: i32, %arg1: i32, %arg2: memref<2097152xf32, #tpu.memory_space<hbm>>, %arg3: memref<512xf32, #tpu.memory_space<hbm>>, %arg4: memref<65536xf32, #tpu.memory_space<hbm>>, %arg5: memref<2048xf32, #tpu.memory_space<vmem>>, %arg6: memref<2048xf32, #tpu.memory_space<vmem>>, %arg7: memref<2048xf32, #tpu.memory_space<vmem>>, %arg8: memref<512xf32, #tpu.memory_space<vmem>>, %arg9: memref<512xf32, #tpu.memory_space<vmem>>, %arg10: memref<16xf32, #tpu.memory_space<vmem>>, %arg11: memref<!tpu.dma_semaphore, #tpu.memory_space<semaphore_mem>>) attributes {dimension_semantics = [#tpu.dimension_semantics<core_parallel>, #tpu.dimension_semantics<subcore_parallel>], iteration_bounds = array<i64: 2, 16>, scalar_prefetch = 0 : i64, scratch_operands = 7 : i64, tpu.core_type = #tpu.core_type<sc_vector_subcore>, window_params = [{transform_indices = #map}, {transform_indices = #map}, {transform_indices = #map}]} {
    %mul3A = arith.constant 2 : i32
    %mul3A_0 = arith.muli %arg1, %mul3A : i32
    %add3A = arith.addi %mul3A_0, %arg0 : i32
    %iota3A = tpu.iota {dimensions = array<i32: 0>} : vector<16xi32>
    %mul3A_1 = arith.constant 256 : i32
    %mul3A_2 = arith.muli %add3A, %mul3A_1 : i32
    "tpu.region"() ({
      %run_scoped3A = tpu.sem_alloc : memref<!tpu.dma_semaphore, #tpu.memory_space<semaphore_mem>>
      tpu.enqueue_dma source(%arg3 : memref<512xf32, #tpu.memory_space<hbm>>) target(%arg8 : memref<512xf32, #tpu.memory_space<vmem>>) target_semaphore(%run_scoped3A : memref<!tpu.dma_semaphore, #tpu.memory_space<semaphore_mem>>)
      tpu.wait_dma2 semaphore(%run_scoped3A : memref<!tpu.dma_semaphore, #tpu.memory_space<semaphore_mem>>) src(%arg3 : memref<512xf32, #tpu.memory_space<hbm>>) dst(%arg8 : memref<512xf32, #tpu.memory_space<vmem>>)
      tpu.yield
    }) : () -> ()
    %broadcast_in_dim3A = arith.constant 0 : i32
    %broadcast_in_dim3A_3 = vector.broadcast %broadcast_in_dim3A : i32 to vector<16xi32>
    %broadcast_in_dim3A_4 = arith.constant 1.000000e+00 : f32
    %broadcast_in_dim3A_5 = vector.broadcast %broadcast_in_dim3A_4 : f32 to vector<16xf32>
    %swap3A = arith.constant 0 : index
    %swap3A_6 = tpu.vector_load %arg9[%swap3A] {strides = array<i32>} : memref<512xf32, #tpu.memory_space<vmem>>, vector<16xf32>,
    tpu.vector_store %arg9[%swap3A], %broadcast_in_dim3A_5 {strides = array<i32>} : memref<512xf32, #tpu.memory_space<vmem>>, vector<16xf32>,
    %broadcast_in_dim3A_7 = arith.constant 1.000000e+00 : f32
    %broadcast_in_dim3A_8 = vector.broadcast %broadcast_in_dim3A_7 : f32 to vector<16xf32>
    %scan3A = arith.constant 1 : i32
    %scan3A_9 = arith.constant 31 : i32
    %scan3A_10 = arith.addi %scan3A, %scan3A_9 : i32
    %scan3A_11 = arith.constant 1 : i32
    %scan3A_12 = scf.for %scan3A_42 = %scan3A to %scan3A_10 step %scan3A_11 iter_args(%scan3A_43 = %broadcast_in_dim3A_8) -> (vector<16xf32>)  : i32 {
      %sub3A = arith.constant 1 : i32
      %sub3A_44 = arith.subi %scan3A_42, %sub3A : i32
      %mul3A_45 = arith.constant 16 : i32
      %mul3A_46 = arith.muli %sub3A_44, %mul3A_45 : i32
      %add3A_47 = vector.broadcast %mul3A_46 : i32 to vector<16xi32>
      %add3A_48 = arith.addi %broadcast_in_dim3A_3, %add3A_47 : vector<16xi32>
      %gather3A = tpu.vector_load_idx %arg8[%add3A_48] : memref<512xf32, #tpu.memory_space<vmem>>[vector<16xi32>], vector<16xf32>,
      %convert_element_type3A = arith.fptosi %gather3A : vector<16xf32> to vector<16xi32>
      %sub3A_49 = arith.constant 1 : i32
      %sub3A_50 = arith.subi %scan3A_42, %sub3A_49 : i32
      %mul3A_51 = arith.constant 16 : i32
      %mul3A_52 = arith.muli %sub3A_50, %mul3A_51 : i32
      %add3A_53 = vector.broadcast %mul3A_52 : i32 to vector<16xi32>
      %add3A_54 = arith.addi %broadcast_in_dim3A_3, %add3A_53 : vector<16xi32>
      %add3A_55 = arith.constant 1 : i32
      %add3A_56 = vector.broadcast %add3A_55 : i32 to vector<16xi32>
      %add3A_57 = arith.addi %add3A_54, %add3A_56 : vector<16xi32>
      %gather3A_58 = tpu.vector_load_idx %arg8[%add3A_57] : memref<512xf32, #tpu.memory_space<vmem>>[vector<16xi32>], vector<16xf32>,
      %convert_element_type3A_59 = arith.fptosi %gather3A_58 : vector<16xf32> to vector<16xi32>
      %sub3A_60 = arith.constant 1 : i32
      %sub3A_61 = arith.subi %scan3A_42, %sub3A_60 : i32
      %mul3A_62 = arith.constant 16 : i32
      %mul3A_63 = arith.muli %sub3A_61, %mul3A_62 : i32
      %add3A_64 = vector.broadcast %mul3A_63 : i32 to vector<16xi32>
      %add3A_65 = arith.addi %broadcast_in_dim3A_3, %add3A_64 : vector<16xi32>
      %add3A_66 = arith.constant 2 : i32
      %add3A_67 = vector.broadcast %add3A_66 : i32 to vector<16xi32>
      %add3A_68 = arith.addi %add3A_65, %add3A_67 : vector<16xi32>
      %gather3A_69 = tpu.vector_load_idx %arg8[%add3A_68] : memref<512xf32, #tpu.memory_space<vmem>>[vector<16xi32>], vector<16xf32>,
      %mul3A_70 = arith.constant 16 : i32
      %mul3A_71 = arith.muli %scan3A_42, %mul3A_70 : i32
      %add3A_72 = vector.broadcast %mul3A_71 : i32 to vector<16xi32>
      %add3A_73 = arith.addi %broadcast_in_dim3A_3, %add3A_72 : vector<16xi32>
      %gather3A_74 = tpu.vector_load_idx %arg8[%add3A_73] : memref<512xf32, #tpu.memory_space<vmem>>[vector<16xi32>], vector<16xf32>,
      %convert_element_type3A_75 = arith.fptosi %gather3A_74 : vector<16xf32> to vector<16xi32>
      %eq3A = arith.cmpi eq, %convert_element_type3A_59, %convert_element_type3A_75 : vector<16xi32>
      %eq3A_76 = arith.cmpi eq, %convert_element_type3A, %convert_element_type3A_59 : vector<16xi32>
      %jit3A = arith.constant 1.000000e+00 : f32
      %broadcast_in_dim3A_77 = vector.broadcast %jit3A : f32 to vector<16xf32>
      %select_n3A = arith.select %eq3A_76, %scan3A_43, %broadcast_in_dim3A_77 : vector<16xi1>, vector<16xf32>
      %mul3A_78 = arith.mulf %gather3A_69, %select_n3A : vector<16xf32>
      %jit3A_79 = arith.constant 1.000000e+00 : f32
      %broadcast_in_dim3A_80 = vector.broadcast %jit3A_79 : f32 to vector<16xf32>
      %select_n3A_81 = arith.select %eq3A, %mul3A_78, %broadcast_in_dim3A_80 : vector<16xi1>, vector<16xf32>
      %mul3A_82 = arith.constant 16 : i32
      %mul3A_83 = arith.muli %scan3A_42, %mul3A_82 : i32
      %swap3A_84 = arith.index_cast %mul3A_83 : i32 to index
      %swap3A_85 = tpu.vector_load %arg9[%swap3A_84] {strides = array<i32>} : memref<512xf32, #tpu.memory_space<vmem>>, vector<16xf32>,
      tpu.vector_store %arg9[%swap3A_84], %select_n3A_81 {strides = array<i32>} : memref<512xf32, #tpu.memory_space<vmem>>, vector<16xf32>,
      scf.yield %select_n3A_81 : vector<16xf32>
    }
    %scan3A_13 = arith.constant 31 : i32
    %scan3A_14 = arith.constant 0 : i32
    %scan3A_15 = arith.constant 0 : i32
    %scan3A_16 = arith.constant 128 : i32
    %scan3A_17 = arith.addi %scan3A_15, %scan3A_16 : i32
    %scan3A_18 = arith.constant 1 : i32
    %scan3A_19 = scf.for %scan3A_42 = %scan3A_15 to %scan3A_17 step %scan3A_18 iter_args(%scan3A_43 = %scan3A_14) -> (i32)  : i32 {
      %broadcast_in_dim3A_44 = arith.constant 0.000000e+00 : f32
      %broadcast_in_dim3A_45 = vector.broadcast %broadcast_in_dim3A_44 : f32 to vector<16xf32>
      %mul3A_46 = arith.constant 16 : i32
      %mul3A_47 = arith.muli %scan3A_42, %mul3A_46 : i32
      %swap3A_48 = arith.index_cast %mul3A_47 : i32 to index
      %swap3A_49 = tpu.vector_load %arg7[%swap3A_48] {strides = array<i32>} : memref<2048xf32, #tpu.memory_space<vmem>>, vector<16xf32>,
      tpu.vector_store %arg7[%swap3A_48], %broadcast_in_dim3A_45 {strides = array<i32>} : memref<2048xf32, #tpu.memory_space<vmem>>, vector<16xf32>,
      %scan3A_50 = arith.constant 0 : i32
      scf.yield %scan3A_50 : i32
    }
    %scan3A_20 = arith.constant 128 : i32
    %mul3A_21 = arith.constant 8 : i32
    %mul3A_22 = arith.muli %mul3A_2, %mul3A_21 : i32
    %add3A_23 = arith.constant 0 : i32
    %add3A_24 = arith.addi %add3A_23, %mul3A_22 : i32
    %dma_start3A = tpu.memref_slice %arg2[%add3A_24] : memref<2097152xf32, #tpu.memory_space<hbm>> -> memref<2048xf32, #tpu.memory_space<hbm>>
    %dma_start3A_25 = tpu.memref_slice %arg2[%add3A_24] : memref<2097152xf32, #tpu.memory_space<hbm>> -> memref<2048xf32, #tpu.memory_space<hbm>>
    tpu.enqueue_dma source(%dma_start3A_25 : memref<2048xf32, #tpu.memory_space<hbm>>) target(%arg5 : memref<2048xf32, #tpu.memory_space<vmem>>) target_semaphore(%arg11 : memref<!tpu.dma_semaphore, #tpu.memory_space<semaphore_mem>>)
    %scan3A_26 = arith.constant 0 : i32
    %scan3A_27 = arith.constant 0 : i32
    %scan3A_28 = arith.constant 16 : i32
    %scan3A_29 = arith.addi %scan3A_27, %scan3A_28 : i32
    %scan3A_30 = arith.constant 1 : i32
    %scan3A_31 = scf.for %scan3A_42 = %scan3A_27 to %scan3A_29 step %scan3A_30 iter_args(%scan3A_43 = %scan3A_26) -> (i32)  : i32 {
      %mul3A_44 = arith.constant 2 : i32
      %mul3A_45 = arith.muli %scan3A_42, %mul3A_44 : i32
      %mul3A_46 = arith.constant 8 : i32
      %mul3A_47 = arith.muli %mul3A_2, %mul3A_46 : i32
      %dma_wait3A = tpu.memref_slice %arg2[%mul3A_47] : memref<2097152xf32, #tpu.memory_space<hbm>> -> memref<2048xf32, #tpu.memory_space<hbm>>
      %dma_wait3A_48 = tpu.memref_slice %arg2[%mul3A_47] : memref<2097152xf32, #tpu.memory_space<hbm>> -> memref<2048xf32, #tpu.memory_space<hbm>>
      tpu.wait_dma2 semaphore(%arg11 : memref<!tpu.dma_semaphore, #tpu.memory_space<semaphore_mem>>) src(%dma_wait3A_48 : memref<2048xf32, #tpu.memory_space<hbm>>) dst(%arg5 : memref<2048xf32, #tpu.memory_space<vmem>>)
      %add3A_49 = arith.constant 1 : i32
      %add3A_50 = arith.addi %mul3A_45, %add3A_49 : i32
      %mul3A_51 = arith.constant 8192 : i32
      %mul3A_52 = arith.muli %add3A_50, %mul3A_51 : i32
      %mul3A_53 = arith.constant 8 : i32
      %mul3A_54 = arith.muli %mul3A_52, %mul3A_53 : i32
      %mul3A_55 = arith.constant 8 : i32
      %mul3A_56 = arith.muli %mul3A_2, %mul3A_55 : i32
      %add3A_57 = arith.addi %mul3A_54, %mul3A_56 : i32
      %dma_start3A_58 = tpu.memref_slice %arg2[%add3A_57] : memref<2097152xf32, #tpu.memory_space<hbm>> -> memref<2048xf32, #tpu.memory_space<hbm>>
      %dma_start3A_59 = tpu.memref_slice %arg2[%add3A_57] : memref<2097152xf32, #tpu.memory_space<hbm>> -> memref<2048xf32, #tpu.memory_space<hbm>>
      tpu.enqueue_dma source(%dma_start3A_59 : memref<2048xf32, #tpu.memory_space<hbm>>) target(%arg6 : memref<2048xf32, #tpu.memory_space<vmem>>) target_semaphore(%arg11 : memref<!tpu.dma_semaphore, #tpu.memory_space<semaphore_mem>>)
      %mul3A_60 = arith.constant 16 : i32
      %mul3A_61 = arith.muli %mul3A_45, %mul3A_60 : i32
      %add3A_62 = vector.broadcast %mul3A_61 : i32 to vector<16xi32>
      %add3A_63 = arith.addi %broadcast_in_dim3A_3, %add3A_62 : vector<16xi32>
      %gather3A = tpu.vector_load_idx %arg8[%add3A_63] : memref<512xf32, #tpu.memory_space<vmem>>[vector<16xi32>], vector<16xf32>,
      %convert_element_type3A = arith.fptosi %gather3A : vector<16xf32> to vector<16xi32>
      %mul3A_64 = arith.constant 16 : i32
      %mul3A_65 = arith.muli %mul3A_45, %mul3A_64 : i32
      %add3A_66 = vector.broadcast %mul3A_65 : i32 to vector<16xi32>
      %add3A_67 = arith.addi %broadcast_in_dim3A_3, %add3A_66 : vector<16xi32>
      %gather3A_68 = tpu.vector_load_idx %arg9[%add3A_67] : memref<512xf32, #tpu.memory_space<vmem>>[vector<16xi32>], vector<16xf32>,
      %sub3A = vector.broadcast %mul3A_2 : i32 to vector<16xi32>
      %sub3A_69 = arith.subi %convert_element_type3A, %sub3A : vector<16xi32>
      %scan3A_70 = arith.constant 0 : i32
      %scan3A_71 = arith.constant 0 : i32
      %scan3A_72 = arith.constant 128 : i32
      %scan3A_73 = arith.addi %scan3A_71, %scan3A_72 : i32
      %scan3A_74 = arith.constant 1 : i32
      %scan3A_75 = scf.for %scan3A_109 = %scan3A_71 to %scan3A_73 step %scan3A_74 iter_args(%scan3A_110 = %scan3A_70) -> (i32)  : i32 {
        %mul3A_111 = arith.constant 16 : i32
        %mul3A_112 = arith.muli %scan3A_109, %mul3A_111 : i32
        %add3A_113 = vector.broadcast %mul3A_112 : i32 to vector<16xi32>
        %add3A_114 = arith.addi %add3A_113, %iota3A : vector<16xi32>
        %shift_right_logical3A = arith.constant 3 : i32
        %shift_right_logical3A_115 = vector.broadcast %shift_right_logical3A : i32 to vector<16xi32>
        %shift_right_logical3A_116 = arith.shrui %add3A_114, %shift_right_logical3A_115 : vector<16xi32>
        %eq3A = arith.cmpi eq, %shift_right_logical3A_116, %sub3A_69 : vector<16xi32>
        %jit3A = arith.constant 1.000000e+00 : f32
        %broadcast_in_dim3A_117 = vector.broadcast %jit3A : f32 to vector<16xf32>
        %select_n3A = arith.select %eq3A, %gather3A_68, %broadcast_in_dim3A_117 : vector<16xi1>, vector<16xf32>
        %mul3A_118 = arith.constant 16 : i32
        %mul3A_119 = arith.muli %scan3A_109, %mul3A_118 : i32
        %get3A = arith.index_cast %mul3A_119 : i32 to index
        %get3A_120 = tpu.vector_load %arg7[%get3A] {strides = array<i32>} : memref<2048xf32, #tpu.memory_space<vmem>>, vector<16xf32>,
        %mul3A_121 = arith.constant 16 : i32
        %mul3A_122 = arith.muli %scan3A_109, %mul3A_121 : i32
        %get3A_123 = arith.index_cast %mul3A_122 : i32 to index
        %get3A_124 = tpu.vector_load %arg5[%get3A_123] {strides = array<i32>} : memref<2048xf32, #tpu.memory_space<vmem>>, vector<16xf32>,
        %mul3A_125 = arith.mulf %get3A_124, %select_n3A : vector<16xf32>
        %add3A_126 = arith.addf %get3A_120, %mul3A_125 : vector<16xf32>
        %mul3A_127 = arith.constant 16 : i32
        %mul3A_128 = arith.muli %scan3A_109, %mul3A_127 : i32
        %swap3A_129 = arith.index_cast %mul3A_128 : i32 to index
        %swap3A_130 = tpu.vector_load %arg7[%swap3A_129] {strides = array<i32>} : memref<2048xf32, #tpu.memory_space<vmem>>, vector<16xf32>,
        tpu.vector_store %arg7[%swap3A_129], %add3A_126 {strides = array<i32>} : memref<2048xf32, #tpu.memory_space<vmem>>, vector<16xf32>,
        %scan3A_131 = arith.constant 0 : i32
        scf.yield %scan3A_131 : i32
      }
      %scan3A_76 = arith.constant 128 : i32
      %mul3A_77 = arith.constant 8 : i32
      %mul3A_78 = arith.muli %mul3A_2, %mul3A_77 : i32
      %dma_wait3A_79 = tpu.memref_slice %arg2[%mul3A_78] : memref<2097152xf32, #tpu.memory_space<hbm>> -> memref<2048xf32, #tpu.memory_space<hbm>>
      %dma_wait3A_80 = tpu.memref_slice %arg2[%mul3A_78] : memref<2097152xf32, #tpu.memory_space<hbm>> -> memref<2048xf32, #tpu.memory_space<hbm>>
      tpu.wait_dma2 semaphore(%arg11 : memref<!tpu.dma_semaphore, #tpu.memory_space<semaphore_mem>>) src(%dma_wait3A_80 : memref<2048xf32, #tpu.memory_space<hbm>>) dst(%arg6 : memref<2048xf32, #tpu.memory_space<vmem>>)
      %add3A_81 = arith.constant 2 : i32
      %add3A_82 = arith.addi %mul3A_45, %add3A_81 : i32
      %lt3A = arith.constant 32 : i32
      %lt3A_83 = arith.cmpi slt, %add3A_82, %lt3A : i32
      %convert_element_type3A_84 = arith.extui %lt3A_83 : i1 to i32
      %cond3A = arith.constant 0 : i32
      %cond3A_85 = arith.cmpi ne, %convert_element_type3A_84, %cond3A : i32
      scf.if %cond3A_85 {
        %add3A_109 = arith.constant 2 : i32
        %add3A_110 = arith.addi %mul3A_45, %add3A_109 : i32
        %mul3A_111 = arith.constant 8192 : i32
        %mul3A_112 = arith.muli %add3A_110, %mul3A_111 : i32
        %mul3A_113 = arith.constant 8 : i32
        %mul3A_114 = arith.muli %mul3A_112, %mul3A_113 : i32
        %mul3A_115 = arith.constant 8 : i32
        %mul3A_116 = arith.muli %mul3A_2, %mul3A_115 : i32
        %add3A_117 = arith.addi %mul3A_114, %mul3A_116 : i32
        %dma_start3A_118 = tpu.memref_slice %arg2[%add3A_117] : memref<2097152xf32, #tpu.memory_space<hbm>> -> memref<2048xf32, #tpu.memory_space<hbm>>
        %dma_start3A_119 = tpu.memref_slice %arg2[%add3A_117] : memref<2097152xf32, #tpu.memory_space<hbm>> -> memref<2048xf32, #tpu.memory_space<hbm>>
        tpu.enqueue_dma source(%dma_start3A_119 : memref<2048xf32, #tpu.memory_space<hbm>>) target(%arg5 : memref<2048xf32, #tpu.memory_space<vmem>>) target_semaphore(%arg11 : memref<!tpu.dma_semaphore, #tpu.memory_space<semaphore_mem>>)
      } else {
      }
      %add3A_86 = arith.constant 1 : i32
      %add3A_87 = arith.addi %mul3A_45, %add3A_86 : i32
      %mul3A_88 = arith.constant 16 : i32
      %mul3A_89 = arith.muli %add3A_87, %mul3A_88 : i32
      %add3A_90 = vector.broadcast %mul3A_89 : i32 to vector<16xi32>
      %add3A_91 = arith.addi %broadcast_in_dim3A_3, %add3A_90 : vector<16xi32>
      %gather3A_92 = tpu.vector_load_idx %arg8[%add3A_91] : memref<512xf32, #tpu.memory_space<vmem>>[vector<16xi32>], vector<16xf32>,
      %convert_element_type3A_93 = arith.fptosi %gather3A_92 : vector<16xf32> to vector<16xi32>
      %mul3A_94 = arith.constant 16 : i32
      %mul3A_95 = arith.muli %add3A_87, %mul3A_94 : i32
      %add3A_96 = vector.broadcast %mul3A_95 : i32 to vector<16xi32>
      %add3A_97 = arith.addi %broadcast_in_dim3A_3, %add3A_96 : vector<16xi32>
      %gather3A_98 = tpu.vector_load_idx %arg9[%add3A_97] : memref<512xf32, #tpu.memory_space<vmem>>[vector<16xi32>], vector<16xf32>,
      %sub3A_99 = vector.broadcast %mul3A_2 : i32 to vector<16xi32>
      %sub3A_100 = arith.subi %convert_element_type3A_93, %sub3A_99 : vector<16xi32>
      %scan3A_101 = arith.constant 0 : i32
      %scan3A_102 = arith.constant 0 : i32
      %scan3A_103 = arith.constant 128 : i32
      %scan3A_104 = arith.addi %scan3A_102, %scan3A_103 : i32
      %scan3A_105 = arith.constant 1 : i32
      %scan3A_106 = scf.for %scan3A_109 = %scan3A_102 to %scan3A_104 step %scan3A_105 iter_args(%scan3A_110 = %scan3A_101) -> (i32)  : i32 {
        %mul3A_111 = arith.constant 16 : i32
        %mul3A_112 = arith.muli %scan3A_109, %mul3A_111 : i32
        %add3A_113 = vector.broadcast %mul3A_112 : i32 to vector<16xi32>
        %add3A_114 = arith.addi %add3A_113, %iota3A : vector<16xi32>
        %shift_right_logical3A = arith.constant 3 : i32
        %shift_right_logical3A_115 = vector.broadcast %shift_right_logical3A : i32 to vector<16xi32>
        %shift_right_logical3A_116 = arith.shrui %add3A_114, %shift_right_logical3A_115 : vector<16xi32>
        %eq3A = arith.cmpi eq, %shift_right_logical3A_116, %sub3A_100 : vector<16xi32>
        %jit3A = arith.constant 1.000000e+00 : f32
        %broadcast_in_dim3A_117 = vector.broadcast %jit3A : f32 to vector<16xf32>
        %select_n3A = arith.select %eq3A, %gather3A_98, %broadcast_in_dim3A_117 : vector<16xi1>, vector<16xf32>
        %mul3A_118 = arith.constant 16 : i32
        %mul3A_119 = arith.muli %scan3A_109, %mul3A_118 : i32
        %get3A = arith.index_cast %mul3A_119 : i32 to index
        %get3A_120 = tpu.vector_load %arg7[%get3A] {strides = array<i32>} : memref<2048xf32, #tpu.memory_space<vmem>>, vector<16xf32>,
        %mul3A_121 = arith.constant 16 : i32
        %mul3A_122 = arith.muli %scan3A_109, %mul3A_121 : i32
        %get3A_123 = arith.index_cast %mul3A_122 : i32 to index
        %get3A_124 = tpu.vector_load %arg6[%get3A_123] {strides = array<i32>} : memref<2048xf32, #tpu.memory_space<vmem>>, vector<16xf32>,
        %mul3A_125 = arith.mulf %get3A_124, %select_n3A : vector<16xf32>
        %add3A_126 = arith.addf %get3A_120, %mul3A_125 : vector<16xf32>
        %mul3A_127 = arith.constant 16 : i32
        %mul3A_128 = arith.muli %scan3A_109, %mul3A_127 : i32
        %swap3A_129 = arith.index_cast %mul3A_128 : i32 to index
        %swap3A_130 = tpu.vector_load %arg7[%swap3A_129] {strides = array<i32>} : memref<2048xf32, #tpu.memory_space<vmem>>, vector<16xf32>,
        tpu.vector_store %arg7[%swap3A_129], %add3A_126 {strides = array<i32>} : memref<2048xf32, #tpu.memory_space<vmem>>, vector<16xf32>,
        %scan3A_131 = arith.constant 0 : i32
        scf.yield %scan3A_131 : i32
      }
      %scan3A_107 = arith.constant 128 : i32
      %scan3A_108 = arith.constant 0 : i32
      scf.yield %scan3A_108 : i32
    }
    %scan3A_32 = arith.constant 16 : i32
    %scan3A_33 = arith.constant 0 : i32
    %scan3A_34 = arith.constant 0 : i32
    %scan3A_35 = arith.constant 16 : i32
    %scan3A_36 = arith.addi %scan3A_34, %scan3A_35 : i32
    %scan3A_37 = arith.constant 1 : i32
    %scan3A_38 = scf.for %scan3A_42 = %scan3A_34 to %scan3A_36 step %scan3A_37 iter_args(%scan3A_43 = %scan3A_33) -> (i32)  : i32 {
      %mul3A_44 = arith.constant 16 : i32
      %mul3A_45 = arith.muli %scan3A_42, %mul3A_44 : i32
      %add3A_46 = vector.broadcast %mul3A_45 : i32 to vector<16xi32>
      %add3A_47 = arith.addi %add3A_46, %iota3A : vector<16xi32>
      %mul3A_48 = arith.constant 8 : i32
      %mul3A_49 = vector.broadcast %mul3A_48 : i32 to vector<16xi32>
      %mul3A_50 = arith.muli %add3A_47, %mul3A_49 : vector<16xi32>
      %gather3A = tpu.vector_load_idx %arg7[%mul3A_50] : memref<2048xf32, #tpu.memory_space<vmem>>[vector<16xi32>], vector<16xf32>,
      %mul3A_51 = arith.constant 8 : i32
      %mul3A_52 = vector.broadcast %mul3A_51 : i32 to vector<16xi32>
      %mul3A_53 = arith.muli %add3A_47, %mul3A_52 : vector<16xi32>
      %add3A_54 = arith.constant 1 : i32
      %add3A_55 = vector.broadcast %add3A_54 : i32 to vector<16xi32>
      %add3A_56 = arith.addi %mul3A_53, %add3A_55 : vector<16xi32>
      %gather3A_57 = tpu.vector_load_idx %arg7[%add3A_56] : memref<2048xf32, #tpu.memory_space<vmem>>[vector<16xi32>], vector<16xf32>,
      %mul3A_58 = arith.constant 8 : i32
      %mul3A_59 = vector.broadcast %mul3A_58 : i32 to vector<16xi32>
      %mul3A_60 = arith.muli %add3A_47, %mul3A_59 : vector<16xi32>
      %add3A_61 = arith.constant 1 : i32
      %add3A_62 = vector.broadcast %add3A_61 : i32 to vector<16xi32>
      %add3A_63 = arith.addi %mul3A_60, %add3A_62 : vector<16xi32>
      %add3A_64 = arith.constant 1.000000e-10 : f32
      %add3A_65 = vector.broadcast %add3A_64 : f32 to vector<16xf32>
      %add3A_66 = arith.addf %gather3A, %add3A_65 : vector<16xf32>
      %div3A = arith.divf %gather3A_57, %add3A_66 : vector<16xf32>
      tpu.vector_store_idx %arg7[%add3A_63], %div3A : memref<2048xf32, #tpu.memory_space<vmem>>[vector<16xi32>], vector<16xf32>,
      %scan3A_67 = arith.constant 0 : i32
      scf.yield %scan3A_67 : i32
    }
    %scan3A_39 = arith.constant 16 : i32
    %mul3A_40 = arith.constant 8 : i32
    %mul3A_41 = arith.muli %mul3A_2, %mul3A_40 : i32
    "tpu.region"() ({
      %run_scoped3A = tpu.sem_alloc : memref<!tpu.dma_semaphore, #tpu.memory_space<semaphore_mem>>
      %dma_start3A_42 = tpu.memref_slice %arg4[%mul3A_41] : memref<65536xf32, #tpu.memory_space<hbm>> -> memref<2048xf32, #tpu.memory_space<hbm>>
      %dma_start3A_43 = tpu.memref_slice %arg4[%mul3A_41] : memref<65536xf32, #tpu.memory_space<hbm>> -> memref<2048xf32, #tpu.memory_space<hbm>>
      tpu.enqueue_dma source(%arg7 : memref<2048xf32, #tpu.memory_space<vmem>>) target(%dma_start3A_43 : memref<2048xf32, #tpu.memory_space<hbm>>) target_semaphore(%run_scoped3A : memref<!tpu.dma_semaphore, #tpu.memory_space<semaphore_mem>>)
      %dma_wait3A = tpu.memref_slice %arg4[%mul3A_41] : memref<65536xf32, #tpu.memory_space<hbm>> -> memref<2048xf32, #tpu.memory_space<hbm>>
      %dma_wait3A_44 = tpu.memref_slice %arg4[%mul3A_41] : memref<65536xf32, #tpu.memory_space<hbm>> -> memref<2048xf32, #tpu.memory_space<hbm>>
      tpu.wait_dma2 semaphore(%run_scoped3A : memref<!tpu.dma_semaphore, #tpu.memory_space<semaphore_mem>>) src(%arg7 : memref<2048xf32, #tpu.memory_space<vmem>>) dst(%dma_wait3A_44 : memref<2048xf32, #tpu.memory_space<hbm>>)
      tpu.yield
    }) : () -> ()
    return
  }
}

#map = affine_map<(d0, d1) -> (0)>
module attributes {stable_mosaic.version = 14 : i64} {
  func.func @_ka_body(%arg0: i32, %arg1: i32, %arg2: memref<524288xf32, #tpu.memory_space<hbm>>, %arg3: memref<524288xf32, #tpu.memory_space<hbm>>, %arg4: memref<1572864xf32, #tpu.memory_space<hbm>>, %arg5: memref<1572864xf32, #tpu.memory_space<hbm>>, %arg6: memref<524288xi32, #tpu.memory_space<hbm>>, %arg7: memref<2097152xf32, #tpu.memory_space<hbm>>, %arg8: memref<512xf32, #tpu.memory_space<hbm>>, %arg9: memref<2048xf32, #tpu.memory_space<vmem>>, %arg10: memref<2048xf32, #tpu.memory_space<vmem>>, %arg11: memref<6144xf32, #tpu.memory_space<vmem>>, %arg12: memref<6144xf32, #tpu.memory_space<vmem>>, %arg13: memref<2048xi32, #tpu.memory_space<vmem>>, %arg14: memref<65536xf32, #tpu.memory_space<vmem>>, %arg15: memref<16xf32, #tpu.memory_space<vmem>>, %arg16: memref<16xi32, #tpu.memory_space<vmem>>, %arg17: memref<16xf32, #tpu.memory_space<vmem>>, %arg18: memref<!tpu.dma_semaphore, #tpu.memory_space<semaphore_mem>>) attributes {dimension_semantics = [#tpu.dimension_semantics<core_parallel>, #tpu.dimension_semantics<subcore_parallel>], iteration_bounds = array<i64: 2, 16>, scalar_prefetch = 0 : i64, scratch_operands = 10 : i64, tpu.core_type = #tpu.core_type<sc_vector_subcore>, window_params = [{transform_indices = #map}, {transform_indices = #map}, {transform_indices = #map}, {transform_indices = #map}, {transform_indices = #map}, {transform_indices = #map}, {transform_indices = #map}]} {
    %mul3A = arith.constant 2 : i32
    %mul3A_0 = arith.muli %arg1, %mul3A : i32
    %add3A = arith.addi %mul3A_0, %arg0 : i32
    %iota3A = tpu.iota {dimensions = array<i32: 0>} : vector<16xi32>
    %broadcast_in_dim3A = arith.constant 0.000000e+00 : f32
    %broadcast_in_dim3A_1 = vector.broadcast %broadcast_in_dim3A : f32 to vector<16xf32>
    %scan3A = arith.constant 0 : i32
    %scan3A_2 = arith.constant 0 : i32
    %scan3A_3 = arith.constant 4096 : i32
    %scan3A_4 = arith.addi %scan3A_2, %scan3A_3 : i32
    %scan3A_5 = arith.constant 1 : i32
    %scan3A_6 = scf.for %scan3A_42 = %scan3A_2 to %scan3A_4 step %scan3A_5 iter_args(%scan3A_43 = %scan3A) -> (i32)  : i32 {
      %mul3A_44 = arith.constant 16 : i32
      %mul3A_45 = arith.muli %scan3A_42, %mul3A_44 : i32
      %swap3A_46 = arith.index_cast %mul3A_45 : i32 to index
      %swap3A_47 = tpu.vector_load %arg14[%swap3A_46] {strides = array<i32>} : memref<65536xf32, #tpu.memory_space<vmem>>, vector<16xf32>,
      tpu.vector_store %arg14[%swap3A_46], %broadcast_in_dim3A_1 {strides = array<i32>} : memref<65536xf32, #tpu.memory_space<vmem>>, vector<16xf32>,
      %scan3A_48 = arith.constant 0 : i32
      scf.yield %scan3A_48 : i32
    }
    %scan3A_7 = arith.constant 4096 : i32
    %mul3A_8 = arith.constant 16384 : i32
    %mul3A_9 = arith.muli %add3A, %mul3A_8 : i32
    "tpu.region"() ({
      %run_scoped3A = tpu.sem_alloc : memref<!tpu.dma_semaphore, #tpu.memory_space<semaphore_mem>>
      %dma_start3A = tpu.memref_slice %arg6[%mul3A_9] : memref<524288xi32, #tpu.memory_space<hbm>> -> memref<16xi32, #tpu.memory_space<hbm>>
      %dma_start3A_42 = tpu.memref_slice %arg6[%mul3A_9] : memref<524288xi32, #tpu.memory_space<hbm>> -> memref<16xi32, #tpu.memory_space<hbm>>
      tpu.enqueue_dma source(%dma_start3A_42 : memref<16xi32, #tpu.memory_space<hbm>>) target(%arg16 : memref<16xi32, #tpu.memory_space<vmem>>) target_semaphore(%run_scoped3A : memref<!tpu.dma_semaphore, #tpu.memory_space<semaphore_mem>>)
      %dma_wait3A = tpu.memref_slice %arg6[%mul3A_9] : memref<524288xi32, #tpu.memory_space<hbm>> -> memref<16xi32, #tpu.memory_space<hbm>>
      %dma_wait3A_43 = tpu.memref_slice %arg6[%mul3A_9] : memref<524288xi32, #tpu.memory_space<hbm>> -> memref<16xi32, #tpu.memory_space<hbm>>
      tpu.wait_dma2 semaphore(%run_scoped3A : memref<!tpu.dma_semaphore, #tpu.memory_space<semaphore_mem>>) src(%dma_wait3A_43 : memref<16xi32, #tpu.memory_space<hbm>>) dst(%arg16 : memref<16xi32, #tpu.memory_space<vmem>>)
      tpu.yield
    }) : () -> ()
    %broadcast_in_dim3A_10 = arith.constant 0 : i32
    %broadcast_in_dim3A_11 = vector.broadcast %broadcast_in_dim3A_10 : i32 to vector<16xi32>
    %gather3A = tpu.vector_load_idx %arg16[%broadcast_in_dim3A_11] : memref<16xi32, #tpu.memory_space<vmem>>[vector<16xi32>], vector<16xi32>,
    %broadcast_in_dim3A_12 = arith.constant 1.000000e+00 : f32
    %broadcast_in_dim3A_13 = vector.broadcast %broadcast_in_dim3A_12 : f32 to vector<16xf32>
    %broadcast_in_dim3A_14 = arith.constant -1 : i32
    %broadcast_in_dim3A_15 = vector.broadcast %broadcast_in_dim3A_14 : i32 to vector<16xi32>
    %scan3A_16 = arith.constant 0 : i32
    %scan3A_17 = arith.constant 8 : i32
    %scan3A_18 = arith.addi %scan3A_16, %scan3A_17 : i32
    %scan3A_19 = arith.constant 1 : i32
    %scan3A_20:2 = scf.for %scan3A_42 = %scan3A_16 to %scan3A_18 step %scan3A_19 iter_args(%scan3A_43 = %broadcast_in_dim3A_13, %scan3A_44 = %broadcast_in_dim3A_15) -> (vector<16xf32>, vector<16xi32>)  : i32 {
      %mul3A_45 = arith.constant 16384 : i32
      %mul3A_46 = arith.muli %add3A, %mul3A_45 : i32
      %mul3A_47 = arith.constant 2048 : i32
      %mul3A_48 = arith.muli %scan3A_42, %mul3A_47 : i32
      %add3A_49 = arith.addi %mul3A_46, %mul3A_48 : i32
      %add3A_50 = arith.constant 0 : i32
      %add3A_51 = arith.addi %add3A_50, %add3A_49 : i32
      %add3A_52 = arith.constant 0 : i32
      %add3A_53 = arith.addi %add3A_52, %add3A_49 : i32
      %add3A_54 = arith.constant 524288 : i32
      %add3A_55 = arith.addi %add3A_54, %add3A_49 : i32
      %add3A_56 = arith.constant 524288 : i32
      %add3A_57 = arith.addi %add3A_56, %add3A_49 : i32
      %add3A_58 = arith.constant 1048576 : i32
      %add3A_59 = arith.addi %add3A_58, %add3A_49 : i32
      %add3A_60 = arith.constant 1048576 : i32
      %add3A_61 = arith.addi %add3A_60, %add3A_49 : i32
      %dma_start3A = tpu.memref_slice %arg2[%add3A_49] : memref<524288xf32, #tpu.memory_space<hbm>> -> memref<2048xf32, #tpu.memory_space<hbm>>
      %dma_start3A_62 = tpu.memref_slice %arg2[%add3A_49] : memref<524288xf32, #tpu.memory_space<hbm>> -> memref<2048xf32, #tpu.memory_space<hbm>>
      tpu.enqueue_dma source(%dma_start3A_62 : memref<2048xf32, #tpu.memory_space<hbm>>) target(%arg9 : memref<2048xf32, #tpu.memory_space<vmem>>) target_semaphore(%arg18 : memref<!tpu.dma_semaphore, #tpu.memory_space<semaphore_mem>>)
      %dma_start3A_63 = tpu.memref_slice %arg3[%add3A_49] : memref<524288xf32, #tpu.memory_space<hbm>> -> memref<2048xf32, #tpu.memory_space<hbm>>
      %dma_start3A_64 = tpu.memref_slice %arg3[%add3A_49] : memref<524288xf32, #tpu.memory_space<hbm>> -> memref<2048xf32, #tpu.memory_space<hbm>>
      tpu.enqueue_dma source(%dma_start3A_64 : memref<2048xf32, #tpu.memory_space<hbm>>) target(%arg10 : memref<2048xf32, #tpu.memory_space<vmem>>) target_semaphore(%arg18 : memref<!tpu.dma_semaphore, #tpu.memory_space<semaphore_mem>>)
      %dma_start3A_65 = tpu.memref_slice %arg6[%add3A_49] : memref<524288xi32, #tpu.memory_space<hbm>> -> memref<2048xi32, #tpu.memory_space<hbm>>
      %dma_start3A_66 = tpu.memref_slice %arg6[%add3A_49] : memref<524288xi32, #tpu.memory_space<hbm>> -> memref<2048xi32, #tpu.memory_space<hbm>>
      tpu.enqueue_dma source(%dma_start3A_66 : memref<2048xi32, #tpu.memory_space<hbm>>) target(%arg13 : memref<2048xi32, #tpu.memory_space<vmem>>) target_semaphore(%arg18 : memref<!tpu.dma_semaphore, #tpu.memory_space<semaphore_mem>>)
      %dma_start3A_67 = arith.constant 0 : i32
      %dma_start3A_68 = tpu.memref_slice %arg11[%dma_start3A_67] : memref<6144xf32, #tpu.memory_space<vmem>> -> memref<2048xf32, #tpu.memory_space<vmem>>
      %dma_start3A_69 = tpu.memref_slice %arg4[%add3A_51] : memref<1572864xf32, #tpu.memory_space<hbm>> -> memref<2048xf32, #tpu.memory_space<hbm>>
      %dma_start3A_70 = arith.constant 0 : i32
      %dma_start3A_71 = tpu.memref_slice %arg11[%dma_start3A_70] : memref<6144xf32, #tpu.memory_space<vmem>> -> memref<2048xf32, #tpu.memory_space<vmem>>
      %dma_start3A_72 = tpu.memref_slice %arg4[%add3A_51] : memref<1572864xf32, #tpu.memory_space<hbm>> -> memref<2048xf32, #tpu.memory_space<hbm>>
      tpu.enqueue_dma source(%dma_start3A_72 : memref<2048xf32, #tpu.memory_space<hbm>>) target(%dma_start3A_71 : memref<2048xf32, #tpu.memory_space<vmem>>) target_semaphore(%arg18 : memref<!tpu.dma_semaphore, #tpu.memory_space<semaphore_mem>>)
      %dma_start3A_73 = arith.constant 0 : i32
      %dma_start3A_74 = tpu.memref_slice %arg12[%dma_start3A_73] : memref<6144xf32, #tpu.memory_space<vmem>> -> memref<2048xf32, #tpu.memory_space<vmem>>
      %dma_start3A_75 = tpu.memref_slice %arg5[%add3A_53] : memref<1572864xf32, #tpu.memory_space<hbm>> -> memref<2048xf32, #tpu.memory_space<hbm>>
      %dma_start3A_76 = arith.constant 0 : i32
      %dma_start3A_77 = tpu.memref_slice %arg12[%dma_start3A_76] : memref<6144xf32, #tpu.memory_space<vmem>> -> memref<2048xf32, #tpu.memory_space<vmem>>
      %dma_start3A_78 = tpu.memref_slice %arg5[%add3A_53] : memref<1572864xf32, #tpu.memory_space<hbm>> -> memref<2048xf32, #tpu.memory_space<hbm>>
      tpu.enqueue_dma source(%dma_start3A_78 : memref<2048xf32, #tpu.memory_space<hbm>>) target(%dma_start3A_77 : memref<2048xf32, #tpu.memory_space<vmem>>) target_semaphore(%arg18 : memref<!tpu.dma_semaphore, #tpu.memory_space<semaphore_mem>>)
      %dma_start3A_79 = arith.constant 2048 : i32
      %dma_start3A_80 = tpu.memref_slice %arg11[%dma_start3A_79] : memref<6144xf32, #tpu.memory_space<vmem>> -> memref<2048xf32, #tpu.memory_space<vmem>>
      %dma_start3A_81 = tpu.memref_slice %arg4[%add3A_55] : memref<1572864xf32, #tpu.memory_space<hbm>> -> memref<2048xf32, #tpu.memory_space<hbm>>
      %dma_start3A_82 = arith.constant 2048 : i32
      %dma_start3A_83 = tpu.memref_slice %arg11[%dma_start3A_82] : memref<6144xf32, #tpu.memory_space<vmem>> -> memref<2048xf32, #tpu.memory_space<vmem>>
      %dma_start3A_84 = tpu.memref_slice %arg4[%add3A_55] : memref<1572864xf32, #tpu.memory_space<hbm>> -> memref<2048xf32, #tpu.memory_space<hbm>>
      tpu.enqueue_dma source(%dma_start3A_84 : memref<2048xf32, #tpu.memory_space<hbm>>) target(%dma_start3A_83 : memref<2048xf32, #tpu.memory_space<vmem>>) target_semaphore(%arg18 : memref<!tpu.dma_semaphore, #tpu.memory_space<semaphore_mem>>)
      %dma_start3A_85 = arith.constant 2048 : i32
      %dma_start3A_86 = tpu.memref_slice %arg12[%dma_start3A_85] : memref<6144xf32, #tpu.memory_space<vmem>> -> memref<2048xf32, #tpu.memory_space<vmem>>
      %dma_start3A_87 = tpu.memref_slice %arg5[%add3A_57] : memref<1572864xf32, #tpu.memory_space<hbm>> -> memref<2048xf32, #tpu.memory_space<hbm>>
      %dma_start3A_88 = arith.constant 2048 : i32
      %dma_start3A_89 = tpu.memref_slice %arg12[%dma_start3A_88] : memref<6144xf32, #tpu.memory_space<vmem>> -> memref<2048xf32, #tpu.memory_space<vmem>>
      %dma_start3A_90 = tpu.memref_slice %arg5[%add3A_57] : memref<1572864xf32, #tpu.memory_space<hbm>> -> memref<2048xf32, #tpu.memory_space<hbm>>
      tpu.enqueue_dma source(%dma_start3A_90 : memref<2048xf32, #tpu.memory_space<hbm>>) target(%dma_start3A_89 : memref<2048xf32, #tpu.memory_space<vmem>>) target_semaphore(%arg18 : memref<!tpu.dma_semaphore, #tpu.memory_space<semaphore_mem>>)
      %dma_start3A_91 = arith.constant 4096 : i32
      %dma_start3A_92 = tpu.memref_slice %arg11[%dma_start3A_91] : memref<6144xf32, #tpu.memory_space<vmem>> -> memref<2048xf32, #tpu.memory_space<vmem>>
      %dma_start3A_93 = tpu.memref_slice %arg4[%add3A_59] : memref<1572864xf32, #tpu.memory_space<hbm>> -> memref<2048xf32, #tpu.memory_space<hbm>>
      %dma_start3A_94 = arith.constant 4096 : i32
      %dma_start3A_95 = tpu.memref_slice %arg11[%dma_start3A_94] : memref<6144xf32, #tpu.memory_space<vmem>> -> memref<2048xf32, #tpu.memory_space<vmem>>
      %dma_start3A_96 = tpu.memref_slice %arg4[%add3A_59] : memref<1572864xf32, #tpu.memory_space<hbm>> -> memref<2048xf32, #tpu.memory_space<hbm>>
      tpu.enqueue_dma source(%dma_start3A_96 : memref<2048xf32, #tpu.memory_space<hbm>>) target(%dma_start3A_95 : memref<2048xf32, #tpu.memory_space<vmem>>) target_semaphore(%arg18 : memref<!tpu.dma_semaphore, #tpu.memory_space<semaphore_mem>>)
      %dma_start3A_97 = arith.constant 4096 : i32
      %dma_start3A_98 = tpu.memref_slice %arg12[%dma_start3A_97] : memref<6144xf32, #tpu.memory_space<vmem>> -> memref<2048xf32, #tpu.memory_space<vmem>>
      %dma_start3A_99 = tpu.memref_slice %arg5[%add3A_61] : memref<1572864xf32, #tpu.memory_space<hbm>> -> memref<2048xf32, #tpu.memory_space<hbm>>
      %dma_start3A_100 = arith.constant 4096 : i32
      %dma_start3A_101 = tpu.memref_slice %arg12[%dma_start3A_100] : memref<6144xf32, #tpu.memory_space<vmem>> -> memref<2048xf32, #tpu.memory_space<vmem>>
      %dma_start3A_102 = tpu.memref_slice %arg5[%add3A_61] : memref<1572864xf32, #tpu.memory_space<hbm>> -> memref<2048xf32, #tpu.memory_space<hbm>>
      tpu.enqueue_dma source(%dma_start3A_102 : memref<2048xf32, #tpu.memory_space<hbm>>) target(%dma_start3A_101 : memref<2048xf32, #tpu.memory_space<vmem>>) target_semaphore(%arg18 : memref<!tpu.dma_semaphore, #tpu.memory_space<semaphore_mem>>)
      %dma_wait3A = tpu.memref_slice %arg2[%add3A_49] : memref<524288xf32, #tpu.memory_space<hbm>> -> memref<2048xf32, #tpu.memory_space<hbm>>
      %dma_wait3A_103 = tpu.memref_slice %arg2[%add3A_49] : memref<524288xf32, #tpu.memory_space<hbm>> -> memref<2048xf32, #tpu.memory_space<hbm>>
      tpu.wait_dma2 semaphore(%arg18 : memref<!tpu.dma_semaphore, #tpu.memory_space<semaphore_mem>>) src(%dma_wait3A_103 : memref<2048xf32, #tpu.memory_space<hbm>>) dst(%arg9 : memref<2048xf32, #tpu.memory_space<vmem>>)
      %dma_wait3A_104 = tpu.memref_slice %arg3[%add3A_49] : memref<524288xf32, #tpu.memory_space<hbm>> -> memref<2048xf32, #tpu.memory_space<hbm>>
      %dma_wait3A_105 = tpu.memref_slice %arg3[%add3A_49] : memref<524288xf32, #tpu.memory_space<hbm>> -> memref<2048xf32, #tpu.memory_space<hbm>>
      tpu.wait_dma2 semaphore(%arg18 : memref<!tpu.dma_semaphore, #tpu.memory_space<semaphore_mem>>) src(%dma_wait3A_105 : memref<2048xf32, #tpu.memory_space<hbm>>) dst(%arg10 : memref<2048xf32, #tpu.memory_space<vmem>>)
      %dma_wait3A_106 = tpu.memref_slice %arg6[%add3A_49] : memref<524288xi32, #tpu.memory_space<hbm>> -> memref<2048xi32, #tpu.memory_space<hbm>>
      %dma_wait3A_107 = tpu.memref_slice %arg6[%add3A_49] : memref<524288xi32, #tpu.memory_space<hbm>> -> memref<2048xi32, #tpu.memory_space<hbm>>
      tpu.wait_dma2 semaphore(%arg18 : memref<!tpu.dma_semaphore, #tpu.memory_space<semaphore_mem>>) src(%dma_wait3A_107 : memref<2048xi32, #tpu.memory_space<hbm>>) dst(%arg13 : memref<2048xi32, #tpu.memory_space<vmem>>)
      %dma_wait3A_108 = arith.constant 0 : i32
      %dma_wait3A_109 = tpu.memref_slice %arg11[%dma_wait3A_108] : memref<6144xf32, #tpu.memory_space<vmem>> -> memref<2048xf32, #tpu.memory_space<vmem>>
      %dma_wait3A_110 = tpu.memref_slice %arg4[%add3A_51] : memref<1572864xf32, #tpu.memory_space<hbm>> -> memref<2048xf32, #tpu.memory_space<hbm>>
      %dma_wait3A_111 = arith.constant 0 : i32
      %dma_wait3A_112 = tpu.memref_slice %arg11[%dma_wait3A_111] : memref<6144xf32, #tpu.memory_space<vmem>> -> memref<2048xf32, #tpu.memory_space<vmem>>
      %dma_wait3A_113 = tpu.memref_slice %arg4[%add3A_51] : memref<1572864xf32, #tpu.memory_space<hbm>> -> memref<2048xf32, #tpu.memory_space<hbm>>
      tpu.wait_dma2 semaphore(%arg18 : memref<!tpu.dma_semaphore, #tpu.memory_space<semaphore_mem>>) src(%dma_wait3A_113 : memref<2048xf32, #tpu.memory_space<hbm>>) dst(%dma_wait3A_112 : memref<2048xf32, #tpu.memory_space<vmem>>)
      %dma_wait3A_114 = arith.constant 0 : i32
      %dma_wait3A_115 = tpu.memref_slice %arg12[%dma_wait3A_114] : memref<6144xf32, #tpu.memory_space<vmem>> -> memref<2048xf32, #tpu.memory_space<vmem>>
      %dma_wait3A_116 = tpu.memref_slice %arg5[%add3A_53] : memref<1572864xf32, #tpu.memory_space<hbm>> -> memref<2048xf32, #tpu.memory_space<hbm>>
      %dma_wait3A_117 = arith.constant 0 : i32
      %dma_wait3A_118 = tpu.memref_slice %arg12[%dma_wait3A_117] : memref<6144xf32, #tpu.memory_space<vmem>> -> memref<2048xf32, #tpu.memory_space<vmem>>
      %dma_wait3A_119 = tpu.memref_slice %arg5[%add3A_53] : memref<1572864xf32, #tpu.memory_space<hbm>> -> memref<2048xf32, #tpu.memory_space<hbm>>
      tpu.wait_dma2 semaphore(%arg18 : memref<!tpu.dma_semaphore, #tpu.memory_space<semaphore_mem>>) src(%dma_wait3A_119 : memref<2048xf32, #tpu.memory_space<hbm>>) dst(%dma_wait3A_118 : memref<2048xf32, #tpu.memory_space<vmem>>)
      %dma_wait3A_120 = arith.constant 2048 : i32
      %dma_wait3A_121 = tpu.memref_slice %arg11[%dma_wait3A_120] : memref<6144xf32, #tpu.memory_space<vmem>> -> memref<2048xf32, #tpu.memory_space<vmem>>
      %dma_wait3A_122 = tpu.memref_slice %arg4[%add3A_55] : memref<1572864xf32, #tpu.memory_space<hbm>> -> memref<2048xf32, #tpu.memory_space<hbm>>
      %dma_wait3A_123 = arith.constant 2048 : i32
      %dma_wait3A_124 = tpu.memref_slice %arg11[%dma_wait3A_123] : memref<6144xf32, #tpu.memory_space<vmem>> -> memref<2048xf32, #tpu.memory_space<vmem>>
      %dma_wait3A_125 = tpu.memref_slice %arg4[%add3A_55] : memref<1572864xf32, #tpu.memory_space<hbm>> -> memref<2048xf32, #tpu.memory_space<hbm>>
      tpu.wait_dma2 semaphore(%arg18 : memref<!tpu.dma_semaphore, #tpu.memory_space<semaphore_mem>>) src(%dma_wait3A_125 : memref<2048xf32, #tpu.memory_space<hbm>>) dst(%dma_wait3A_124 : memref<2048xf32, #tpu.memory_space<vmem>>)
      %dma_wait3A_126 = arith.constant 2048 : i32
      %dma_wait3A_127 = tpu.memref_slice %arg12[%dma_wait3A_126] : memref<6144xf32, #tpu.memory_space<vmem>> -> memref<2048xf32, #tpu.memory_space<vmem>>
      %dma_wait3A_128 = tpu.memref_slice %arg5[%add3A_57] : memref<1572864xf32, #tpu.memory_space<hbm>> -> memref<2048xf32, #tpu.memory_space<hbm>>
      %dma_wait3A_129 = arith.constant 2048 : i32
      %dma_wait3A_130 = tpu.memref_slice %arg12[%dma_wait3A_129] : memref<6144xf32, #tpu.memory_space<vmem>> -> memref<2048xf32, #tpu.memory_space<vmem>>
      %dma_wait3A_131 = tpu.memref_slice %arg5[%add3A_57] : memref<1572864xf32, #tpu.memory_space<hbm>> -> memref<2048xf32, #tpu.memory_space<hbm>>
      tpu.wait_dma2 semaphore(%arg18 : memref<!tpu.dma_semaphore, #tpu.memory_space<semaphore_mem>>) src(%dma_wait3A_131 : memref<2048xf32, #tpu.memory_space<hbm>>) dst(%dma_wait3A_130 : memref<2048xf32, #tpu.memory_space<vmem>>)
      %dma_wait3A_132 = arith.constant 4096 : i32
      %dma_wait3A_133 = tpu.memref_slice %arg11[%dma_wait3A_132] : memref<6144xf32, #tpu.memory_space<vmem>> -> memref<2048xf32, #tpu.memory_space<vmem>>
      %dma_wait3A_134 = tpu.memref_slice %arg4[%add3A_59] : memref<1572864xf32, #tpu.memory_space<hbm>> -> memref<2048xf32, #tpu.memory_space<hbm>>
      %dma_wait3A_135 = arith.constant 4096 : i32
      %dma_wait3A_136 = tpu.memref_slice %arg11[%dma_wait3A_135] : memref<6144xf32, #tpu.memory_space<vmem>> -> memref<2048xf32, #tpu.memory_space<vmem>>
      %dma_wait3A_137 = tpu.memref_slice %arg4[%add3A_59] : memref<1572864xf32, #tpu.memory_space<hbm>> -> memref<2048xf32, #tpu.memory_space<hbm>>
      tpu.wait_dma2 semaphore(%arg18 : memref<!tpu.dma_semaphore, #tpu.memory_space<semaphore_mem>>) src(%dma_wait3A_137 : memref<2048xf32, #tpu.memory_space<hbm>>) dst(%dma_wait3A_136 : memref<2048xf32, #tpu.memory_space<vmem>>)
      %dma_wait3A_138 = arith.constant 4096 : i32
      %dma_wait3A_139 = tpu.memref_slice %arg12[%dma_wait3A_138] : memref<6144xf32, #tpu.memory_space<vmem>> -> memref<2048xf32, #tpu.memory_space<vmem>>
      %dma_wait3A_140 = tpu.memref_slice %arg5[%add3A_61] : memref<1572864xf32, #tpu.memory_space<hbm>> -> memref<2048xf32, #tpu.memory_space<hbm>>
      %dma_wait3A_141 = arith.constant 4096 : i32
      %dma_wait3A_142 = tpu.memref_slice %arg12[%dma_wait3A_141] : memref<6144xf32, #tpu.memory_space<vmem>> -> memref<2048xf32, #tpu.memory_space<vmem>>
      %dma_wait3A_143 = tpu.memref_slice %arg5[%add3A_61] : memref<1572864xf32, #tpu.memory_space<hbm>> -> memref<2048xf32, #tpu.memory_space<hbm>>
      tpu.wait_dma2 semaphore(%arg18 : memref<!tpu.dma_semaphore, #tpu.memory_space<semaphore_mem>>) src(%dma_wait3A_143 : memref<2048xf32, #tpu.memory_space<hbm>>) dst(%dma_wait3A_142 : memref<2048xf32, #tpu.memory_space<vmem>>)
      %scan3A_144 = arith.constant 0 : i32
      %scan3A_145 = arith.constant 128 : i32
      %scan3A_146 = arith.addi %scan3A_144, %scan3A_145 : i32
      %scan3A_147 = arith.constant 1 : i32
      %scan3A_148:2 = scf.for %scan3A_150 = %scan3A_144 to %scan3A_146 step %scan3A_147 iter_args(%scan3A_151 = %scan3A_43, %scan3A_152 = %scan3A_44) -> (vector<16xf32>, vector<16xi32>)  : i32 {
        %mul3A_153 = arith.constant 16 : i32
        %mul3A_154 = arith.muli %scan3A_150, %mul3A_153 : i32
        %get3A = arith.index_cast %mul3A_154 : i32 to index
        %get3A_155 = tpu.vector_load %arg9[%get3A] {strides = array<i32>} : memref<2048xf32, #tpu.memory_space<vmem>>, vector<16xf32>,
        %get3A_156 = arith.index_cast %mul3A_154 : i32 to index
        %get3A_157 = tpu.vector_load %arg13[%get3A_156] {strides = array<i32>} : memref<2048xi32, #tpu.memory_space<vmem>>, vector<16xi32>,
        %swap3A_158 = arith.constant 0 : index
        %swap3A_159 = tpu.vector_load %arg16[%swap3A_158] {strides = array<i32>} : memref<16xi32, #tpu.memory_space<vmem>>, vector<16xi32>,
        tpu.vector_store %arg16[%swap3A_158], %get3A_157 {strides = array<i32>} : memref<16xi32, #tpu.memory_space<vmem>>, vector<16xi32>,
        %sub3A = arith.constant 1 : i32
        %sub3A_160 = vector.broadcast %sub3A : i32 to vector<16xi32>
        %sub3A_161 = arith.subi %iota3A, %sub3A_160 : vector<16xi32>
        %max3A = arith.constant 0 : i32
        %max3A_162 = vector.broadcast %max3A : i32 to vector<16xi32>
        %max3A_163 = arith.maxsi %sub3A_161, %max3A_162 : vector<16xi32>
        %gather3A_164 = tpu.vector_load_idx %arg16[%max3A_163] : memref<16xi32, #tpu.memory_space<vmem>>[vector<16xi32>], vector<16xi32>,
        %add3A_165 = arith.constant 1 : i32
        %add3A_166 = vector.broadcast %add3A_165 : i32 to vector<16xi32>
        %add3A_167 = arith.addi %iota3A, %add3A_166 : vector<16xi32>
        %min3A = arith.constant 15 : i32
        %min3A_168 = vector.broadcast %min3A : i32 to vector<16xi32>
        %min3A_169 = arith.minsi %add3A_167, %min3A_168 : vector<16xi32>
        %gather3A_170 = tpu.vector_load_idx %arg16[%min3A_169] : memref<16xi32, #tpu.memory_space<vmem>>[vector<16xi32>], vector<16xi32>,
        %eq3A_171 = arith.constant 0 : i32
        %eq3A_172 = vector.broadcast %eq3A_171 : i32 to vector<16xi32>
        %eq3A_173 = arith.cmpi eq, %iota3A, %eq3A_172 : vector<16xi32>
        %ne3A = arith.cmpi ne, %get3A_157, %gather3A_164 : vector<16xi32>
        %or3A = arith.ori %eq3A_173, %ne3A : vector<16xi1>
        %eq3A_174 = arith.constant 15 : i32
        %eq3A_175 = vector.broadcast %eq3A_174 : i32 to vector<16xi32>
        %eq3A_176 = arith.cmpi eq, %iota3A, %eq3A_175 : vector<16xi32>
        %ne3A_177 = arith.cmpi ne, %get3A_157, %gather3A_170 : vector<16xi32>
        %or3A_178 = arith.ori %eq3A_176, %ne3A_177 : vector<16xi1>
        %sub3A_179 = arith.constant 1.000000e+00 : f32
        %sub3A_180 = vector.broadcast %sub3A_179 : f32 to vector<16xf32>
        %sub3A_181 = arith.subf %sub3A_180, %get3A_155 : vector<16xf32>
        %add3A_182 = arith.constant 1.000000e-10 : f32
        %add3A_183 = vector.broadcast %add3A_182 : f32 to vector<16xf32>
        %add3A_184 = arith.addf %sub3A_181, %add3A_183 : vector<16xf32>
        %sub3A_185 = arith.constant 1 : i32
        %sub3A_186 = vector.broadcast %sub3A_185 : i32 to vector<16xi32>
        %sub3A_187 = arith.subi %iota3A, %sub3A_186 : vector<16xi32>
        %max3A_188 = arith.constant 0 : i32
        %max3A_189 = vector.broadcast %max3A_188 : i32 to vector<16xi32>
        %max3A_190 = arith.maxsi %sub3A_187, %max3A_189 : vector<16xi32>
        %swap3A_191 = arith.constant 0 : index
        %swap3A_192 = tpu.vector_load %arg15[%swap3A_191] {strides = array<i32>} : memref<16xf32, #tpu.memory_space<vmem>>, vector<16xf32>,
        tpu.vector_store %arg15[%swap3A_191], %add3A_184 {strides = array<i32>} : memref<16xf32, #tpu.memory_space<vmem>>, vector<16xf32>,
        %gather3A_193 = tpu.vector_load_idx %arg15[%max3A_190] : memref<16xf32, #tpu.memory_space<vmem>>[vector<16xi32>], vector<16xf32>,
        %gather3A_194 = tpu.vector_load_idx %arg16[%max3A_190] : memref<16xi32, #tpu.memory_space<vmem>>[vector<16xi32>], vector<16xi32>,
        %ge3A = arith.constant 1 : i32
        %ge3A_195 = vector.broadcast %ge3A : i32 to vector<16xi32>
        %ge3A_196 = arith.cmpi sge, %iota3A, %ge3A_195 : vector<16xi32>
        %eq3A_197 = arith.cmpi eq, %gather3A_194, %get3A_157 : vector<16xi32>
        %and3A = arith.andi %ge3A_196, %eq3A_197 : vector<16xi1>
        %jit3A_198 = arith.constant 1.000000e+00 : f32
        %broadcast_in_dim3A_199 = vector.broadcast %jit3A_198 : f32 to vector<16xf32>
        %select_n3A_200 = arith.select %and3A, %gather3A_193, %broadcast_in_dim3A_199 : vector<16xi1>, vector<16xf32>
        %mul3A_201 = arith.mulf %add3A_184, %select_n3A_200 : vector<16xf32>
        %sub3A_202 = arith.constant 2 : i32
        %sub3A_203 = vector.broadcast %sub3A_202 : i32 to vector<16xi32>
        %sub3A_204 = arith.subi %iota3A, %sub3A_203 : vector<16xi32>
        %max3A_205 = arith.constant 0 : i32
        %max3A_206 = vector.broadcast %max3A_205 : i32 to vector<16xi32>
        %max3A_207 = arith.maxsi %sub3A_204, %max3A_206 : vector<16xi32>
        %swap3A_208 = arith.constant 0 : index
        %swap3A_209 = tpu.vector_load %arg15[%swap3A_208] {strides = array<i32>} : memref<16xf32, #tpu.memory_space<vmem>>, vector<16xf32>,
        tpu.vector_store %arg15[%swap3A_208], %mul3A_201 {strides = array<i32>} : memref<16xf32, #tpu.memory_space<vmem>>, vector<16xf32>,
        %gather3A_210 = tpu.vector_load_idx %arg15[%max3A_207] : memref<16xf32, #tpu.memory_space<vmem>>[vector<16xi32>], vector<16xf32>,
        %gather3A_211 = tpu.vector_load_idx %arg16[%max3A_207] : memref<16xi32, #tpu.memory_space<vmem>>[vector<16xi32>], vector<16xi32>,
        %ge3A_212 = arith.constant 2 : i32
        %ge3A_213 = vector.broadcast %ge3A_212 : i32 to vector<16xi32>
        %ge3A_214 = arith.cmpi sge, %iota3A, %ge3A_213 : vector<16xi32>
        %eq3A_215 = arith.cmpi eq, %gather3A_211, %get3A_157 : vector<16xi32>
        %and3A_216 = arith.andi %ge3A_214, %eq3A_215 : vector<16xi1>
        %jit3A_217 = arith.constant 1.000000e+00 : f32
        %broadcast_in_dim3A_218 = vector.broadcast %jit3A_217 : f32 to vector<16xf32>
        %select_n3A_219 = arith.select %and3A_216, %gather3A_210, %broadcast_in_dim3A_218 : vector<16xi1>, vector<16xf32>
        %mul3A_220 = arith.mulf %mul3A_201, %select_n3A_219 : vector<16xf32>
        %sub3A_221 = arith.constant 4 : i32
        %sub3A_222 = vector.broadcast %sub3A_221 : i32 to vector<16xi32>
        %sub3A_223 = arith.subi %iota3A, %sub3A_222 : vector<16xi32>
        %max3A_224 = arith.constant 0 : i32
        %max3A_225 = vector.broadcast %max3A_224 : i32 to vector<16xi32>
        %max3A_226 = arith.maxsi %sub3A_223, %max3A_225 : vector<16xi32>
        %swap3A_227 = arith.constant 0 : index
        %swap3A_228 = tpu.vector_load %arg15[%swap3A_227] {strides = array<i32>} : memref<16xf32, #tpu.memory_space<vmem>>, vector<16xf32>,
        tpu.vector_store %arg15[%swap3A_227], %mul3A_220 {strides = array<i32>} : memref<16xf32, #tpu.memory_space<vmem>>, vector<16xf32>,
        %gather3A_229 = tpu.vector_load_idx %arg15[%max3A_226] : memref<16xf32, #tpu.memory_space<vmem>>[vector<16xi32>], vector<16xf32>,
        %gather3A_230 = tpu.vector_load_idx %arg16[%max3A_226] : memref<16xi32, #tpu.memory_space<vmem>>[vector<16xi32>], vector<16xi32>,
        %ge3A_231 = arith.constant 4 : i32
        %ge3A_232 = vector.broadcast %ge3A_231 : i32 to vector<16xi32>
        %ge3A_233 = arith.cmpi sge, %iota3A, %ge3A_232 : vector<16xi32>
        %eq3A_234 = arith.cmpi eq, %gather3A_230, %get3A_157 : vector<16xi32>
        %and3A_235 = arith.andi %ge3A_233, %eq3A_234 : vector<16xi1>
        %jit3A_236 = arith.constant 1.000000e+00 : f32
        %broadcast_in_dim3A_237 = vector.broadcast %jit3A_236 : f32 to vector<16xf32>
        %select_n3A_238 = arith.select %and3A_235, %gather3A_229, %broadcast_in_dim3A_237 : vector<16xi1>, vector<16xf32>
        %mul3A_239 = arith.mulf %mul3A_220, %select_n3A_238 : vector<16xf32>
        %sub3A_240 = arith.constant 8 : i32
        %sub3A_241 = vector.broadcast %sub3A_240 : i32 to vector<16xi32>
        %sub3A_242 = arith.subi %iota3A, %sub3A_241 : vector<16xi32>
        %max3A_243 = arith.constant 0 : i32
        %max3A_244 = vector.broadcast %max3A_243 : i32 to vector<16xi32>
        %max3A_245 = arith.maxsi %sub3A_242, %max3A_244 : vector<16xi32>
        %swap3A_246 = arith.constant 0 : index
        %swap3A_247 = tpu.vector_load %arg15[%swap3A_246] {strides = array<i32>} : memref<16xf32, #tpu.memory_space<vmem>>, vector<16xf32>,
        tpu.vector_store %arg15[%swap3A_246], %mul3A_239 {strides = array<i32>} : memref<16xf32, #tpu.memory_space<vmem>>, vector<16xf32>,
        %gather3A_248 = tpu.vector_load_idx %arg15[%max3A_245] : memref<16xf32, #tpu.memory_space<vmem>>[vector<16xi32>], vector<16xf32>,
        %gather3A_249 = tpu.vector_load_idx %arg16[%max3A_245] : memref<16xi32, #tpu.memory_space<vmem>>[vector<16xi32>], vector<16xi32>,
        %ge3A_250 = arith.constant 8 : i32
        %ge3A_251 = vector.broadcast %ge3A_250 : i32 to vector<16xi32>
        %ge3A_252 = arith.cmpi sge, %iota3A, %ge3A_251 : vector<16xi32>
        %eq3A_253 = arith.cmpi eq, %gather3A_249, %get3A_157 : vector<16xi32>
        %and3A_254 = arith.andi %ge3A_252, %eq3A_253 : vector<16xi1>
        %jit3A_255 = arith.constant 1.000000e+00 : f32
        %broadcast_in_dim3A_256 = vector.broadcast %jit3A_255 : f32 to vector<16xf32>
        %select_n3A_257 = arith.select %and3A_254, %gather3A_248, %broadcast_in_dim3A_256 : vector<16xi1>, vector<16xf32>
        %mul3A_258 = arith.mulf %mul3A_239, %select_n3A_257 : vector<16xf32>
        %div3A = arith.divf %mul3A_258, %add3A_184 : vector<16xf32>
        %eq3A_259 = arith.cmpi eq, %get3A_157, %scan3A_152 : vector<16xi32>
        %jit3A_260 = arith.constant 1.000000e+00 : f32
        %broadcast_in_dim3A_261 = vector.broadcast %jit3A_260 : f32 to vector<16xf32>
        %select_n3A_262 = arith.select %eq3A_259, %scan3A_151, %broadcast_in_dim3A_261 : vector<16xi1>, vector<16xf32>
        %mul3A_263 = arith.mulf %div3A, %select_n3A_262 : vector<16xf32>
        %mul3A_264 = arith.mulf %get3A_155, %mul3A_263 : vector<16xf32>
        %mul3A_265 = arith.mulf %mul3A_263, %add3A_184 : vector<16xf32>
        %broadcast_in_dim3A_266 = arith.constant 15 : i32
        %broadcast_in_dim3A_267 = vector.broadcast %broadcast_in_dim3A_266 : i32 to vector<16xi32>
        %swap3A_268 = arith.constant 0 : index
        %swap3A_269 = tpu.vector_load %arg15[%swap3A_268] {strides = array<i32>} : memref<16xf32, #tpu.memory_space<vmem>>, vector<16xf32>,
        tpu.vector_store %arg15[%swap3A_268], %mul3A_265 {strides = array<i32>} : memref<16xf32, #tpu.memory_space<vmem>>, vector<16xf32>,
        %gather3A_270 = tpu.vector_load_idx %arg15[%broadcast_in_dim3A_267] : memref<16xf32, #tpu.memory_space<vmem>>[vector<16xi32>], vector<16xf32>,
        %broadcast_in_dim3A_271 = arith.constant 15 : i32
        %broadcast_in_dim3A_272 = vector.broadcast %broadcast_in_dim3A_271 : i32 to vector<16xi32>
        %swap3A_273 = arith.constant 0 : index
        %swap3A_274 = tpu.vector_load %arg16[%swap3A_273] {strides = array<i32>} : memref<16xi32, #tpu.memory_space<vmem>>, vector<16xi32>,
        tpu.vector_store %arg16[%swap3A_273], %get3A_157 {strides = array<i32>} : memref<16xi32, #tpu.memory_space<vmem>>, vector<16xi32>,
        %gather3A_275 = tpu.vector_load_idx %arg16[%broadcast_in_dim3A_272] : memref<16xi32, #tpu.memory_space<vmem>>[vector<16xi32>], vector<16xi32>,
        %get3A_276 = arith.index_cast %mul3A_154 : i32 to index
        %get3A_277 = tpu.vector_load %arg10[%get3A_276] {strides = array<i32>} : memref<2048xf32, #tpu.memory_space<vmem>>, vector<16xf32>,
        %get3A_278 = arith.index_cast %mul3A_154 : i32 to index
        %get3A_279 = tpu.vector_load %arg12[%get3A_278] {strides = array<i32>} : memref<6144xf32, #tpu.memory_space<vmem>>, vector<16xf32>,
        %jit3A_280 = arith.constant -1.000000e+00 : f32
        %jit3A_281 = arith.constant 1.000000e+00 : f32
        %max3A_282 = vector.broadcast %jit3A_280 : f32 to vector<16xf32>
        %max3A_283 = arith.maximumf %max3A_282, %get3A_279 : vector<16xf32>
        %min3A_284 = vector.broadcast %jit3A_281 : f32 to vector<16xf32>
        %min3A_285 = arith.minimumf %min3A_284, %max3A_283 : vector<16xf32>
        %add3A_286 = arith.constant 2048 : i32
        %add3A_287 = arith.addi %add3A_286, %mul3A_154 : i32
        %get3A_288 = arith.index_cast %add3A_287 : i32 to index
        %get3A_289 = tpu.vector_load %arg12[%get3A_288] {strides = array<i32>} : memref<6144xf32, #tpu.memory_space<vmem>>, vector<16xf32>,
        %jit3A_290 = arith.constant -1.000000e+00 : f32
        %jit3A_291 = arith.constant 1.000000e+00 : f32
        %max3A_292 = vector.broadcast %jit3A_290 : f32 to vector<16xf32>
        %max3A_293 = arith.maximumf %max3A_292, %get3A_289 : vector<16xf32>
        %min3A_294 = vector.broadcast %jit3A_291 : f32 to vector<16xf32>
        %min3A_295 = arith.minimumf %min3A_294, %max3A_293 : vector<16xf32>
        %add3A_296 = arith.constant 4096 : i32
        %add3A_297 = arith.addi %add3A_296, %mul3A_154 : i32
        %get3A_298 = arith.index_cast %add3A_297 : i32 to index
        %get3A_299 = tpu.vector_load %arg12[%get3A_298] {strides = array<i32>} : memref<6144xf32, #tpu.memory_space<vmem>>, vector<16xf32>,
        %jit3A_300 = arith.constant -1.000000e+00 : f32
        %jit3A_301 = arith.constant 1.000000e+00 : f32
        %max3A_302 = vector.broadcast %jit3A_300 : f32 to vector<16xf32>
        %max3A_303 = arith.maximumf %max3A_302, %get3A_299 : vector<16xf32>
        %min3A_304 = vector.broadcast %jit3A_301 : f32 to vector<16xf32>
        %min3A_305 = arith.minimumf %min3A_304, %max3A_303 : vector<16xf32>
        %mul3A_306 = arith.mulf %min3A_285, %min3A_285 : vector<16xf32>
        %mul3A_307 = arith.mulf %min3A_295, %min3A_295 : vector<16xf32>
        %add3A_308 = arith.addf %mul3A_306, %mul3A_307 : vector<16xf32>
        %mul3A_309 = arith.mulf %min3A_305, %min3A_305 : vector<16xf32>
        %add3A_310 = arith.addf %add3A_308, %mul3A_309 : vector<16xf32>
        %bitcast3A = vector.bitcast %add3A_310 : vector<16xf32> to vector<16xi32>
        %shift_right_logical3A = arith.constant 1 : i32
        %shift_right_logical3A_311 = vector.broadcast %shift_right_logical3A : i32 to vector<16xi32>
        %shift_right_logical3A_312 = arith.shrui %bitcast3A, %shift_right_logical3A_311 : vector<16xi32>
        %sub3A_313 = arith.constant 1597463007 : i32
        %sub3A_314 = vector.broadcast %sub3A_313 : i32 to vector<16xi32>
        %sub3A_315 = arith.subi %sub3A_314, %shift_right_logical3A_312 : vector<16xi32>
        %bitcast3A_316 = vector.bitcast %sub3A_315 : vector<16xi32> to vector<16xf32>
        %mul3A_317 = arith.constant 5.000000e-01 : f32
        %mul3A_318 = vector.broadcast %mul3A_317 : f32 to vector<16xf32>
        %mul3A_319 = arith.mulf %mul3A_318, %add3A_310 : vector<16xf32>
        %mul3A_320 = arith.mulf %mul3A_319, %bitcast3A_316 : vector<16xf32>
        %mul3A_321 = arith.mulf %mul3A_320, %bitcast3A_316 : vector<16xf32>
        %sub3A_322 = arith.constant 1.500000e+00 : f32
        %sub3A_323 = vector.broadcast %sub3A_322 : f32 to vector<16xf32>
        %sub3A_324 = arith.subf %sub3A_323, %mul3A_321 : vector<16xf32>
        %mul3A_325 = arith.mulf %bitcast3A_316, %sub3A_324 : vector<16xf32>
        %mul3A_326 = arith.constant 5.000000e-01 : f32
        %mul3A_327 = vector.broadcast %mul3A_326 : f32 to vector<16xf32>
        %mul3A_328 = arith.mulf %mul3A_327, %add3A_310 : vector<16xf32>
        %mul3A_329 = arith.mulf %mul3A_328, %mul3A_325 : vector<16xf32>
        %mul3A_330 = arith.mulf %mul3A_329, %mul3A_325 : vector<16xf32>
        %sub3A_331 = arith.constant 1.500000e+00 : f32
        %sub3A_332 = vector.broadcast %sub3A_331 : f32 to vector<16xf32>
        %sub3A_333 = arith.subf %sub3A_332, %mul3A_330 : vector<16xf32>
        %mul3A_334 = arith.mulf %mul3A_325, %sub3A_333 : vector<16xf32>
        %mul3A_335 = arith.constant 5.000000e-01 : f32
        %mul3A_336 = vector.broadcast %mul3A_335 : f32 to vector<16xf32>
        %mul3A_337 = arith.mulf %mul3A_336, %add3A_310 : vector<16xf32>
        %mul3A_338 = arith.mulf %mul3A_337, %mul3A_334 : vector<16xf32>
        %mul3A_339 = arith.mulf %mul3A_338, %mul3A_334 : vector<16xf32>
        %sub3A_340 = arith.constant 1.500000e+00 : f32
        %sub3A_341 = vector.broadcast %sub3A_340 : f32 to vector<16xf32>
        %sub3A_342 = arith.subf %sub3A_341, %mul3A_339 : vector<16xf32>
        %mul3A_343 = arith.mulf %mul3A_334, %sub3A_342 : vector<16xf32>
        %min3A_344 = arith.constant 9.99999995E+11 : f32
        %min3A_345 = vector.broadcast %min3A_344 : f32 to vector<16xf32>
        %min3A_346 = arith.minimumf %mul3A_343, %min3A_345 : vector<16xf32>
        %mul3A_347 = arith.mulf %mul3A_264, %get3A_277 : vector<16xf32>
        %get3A_348 = arith.index_cast %mul3A_154 : i32 to index
        %get3A_349 = tpu.vector_load %arg11[%get3A_348] {strides = array<i32>} : memref<6144xf32, #tpu.memory_space<vmem>>, vector<16xf32>,
        %mul3A_350 = arith.mulf %mul3A_264, %get3A_349 : vector<16xf32>
        %add3A_351 = arith.constant 2048 : i32
        %add3A_352 = arith.addi %add3A_351, %mul3A_154 : i32
        %get3A_353 = arith.index_cast %add3A_352 : i32 to index
        %get3A_354 = tpu.vector_load %arg11[%get3A_353] {strides = array<i32>} : memref<6144xf32, #tpu.memory_space<vmem>>, vector<16xf32>,
        %mul3A_355 = arith.mulf %mul3A_264, %get3A_354 : vector<16xf32>
        %add3A_356 = arith.constant 4096 : i32
        %add3A_357 = arith.addi %add3A_356, %mul3A_154 : i32
        %get3A_358 = arith.index_cast %add3A_357 : i32 to index
        %get3A_359 = tpu.vector_load %arg11[%get3A_358] {strides = array<i32>} : memref<6144xf32, #tpu.memory_space<vmem>>, vector<16xf32>,
        %mul3A_360 = arith.mulf %mul3A_264, %get3A_359 : vector<16xf32>
        %mul3A_361 = arith.mulf %mul3A_264, %min3A_285 : vector<16xf32>
        %mul3A_362 = arith.mulf %mul3A_361, %min3A_346 : vector<16xf32>
        %mul3A_363 = arith.mulf %mul3A_264, %min3A_295 : vector<16xf32>
        %mul3A_364 = arith.mulf %mul3A_363, %min3A_346 : vector<16xf32>
        %mul3A_365 = arith.mulf %mul3A_264, %min3A_305 : vector<16xf32>
        %mul3A_366 = arith.mulf %mul3A_365, %min3A_346 : vector<16xf32>
        %jit3A_367 = arith.constant 0 : i32
        %broadcast_in_dim3A_368 = vector.broadcast %jit3A_367 : i32 to vector<16xi32>
        %select_n3A_369 = arith.select %or3A, %iota3A, %broadcast_in_dim3A_368 : vector<16xi1>, vector<16xi32>
        %broadcast_in_dim3A_370 = arith.constant true
        %broadcast_in_dim3A_371 = vector.broadcast %broadcast_in_dim3A_370 : i1 to vector<16xi1>
        %masked_cummax3A = arith.constant -2147483648 : i32
        %masked_cummax3A_372 = vector.broadcast %masked_cummax3A : i32 to vector<16xi32>
        %masked_cummax3A_373 = arith.xori %select_n3A_369, %masked_cummax3A_372 : vector<16xi32>
        %masked_cummax3A_374 = tpu.scan <max>, %masked_cummax3A_373 masked %broadcast_in_dim3A_371 : vector<16xi32>, vector<16xi1> -> vector<16xi32>
        %masked_cummax3A_375 = arith.xori %masked_cummax3A_374, %masked_cummax3A_372 : vector<16xi32>
        %sub3A_376 = arith.constant 1 : i32
        %sub3A_377 = vector.broadcast %sub3A_376 : i32 to vector<16xi32>
        %sub3A_378 = arith.subi %masked_cummax3A_375, %sub3A_377 : vector<16xi32>
        %max3A_379 = arith.constant 0 : i32
        %max3A_380 = vector.broadcast %max3A_379 : i32 to vector<16xi32>
        %max3A_381 = arith.maxsi %sub3A_378, %max3A_380 : vector<16xi32>
        %gt3A = arith.constant 0 : i32
        %gt3A_382 = vector.broadcast %gt3A : i32 to vector<16xi32>
        %gt3A_383 = arith.cmpi sgt, %masked_cummax3A_375, %gt3A_382 : vector<16xi32>
        %mul3A_384 = arith.constant 8 : i32
        %mul3A_385 = vector.broadcast %mul3A_384 : i32 to vector<16xi32>
        %mul3A_386 = arith.muli %get3A_157, %mul3A_385 : vector<16xi32>
        %broadcast_in_dim3A_387 = arith.constant true
        %broadcast_in_dim3A_388 = vector.broadcast %broadcast_in_dim3A_387 : i1 to vector<16xi1>
        %masked_cumsum3A = tpu.scan <sum>, %mul3A_264 masked %broadcast_in_dim3A_388 : vector<16xf32>, vector<16xi1> -> vector<16xf32>
        %swap3A_389 = arith.constant 0 : index
        %swap3A_390 = tpu.vector_load %arg15[%swap3A_389] {strides = array<i32>} : memref<16xf32, #tpu.memory_space<vmem>>, vector<16xf32>,
        tpu.vector_store %arg15[%swap3A_389], %masked_cumsum3A {strides = array<i32>} : memref<16xf32, #tpu.memory_space<vmem>>, vector<16xf32>,
        %gather3A_391 = tpu.vector_load_idx %arg15[%max3A_381] : memref<16xf32, #tpu.memory_space<vmem>>[vector<16xi32>], vector<16xf32>,
        %jit3A_392 = arith.constant 0.000000e+00 : f32
        %broadcast_in_dim3A_393 = vector.broadcast %jit3A_392 : f32 to vector<16xf32>
        %select_n3A_394 = arith.select %gt3A_383, %gather3A_391, %broadcast_in_dim3A_393 : vector<16xi1>, vector<16xf32>
        %add3A_395 = arith.constant 0 : i32
        %add3A_396 = vector.broadcast %add3A_395 : i32 to vector<16xi32>
        %add3A_397 = arith.addi %mul3A_386, %add3A_396 : vector<16xi32>
        %sub3A_398 = arith.subf %masked_cumsum3A, %select_n3A_394 : vector<16xf32>
        tpu.vector_store_idx %arg14[%add3A_397], %sub3A_398 masked %or3A_178 {add = true} : memref<65536xf32, #tpu.memory_space<vmem>>[vector<16xi32>], vector<16xf32>, vector<16xi1>
        %broadcast_in_dim3A_399 = arith.constant true
        %broadcast_in_dim3A_400 = vector.broadcast %broadcast_in_dim3A_399 : i1 to vector<16xi1>
        %masked_cumsum3A_401 = tpu.scan <sum>, %mul3A_347 masked %broadcast_in_dim3A_400 : vector<16xf32>, vector<16xi1> -> vector<16xf32>
        %swap3A_402 = arith.constant 0 : index
        %swap3A_403 = tpu.vector_load %arg15[%swap3A_402] {strides = array<i32>} : memref<16xf32, #tpu.memory_space<vmem>>, vector<16xf32>,
        tpu.vector_store %arg15[%swap3A_402], %masked_cumsum3A_401 {strides = array<i32>} : memref<16xf32, #tpu.memory_space<vmem>>, vector<16xf32>,
        %gather3A_404 = tpu.vector_load_idx %arg15[%max3A_381] : memref<16xf32, #tpu.memory_space<vmem>>[vector<16xi32>], vector<16xf32>,
        %jit3A_405 = arith.constant 0.000000e+00 : f32
        %broadcast_in_dim3A_406 = vector.broadcast %jit3A_405 : f32 to vector<16xf32>
        %select_n3A_407 = arith.select %gt3A_383, %gather3A_404, %broadcast_in_dim3A_406 : vector<16xi1>, vector<16xf32>
        %add3A_408 = arith.constant 1 : i32
        %add3A_409 = vector.broadcast %add3A_408 : i32 to vector<16xi32>
        %add3A_410 = arith.addi %mul3A_386, %add3A_409 : vector<16xi32>
        %sub3A_411 = arith.subf %masked_cumsum3A_401, %select_n3A_407 : vector<16xf32>
        tpu.vector_store_idx %arg14[%add3A_410], %sub3A_411 masked %or3A_178 {add = true} : memref<65536xf32, #tpu.memory_space<vmem>>[vector<16xi32>], vector<16xf32>, vector<16xi1>
        %broadcast_in_dim3A_412 = arith.constant true
        %broadcast_in_dim3A_413 = vector.broadcast %broadcast_in_dim3A_412 : i1 to vector<16xi1>
        %masked_cumsum3A_414 = tpu.scan <sum>, %mul3A_350 masked %broadcast_in_dim3A_413 : vector<16xf32>, vector<16xi1> -> vector<16xf32>
        %swap3A_415 = arith.constant 0 : index
        %swap3A_416 = tpu.vector_load %arg15[%swap3A_415] {strides = array<i32>} : memref<16xf32, #tpu.memory_space<vmem>>, vector<16xf32>,
        tpu.vector_store %arg15[%swap3A_415], %masked_cumsum3A_414 {strides = array<i32>} : memref<16xf32, #tpu.memory_space<vmem>>, vector<16xf32>,
        %gather3A_417 = tpu.vector_load_idx %arg15[%max3A_381] : memref<16xf32, #tpu.memory_space<vmem>>[vector<16xi32>], vector<16xf32>,
        %jit3A_418 = arith.constant 0.000000e+00 : f32
        %broadcast_in_dim3A_419 = vector.broadcast %jit3A_418 : f32 to vector<16xf32>
        %select_n3A_420 = arith.select %gt3A_383, %gather3A_417, %broadcast_in_dim3A_419 : vector<16xi1>, vector<16xf32>
        %add3A_421 = arith.constant 2 : i32
        %add3A_422 = vector.broadcast %add3A_421 : i32 to vector<16xi32>
        %add3A_423 = arith.addi %mul3A_386, %add3A_422 : vector<16xi32>
        %sub3A_424 = arith.subf %masked_cumsum3A_414, %select_n3A_420 : vector<16xf32>
        tpu.vector_store_idx %arg14[%add3A_423], %sub3A_424 masked %or3A_178 {add = true} : memref<65536xf32, #tpu.memory_space<vmem>>[vector<16xi32>], vector<16xf32>, vector<16xi1>
        %broadcast_in_dim3A_425 = arith.constant true
        %broadcast_in_dim3A_426 = vector.broadcast %broadcast_in_dim3A_425 : i1 to vector<16xi1>
        %masked_cumsum3A_427 = tpu.scan <sum>, %mul3A_355 masked %broadcast_in_dim3A_426 : vector<16xf32>, vector<16xi1> -> vector<16xf32>
        %swap3A_428 = arith.constant 0 : index
        %swap3A_429 = tpu.vector_load %arg15[%swap3A_428] {strides = array<i32>} : memref<16xf32, #tpu.memory_space<vmem>>, vector<16xf32>,
        tpu.vector_store %arg15[%swap3A_428], %masked_cumsum3A_427 {strides = array<i32>} : memref<16xf32, #tpu.memory_space<vmem>>, vector<16xf32>,
        %gather3A_430 = tpu.vector_load_idx %arg15[%max3A_381] : memref<16xf32, #tpu.memory_space<vmem>>[vector<16xi32>], vector<16xf32>,
        %jit3A_431 = arith.constant 0.000000e+00 : f32
        %broadcast_in_dim3A_432 = vector.broadcast %jit3A_431 : f32 to vector<16xf32>
        %select_n3A_433 = arith.select %gt3A_383, %gather3A_430, %broadcast_in_dim3A_432 : vector<16xi1>, vector<16xf32>
        %add3A_434 = arith.constant 3 : i32
        %add3A_435 = vector.broadcast %add3A_434 : i32 to vector<16xi32>
        %add3A_436 = arith.addi %mul3A_386, %add3A_435 : vector<16xi32>
        %sub3A_437 = arith.subf %masked_cumsum3A_427, %select_n3A_433 : vector<16xf32>
        tpu.vector_store_idx %arg14[%add3A_436], %sub3A_437 masked %or3A_178 {add = true} : memref<65536xf32, #tpu.memory_space<vmem>>[vector<16xi32>], vector<16xf32>, vector<16xi1>
        %broadcast_in_dim3A_438 = arith.constant true
        %broadcast_in_dim3A_439 = vector.broadcast %broadcast_in_dim3A_438 : i1 to vector<16xi1>
        %masked_cumsum3A_440 = tpu.scan <sum>, %mul3A_360 masked %broadcast_in_dim3A_439 : vector<16xf32>, vector<16xi1> -> vector<16xf32>
        %swap3A_441 = arith.constant 0 : index
        %swap3A_442 = tpu.vector_load %arg15[%swap3A_441] {strides = array<i32>} : memref<16xf32, #tpu.memory_space<vmem>>, vector<16xf32>,
        tpu.vector_store %arg15[%swap3A_441], %masked_cumsum3A_440 {strides = array<i32>} : memref<16xf32, #tpu.memory_space<vmem>>, vector<16xf32>,
        %gather3A_443 = tpu.vector_load_idx %arg15[%max3A_381] : memref<16xf32, #tpu.memory_space<vmem>>[vector<16xi32>], vector<16xf32>,
        %jit3A_444 = arith.constant 0.000000e+00 : f32
        %broadcast_in_dim3A_445 = vector.broadcast %jit3A_444 : f32 to vector<16xf32>
        %select_n3A_446 = arith.select %gt3A_383, %gather3A_443, %broadcast_in_dim3A_445 : vector<16xi1>, vector<16xf32>
        %add3A_447 = arith.constant 4 : i32
        %add3A_448 = vector.broadcast %add3A_447 : i32 to vector<16xi32>
        %add3A_449 = arith.addi %mul3A_386, %add3A_448 : vector<16xi32>
        %sub3A_450 = arith.subf %masked_cumsum3A_440, %select_n3A_446 : vector<16xf32>
        tpu.vector_store_idx %arg14[%add3A_449], %sub3A_450 masked %or3A_178 {add = true} : memref<65536xf32, #tpu.memory_space<vmem>>[vector<16xi32>], vector<16xf32>, vector<16xi1>
        %broadcast_in_dim3A_451 = arith.constant true
        %broadcast_in_dim3A_452 = vector.broadcast %broadcast_in_dim3A_451 : i1 to vector<16xi1>
        %masked_cumsum3A_453 = tpu.scan <sum>, %mul3A_362 masked %broadcast_in_dim3A_452 : vector<16xf32>, vector<16xi1> -> vector<16xf32>
        %swap3A_454 = arith.constant 0 : index
        %swap3A_455 = tpu.vector_load %arg15[%swap3A_454] {strides = array<i32>} : memref<16xf32, #tpu.memory_space<vmem>>, vector<16xf32>,
        tpu.vector_store %arg15[%swap3A_454], %masked_cumsum3A_453 {strides = array<i32>} : memref<16xf32, #tpu.memory_space<vmem>>, vector<16xf32>,
        %gather3A_456 = tpu.vector_load_idx %arg15[%max3A_381] : memref<16xf32, #tpu.memory_space<vmem>>[vector<16xi32>], vector<16xf32>,
        %jit3A_457 = arith.constant 0.000000e+00 : f32
        %broadcast_in_dim3A_458 = vector.broadcast %jit3A_457 : f32 to vector<16xf32>
        %select_n3A_459 = arith.select %gt3A_383, %gather3A_456, %broadcast_in_dim3A_458 : vector<16xi1>, vector<16xf32>
        %add3A_460 = arith.constant 5 : i32
        %add3A_461 = vector.broadcast %add3A_460 : i32 to vector<16xi32>
        %add3A_462 = arith.addi %mul3A_386, %add3A_461 : vector<16xi32>
        %sub3A_463 = arith.subf %masked_cumsum3A_453, %select_n3A_459 : vector<16xf32>
        tpu.vector_store_idx %arg14[%add3A_462], %sub3A_463 masked %or3A_178 {add = true} : memref<65536xf32, #tpu.memory_space<vmem>>[vector<16xi32>], vector<16xf32>, vector<16xi1>
        %broadcast_in_dim3A_464 = arith.constant true
        %broadcast_in_dim3A_465 = vector.broadcast %broadcast_in_dim3A_464 : i1 to vector<16xi1>
        %masked_cumsum3A_466 = tpu.scan <sum>, %mul3A_364 masked %broadcast_in_dim3A_465 : vector<16xf32>, vector<16xi1> -> vector<16xf32>
        %swap3A_467 = arith.constant 0 : index
        %swap3A_468 = tpu.vector_load %arg15[%swap3A_467] {strides = array<i32>} : memref<16xf32, #tpu.memory_space<vmem>>, vector<16xf32>,
        tpu.vector_store %arg15[%swap3A_467], %masked_cumsum3A_466 {strides = array<i32>} : memref<16xf32, #tpu.memory_space<vmem>>, vector<16xf32>,
        %gather3A_469 = tpu.vector_load_idx %arg15[%max3A_381] : memref<16xf32, #tpu.memory_space<vmem>>[vector<16xi32>], vector<16xf32>,
        %jit3A_470 = arith.constant 0.000000e+00 : f32
        %broadcast_in_dim3A_471 = vector.broadcast %jit3A_470 : f32 to vector<16xf32>
        %select_n3A_472 = arith.select %gt3A_383, %gather3A_469, %broadcast_in_dim3A_471 : vector<16xi1>, vector<16xf32>
        %add3A_473 = arith.constant 6 : i32
        %add3A_474 = vector.broadcast %add3A_473 : i32 to vector<16xi32>
        %add3A_475 = arith.addi %mul3A_386, %add3A_474 : vector<16xi32>
        %sub3A_476 = arith.subf %masked_cumsum3A_466, %select_n3A_472 : vector<16xf32>
        tpu.vector_store_idx %arg14[%add3A_475], %sub3A_476 masked %or3A_178 {add = true} : memref<65536xf32, #tpu.memory_space<vmem>>[vector<16xi32>], vector<16xf32>, vector<16xi1>
        %broadcast_in_dim3A_477 = arith.constant true
        %broadcast_in_dim3A_478 = vector.broadcast %broadcast_in_dim3A_477 : i1 to vector<16xi1>
        %masked_cumsum3A_479 = tpu.scan <sum>, %mul3A_366 masked %broadcast_in_dim3A_478 : vector<16xf32>, vector<16xi1> -> vector<16xf32>
        %swap3A_480 = arith.constant 0 : index
        %swap3A_481 = tpu.vector_load %arg15[%swap3A_480] {strides = array<i32>} : memref<16xf32, #tpu.memory_space<vmem>>, vector<16xf32>,
        tpu.vector_store %arg15[%swap3A_480], %masked_cumsum3A_479 {strides = array<i32>} : memref<16xf32, #tpu.memory_space<vmem>>, vector<16xf32>,
        %gather3A_482 = tpu.vector_load_idx %arg15[%max3A_381] : memref<16xf32, #tpu.memory_space<vmem>>[vector<16xi32>], vector<16xf32>,
        %jit3A_483 = arith.constant 0.000000e+00 : f32
        %broadcast_in_dim3A_484 = vector.broadcast %jit3A_483 : f32 to vector<16xf32>
        %select_n3A_485 = arith.select %gt3A_383, %gather3A_482, %broadcast_in_dim3A_484 : vector<16xi1>, vector<16xf32>
        %add3A_486 = arith.constant 7 : i32
        %add3A_487 = vector.broadcast %add3A_486 : i32 to vector<16xi32>
        %add3A_488 = arith.addi %mul3A_386, %add3A_487 : vector<16xi32>
        %sub3A_489 = arith.subf %masked_cumsum3A_479, %select_n3A_485 : vector<16xf32>
        tpu.vector_store_idx %arg14[%add3A_488], %sub3A_489 masked %or3A_178 {add = true} : memref<65536xf32, #tpu.memory_space<vmem>>[vector<16xi32>], vector<16xf32>, vector<16xi1>
        scf.yield %gather3A_270, %gather3A_275 : vector<16xf32>, vector<16xi32>
      }
      %scan3A_149 = arith.constant 128 : i32
      scf.yield %scan3A_148#0, %scan3A_148#1 : vector<16xf32>, vector<16xi32>
    }
    %scan3A_21 = arith.constant 8 : i32
    %mul3A_22 = arith.constant 8192 : i32
    %mul3A_23 = arith.muli %add3A, %mul3A_22 : i32
    %mul3A_24 = arith.constant 8 : i32
    %mul3A_25 = arith.muli %mul3A_23, %mul3A_24 : i32
    "tpu.region"() ({
      %run_scoped3A = tpu.sem_alloc : memref<!tpu.dma_semaphore, #tpu.memory_space<semaphore_mem>>
      %dma_start3A = tpu.memref_slice %arg7[%mul3A_25] : memref<2097152xf32, #tpu.memory_space<hbm>> -> memref<65536xf32, #tpu.memory_space<hbm>>
      %dma_start3A_42 = tpu.memref_slice %arg7[%mul3A_25] : memref<2097152xf32, #tpu.memory_space<hbm>> -> memref<65536xf32, #tpu.memory_space<hbm>>
      tpu.enqueue_dma source(%arg14 : memref<65536xf32, #tpu.memory_space<vmem>>) target(%dma_start3A_42 : memref<65536xf32, #tpu.memory_space<hbm>>) target_semaphore(%run_scoped3A : memref<!tpu.dma_semaphore, #tpu.memory_space<semaphore_mem>>)
      %dma_wait3A = tpu.memref_slice %arg7[%mul3A_25] : memref<2097152xf32, #tpu.memory_space<hbm>> -> memref<65536xf32, #tpu.memory_space<hbm>>
      %dma_wait3A_43 = tpu.memref_slice %arg7[%mul3A_25] : memref<2097152xf32, #tpu.memory_space<hbm>> -> memref<65536xf32, #tpu.memory_space<hbm>>
      tpu.wait_dma2 semaphore(%run_scoped3A : memref<!tpu.dma_semaphore, #tpu.memory_space<semaphore_mem>>) src(%arg14 : memref<65536xf32, #tpu.memory_space<vmem>>) dst(%dma_wait3A_43 : memref<65536xf32, #tpu.memory_space<hbm>>)
      tpu.yield
    }) : () -> ()
    %convert_element_type3A = arith.sitofp %iota3A : vector<16xi32> to vector<16xf32>
    %eq3A = arith.constant 0 : i32
    %eq3A_26 = vector.broadcast %eq3A : i32 to vector<16xi32>
    %eq3A_27 = arith.cmpi eq, %iota3A, %eq3A_26 : vector<16xi32>
    %convert_element_type3A_28 = arith.sitofp %gather3A : vector<16xi32> to vector<16xf32>
    %eq3A_29 = arith.constant 1 : i32
    %eq3A_30 = vector.broadcast %eq3A_29 : i32 to vector<16xi32>
    %eq3A_31 = arith.cmpi eq, %iota3A, %eq3A_30 : vector<16xi32>
    %convert_element_type3A_32 = arith.sitofp %scan3A_20#1 : vector<16xi32> to vector<16xf32>
    %eq3A_33 = arith.constant 2 : i32
    %eq3A_34 = vector.broadcast %eq3A_33 : i32 to vector<16xi32>
    %eq3A_35 = arith.cmpi eq, %iota3A, %eq3A_34 : vector<16xi32>
    %jit3A = arith.constant 0.000000e+00 : f32
    %broadcast_in_dim3A_36 = vector.broadcast %jit3A : f32 to vector<16xf32>
    %select_n3A = arith.select %eq3A_35, %scan3A_20#0, %broadcast_in_dim3A_36 : vector<16xi1>, vector<16xf32>
    %select_n3A_37 = arith.select %eq3A_31, %convert_element_type3A_32, %select_n3A : vector<16xi1>, vector<16xf32>
    %select_n3A_38 = arith.select %eq3A_27, %convert_element_type3A_28, %select_n3A_37 : vector<16xi1>, vector<16xf32>
    %swap3A = arith.constant 0 : index
    %swap3A_39 = tpu.vector_load %arg17[%swap3A] {strides = array<i32>} : memref<16xf32, #tpu.memory_space<vmem>>, vector<16xf32>,
    tpu.vector_store %arg17[%swap3A], %select_n3A_38 {strides = array<i32>} : memref<16xf32, #tpu.memory_space<vmem>>, vector<16xf32>,
    %mul3A_40 = arith.constant 16 : i32
    %mul3A_41 = arith.muli %add3A, %mul3A_40 : i32
    "tpu.region"() ({
      %run_scoped3A = tpu.sem_alloc : memref<!tpu.dma_semaphore, #tpu.memory_space<semaphore_mem>>
      %dma_start3A = tpu.memref_slice %arg8[%mul3A_41] : memref<512xf32, #tpu.memory_space<hbm>> -> memref<16xf32, #tpu.memory_space<hbm>>
      %dma_start3A_42 = tpu.memref_slice %arg8[%mul3A_41] : memref<512xf32, #tpu.memory_space<hbm>> -> memref<16xf32, #tpu.memory_space<hbm>>
      tpu.enqueue_dma source(%arg17 : memref<16xf32, #tpu.memory_space<vmem>>) target(%dma_start3A_42 : memref<16xf32, #tpu.memory_space<hbm>>) target_semaphore(%run_scoped3A : memref<!tpu.dma_semaphore, #tpu.memory_space<semaphore_mem>>)
      %dma_wait3A = tpu.memref_slice %arg8[%mul3A_41] : memref<512xf32, #tpu.memory_space<hbm>> -> memref<16xf32, #tpu.memory_space<hbm>>
      %dma_wait3A_43 = tpu.memref_slice %arg8[%mul3A_41] : memref<512xf32, #tpu.memory_space<hbm>> -> memref<16xf32, #tpu.memory_space<hbm>>
      tpu.wait_dma2 semaphore(%run_scoped3A : memref<!tpu.dma_semaphore, #tpu.memory_space<semaphore_mem>>) src(%arg17 : memref<16xf32, #tpu.memory_space<vmem>>) dst(%dma_wait3A_43 : memref<16xf32, #tpu.memory_space<hbm>>)
      tpu.yield
    }) : () -> ()
    return
  }
}

#map = affine_map<(d0, d1) -> (0)>
module attributes {stable_mosaic.version = 14 : i64} {
  func.func @_kc_body(%arg0: i32, %arg1: i32, %arg2: memref<65536xf32, #tpu.memory_space<hbm>>, %arg3: memref<8192xi32, #tpu.memory_space<hbm>>, %arg4: memref<524288xf32, #tpu.memory_space<hbm>>, %arg5: memref<8192xi32, #tpu.memory_space<vmem>>, %arg6: memref<65536xf32, #tpu.memory_space<vmem>>, %arg7: memref<16384xf32, #tpu.memory_space<vmem>>, %arg8: memref<16xi32, #tpu.memory_space<vmem>>, %arg9: memref<!tpu.dma_semaphore, #tpu.memory_space<semaphore_mem>>) attributes {dimension_semantics = [#tpu.dimension_semantics<core_parallel>, #tpu.dimension_semantics<subcore_parallel>], iteration_bounds = array<i64: 2, 16>, scalar_prefetch = 0 : i64, scratch_operands = 5 : i64, tpu.core_type = #tpu.core_type<sc_vector_subcore>, window_params = [{transform_indices = #map}, {transform_indices = #map}, {transform_indices = #map}]} {
    %mul3A = arith.constant 2 : i32
    %mul3A_0 = arith.muli %arg1, %mul3A : i32
    %add3A = arith.addi %mul3A_0, %arg0 : i32
    %iota3A = tpu.iota {dimensions = array<i32: 0>} : vector<16xi32>
    tpu.enqueue_dma source(%arg3 : memref<8192xi32, #tpu.memory_space<hbm>>) target(%arg5 : memref<8192xi32, #tpu.memory_space<vmem>>) target_semaphore(%arg9 : memref<!tpu.dma_semaphore, #tpu.memory_space<semaphore_mem>>)
    tpu.enqueue_dma source(%arg2 : memref<65536xf32, #tpu.memory_space<hbm>>) target(%arg6 : memref<65536xf32, #tpu.memory_space<vmem>>) target_semaphore(%arg9 : memref<!tpu.dma_semaphore, #tpu.memory_space<semaphore_mem>>)
    tpu.wait_dma2 semaphore(%arg9 : memref<!tpu.dma_semaphore, #tpu.memory_space<semaphore_mem>>) src(%arg3 : memref<8192xi32, #tpu.memory_space<hbm>>) dst(%arg5 : memref<8192xi32, #tpu.memory_space<vmem>>)
    tpu.wait_dma2 semaphore(%arg9 : memref<!tpu.dma_semaphore, #tpu.memory_space<semaphore_mem>>) src(%arg2 : memref<65536xf32, #tpu.memory_space<hbm>>) dst(%arg6 : memref<65536xf32, #tpu.memory_space<vmem>>)
    %scan3A = arith.constant 0 : i32
    %scan3A_1 = arith.constant 0 : i32
    %scan3A_2 = arith.constant 128 : i32
    %scan3A_3 = arith.addi %scan3A_1, %scan3A_2 : i32
    %scan3A_4 = arith.constant 1 : i32
    %scan3A_5 = scf.for %scan3A_11 = %scan3A_1 to %scan3A_3 step %scan3A_4 iter_args(%scan3A_12 = %scan3A) -> (i32)  : i32 {
      %mul3A_13 = arith.constant 16 : i32
      %mul3A_14 = arith.muli %scan3A_11, %mul3A_13 : i32
      %add3A_15 = vector.broadcast %mul3A_14 : i32 to vector<16xi32>
      %add3A_16 = arith.addi %add3A_15, %iota3A : vector<16xi32>
      %mul3A_17 = arith.constant 2048 : i32
      %mul3A_18 = arith.muli %add3A, %mul3A_17 : i32
      %add3A_19 = vector.broadcast %mul3A_18 : i32 to vector<16xi32>
      %add3A_20 = arith.addi %add3A_19, %add3A_16 : vector<16xi32>
      %broadcast_in_dim3A = arith.constant 0 : i32
      %broadcast_in_dim3A_21 = vector.broadcast %broadcast_in_dim3A : i32 to vector<16xi32>
      %add3A_22 = arith.constant 4095 : i32
      %add3A_23 = vector.broadcast %add3A_22 : i32 to vector<16xi32>
      %add3A_24 = arith.addi %broadcast_in_dim3A_21, %add3A_23 : vector<16xi32>
      %gather3A = tpu.vector_load_idx %arg5[%add3A_24] : memref<8192xi32, #tpu.memory_space<vmem>>[vector<16xi32>], vector<16xi32>,
      %le3A = arith.cmpi sle, %gather3A, %add3A_20 : vector<16xi32>
      %jit3A = arith.constant 4096 : i32
      %jit3A_25 = arith.constant 0 : i32
      %broadcast_in_dim3A_26 = vector.broadcast %jit3A : i32 to vector<16xi32>
      %broadcast_in_dim3A_27 = vector.broadcast %jit3A_25 : i32 to vector<16xi32>
      %select_n3A = arith.select %le3A, %broadcast_in_dim3A_26, %broadcast_in_dim3A_27 : vector<16xi1>, vector<16xi32>
      %add3A_28 = arith.addi %broadcast_in_dim3A_21, %select_n3A : vector<16xi32>
      %add3A_29 = arith.constant 2047 : i32
      %add3A_30 = vector.broadcast %add3A_29 : i32 to vector<16xi32>
      %add3A_31 = arith.addi %add3A_28, %add3A_30 : vector<16xi32>
      %gather3A_32 = tpu.vector_load_idx %arg5[%add3A_31] : memref<8192xi32, #tpu.memory_space<vmem>>[vector<16xi32>], vector<16xi32>,
      %le3A_33 = arith.cmpi sle, %gather3A_32, %add3A_20 : vector<16xi32>
      %jit3A_34 = arith.constant 2048 : i32
      %jit3A_35 = arith.constant 0 : i32
      %broadcast_in_dim3A_36 = vector.broadcast %jit3A_34 : i32 to vector<16xi32>
      %broadcast_in_dim3A_37 = vector.broadcast %jit3A_35 : i32 to vector<16xi32>
      %select_n3A_38 = arith.select %le3A_33, %broadcast_in_dim3A_36, %broadcast_in_dim3A_37 : vector<16xi1>, vector<16xi32>
      %add3A_39 = arith.addi %add3A_28, %select_n3A_38 : vector<16xi32>
      %add3A_40 = arith.constant 1023 : i32
      %add3A_41 = vector.broadcast %add3A_40 : i32 to vector<16xi32>
      %add3A_42 = arith.addi %add3A_39, %add3A_41 : vector<16xi32>
      %gather3A_43 = tpu.vector_load_idx %arg5[%add3A_42] : memref<8192xi32, #tpu.memory_space<vmem>>[vector<16xi32>], vector<16xi32>,
      %le3A_44 = arith.cmpi sle, %gather3A_43, %add3A_20 : vector<16xi32>
      %jit3A_45 = arith.constant 1024 : i32
      %jit3A_46 = arith.constant 0 : i32
      %broadcast_in_dim3A_47 = vector.broadcast %jit3A_45 : i32 to vector<16xi32>
      %broadcast_in_dim3A_48 = vector.broadcast %jit3A_46 : i32 to vector<16xi32>
      %select_n3A_49 = arith.select %le3A_44, %broadcast_in_dim3A_47, %broadcast_in_dim3A_48 : vector<16xi1>, vector<16xi32>
      %add3A_50 = arith.addi %add3A_39, %select_n3A_49 : vector<16xi32>
      %add3A_51 = arith.constant 511 : i32
      %add3A_52 = vector.broadcast %add3A_51 : i32 to vector<16xi32>
      %add3A_53 = arith.addi %add3A_50, %add3A_52 : vector<16xi32>
      %gather3A_54 = tpu.vector_load_idx %arg5[%add3A_53] : memref<8192xi32, #tpu.memory_space<vmem>>[vector<16xi32>], vector<16xi32>,
      %le3A_55 = arith.cmpi sle, %gather3A_54, %add3A_20 : vector<16xi32>
      %jit3A_56 = arith.constant 512 : i32
      %jit3A_57 = arith.constant 0 : i32
      %broadcast_in_dim3A_58 = vector.broadcast %jit3A_56 : i32 to vector<16xi32>
      %broadcast_in_dim3A_59 = vector.broadcast %jit3A_57 : i32 to vector<16xi32>
      %select_n3A_60 = arith.select %le3A_55, %broadcast_in_dim3A_58, %broadcast_in_dim3A_59 : vector<16xi1>, vector<16xi32>
      %add3A_61 = arith.addi %add3A_50, %select_n3A_60 : vector<16xi32>
      %add3A_62 = arith.constant 255 : i32
      %add3A_63 = vector.broadcast %add3A_62 : i32 to vector<16xi32>
      %add3A_64 = arith.addi %add3A_61, %add3A_63 : vector<16xi32>
      %gather3A_65 = tpu.vector_load_idx %arg5[%add3A_64] : memref<8192xi32, #tpu.memory_space<vmem>>[vector<16xi32>], vector<16xi32>,
      %le3A_66 = arith.cmpi sle, %gather3A_65, %add3A_20 : vector<16xi32>
      %jit3A_67 = arith.constant 256 : i32
      %jit3A_68 = arith.constant 0 : i32
      %broadcast_in_dim3A_69 = vector.broadcast %jit3A_67 : i32 to vector<16xi32>
      %broadcast_in_dim3A_70 = vector.broadcast %jit3A_68 : i32 to vector<16xi32>
      %select_n3A_71 = arith.select %le3A_66, %broadcast_in_dim3A_69, %broadcast_in_dim3A_70 : vector<16xi1>, vector<16xi32>
      %add3A_72 = arith.addi %add3A_61, %select_n3A_71 : vector<16xi32>
      %add3A_73 = arith.constant 127 : i32
      %add3A_74 = vector.broadcast %add3A_73 : i32 to vector<16xi32>
      %add3A_75 = arith.addi %add3A_72, %add3A_74 : vector<16xi32>
      %gather3A_76 = tpu.vector_load_idx %arg5[%add3A_75] : memref<8192xi32, #tpu.memory_space<vmem>>[vector<16xi32>], vector<16xi32>,
      %le3A_77 = arith.cmpi sle, %gather3A_76, %add3A_20 : vector<16xi32>
      %jit3A_78 = arith.constant 128 : i32
      %jit3A_79 = arith.constant 0 : i32
      %broadcast_in_dim3A_80 = vector.broadcast %jit3A_78 : i32 to vector<16xi32>
      %broadcast_in_dim3A_81 = vector.broadcast %jit3A_79 : i32 to vector<16xi32>
      %select_n3A_82 = arith.select %le3A_77, %broadcast_in_dim3A_80, %broadcast_in_dim3A_81 : vector<16xi1>, vector<16xi32>
      %add3A_83 = arith.addi %add3A_72, %select_n3A_82 : vector<16xi32>
      %add3A_84 = arith.constant 63 : i32
      %add3A_85 = vector.broadcast %add3A_84 : i32 to vector<16xi32>
      %add3A_86 = arith.addi %add3A_83, %add3A_85 : vector<16xi32>
      %gather3A_87 = tpu.vector_load_idx %arg5[%add3A_86] : memref<8192xi32, #tpu.memory_space<vmem>>[vector<16xi32>], vector<16xi32>,
      %le3A_88 = arith.cmpi sle, %gather3A_87, %add3A_20 : vector<16xi32>
      %jit3A_89 = arith.constant 64 : i32
      %jit3A_90 = arith.constant 0 : i32
      %broadcast_in_dim3A_91 = vector.broadcast %jit3A_89 : i32 to vector<16xi32>
      %broadcast_in_dim3A_92 = vector.broadcast %jit3A_90 : i32 to vector<16xi32>
      %select_n3A_93 = arith.select %le3A_88, %broadcast_in_dim3A_91, %broadcast_in_dim3A_92 : vector<16xi1>, vector<16xi32>
      %add3A_94 = arith.addi %add3A_83, %select_n3A_93 : vector<16xi32>
      %add3A_95 = arith.constant 31 : i32
      %add3A_96 = vector.broadcast %add3A_95 : i32 to vector<16xi32>
      %add3A_97 = arith.addi %add3A_94, %add3A_96 : vector<16xi32>
      %gather3A_98 = tpu.vector_load_idx %arg5[%add3A_97] : memref<8192xi32, #tpu.memory_space<vmem>>[vector<16xi32>], vector<16xi32>,
      %le3A_99 = arith.cmpi sle, %gather3A_98, %add3A_20 : vector<16xi32>
      %jit3A_100 = arith.constant 32 : i32
      %jit3A_101 = arith.constant 0 : i32
      %broadcast_in_dim3A_102 = vector.broadcast %jit3A_100 : i32 to vector<16xi32>
      %broadcast_in_dim3A_103 = vector.broadcast %jit3A_101 : i32 to vector<16xi32>
      %select_n3A_104 = arith.select %le3A_99, %broadcast_in_dim3A_102, %broadcast_in_dim3A_103 : vector<16xi1>, vector<16xi32>
      %add3A_105 = arith.addi %add3A_94, %select_n3A_104 : vector<16xi32>
      %add3A_106 = arith.constant 15 : i32
      %add3A_107 = vector.broadcast %add3A_106 : i32 to vector<16xi32>
      %add3A_108 = arith.addi %add3A_105, %add3A_107 : vector<16xi32>
      %gather3A_109 = tpu.vector_load_idx %arg5[%add3A_108] : memref<8192xi32, #tpu.memory_space<vmem>>[vector<16xi32>], vector<16xi32>,
      %le3A_110 = arith.cmpi sle, %gather3A_109, %add3A_20 : vector<16xi32>
      %jit3A_111 = arith.constant 16 : i32
      %jit3A_112 = arith.constant 0 : i32
      %broadcast_in_dim3A_113 = vector.broadcast %jit3A_111 : i32 to vector<16xi32>
      %broadcast_in_dim3A_114 = vector.broadcast %jit3A_112 : i32 to vector<16xi32>
      %select_n3A_115 = arith.select %le3A_110, %broadcast_in_dim3A_113, %broadcast_in_dim3A_114 : vector<16xi1>, vector<16xi32>
      %add3A_116 = arith.addi %add3A_105, %select_n3A_115 : vector<16xi32>
      %add3A_117 = arith.constant 7 : i32
      %add3A_118 = vector.broadcast %add3A_117 : i32 to vector<16xi32>
      %add3A_119 = arith.addi %add3A_116, %add3A_118 : vector<16xi32>
      %gather3A_120 = tpu.vector_load_idx %arg5[%add3A_119] : memref<8192xi32, #tpu.memory_space<vmem>>[vector<16xi32>], vector<16xi32>,
      %le3A_121 = arith.cmpi sle, %gather3A_120, %add3A_20 : vector<16xi32>
      %jit3A_122 = arith.constant 8 : i32
      %jit3A_123 = arith.constant 0 : i32
      %broadcast_in_dim3A_124 = vector.broadcast %jit3A_122 : i32 to vector<16xi32>
      %broadcast_in_dim3A_125 = vector.broadcast %jit3A_123 : i32 to vector<16xi32>
      %select_n3A_126 = arith.select %le3A_121, %broadcast_in_dim3A_124, %broadcast_in_dim3A_125 : vector<16xi1>, vector<16xi32>
      %add3A_127 = arith.addi %add3A_116, %select_n3A_126 : vector<16xi32>
      %add3A_128 = arith.constant 3 : i32
      %add3A_129 = vector.broadcast %add3A_128 : i32 to vector<16xi32>
      %add3A_130 = arith.addi %add3A_127, %add3A_129 : vector<16xi32>
      %gather3A_131 = tpu.vector_load_idx %arg5[%add3A_130] : memref<8192xi32, #tpu.memory_space<vmem>>[vector<16xi32>], vector<16xi32>,
      %le3A_132 = arith.cmpi sle, %gather3A_131, %add3A_20 : vector<16xi32>
      %jit3A_133 = arith.constant 4 : i32
      %jit3A_134 = arith.constant 0 : i32
      %broadcast_in_dim3A_135 = vector.broadcast %jit3A_133 : i32 to vector<16xi32>
      %broadcast_in_dim3A_136 = vector.broadcast %jit3A_134 : i32 to vector<16xi32>
      %select_n3A_137 = arith.select %le3A_132, %broadcast_in_dim3A_135, %broadcast_in_dim3A_136 : vector<16xi1>, vector<16xi32>
      %add3A_138 = arith.addi %add3A_127, %select_n3A_137 : vector<16xi32>
      %add3A_139 = arith.constant 1 : i32
      %add3A_140 = vector.broadcast %add3A_139 : i32 to vector<16xi32>
      %add3A_141 = arith.addi %add3A_138, %add3A_140 : vector<16xi32>
      %gather3A_142 = tpu.vector_load_idx %arg5[%add3A_141] : memref<8192xi32, #tpu.memory_space<vmem>>[vector<16xi32>], vector<16xi32>,
      %le3A_143 = arith.cmpi sle, %gather3A_142, %add3A_20 : vector<16xi32>
      %jit3A_144 = arith.constant 2 : i32
      %jit3A_145 = arith.constant 0 : i32
      %broadcast_in_dim3A_146 = vector.broadcast %jit3A_144 : i32 to vector<16xi32>
      %broadcast_in_dim3A_147 = vector.broadcast %jit3A_145 : i32 to vector<16xi32>
      %select_n3A_148 = arith.select %le3A_143, %broadcast_in_dim3A_146, %broadcast_in_dim3A_147 : vector<16xi1>, vector<16xi32>
      %add3A_149 = arith.addi %add3A_138, %select_n3A_148 : vector<16xi32>
      %add3A_150 = arith.constant 0 : i32
      %add3A_151 = vector.broadcast %add3A_150 : i32 to vector<16xi32>
      %add3A_152 = arith.addi %add3A_149, %add3A_151 : vector<16xi32>
      %gather3A_153 = tpu.vector_load_idx %arg5[%add3A_152] : memref<8192xi32, #tpu.memory_space<vmem>>[vector<16xi32>], vector<16xi32>,
      %le3A_154 = arith.cmpi sle, %gather3A_153, %add3A_20 : vector<16xi32>
      %jit3A_155 = arith.constant 1 : i32
      %jit3A_156 = arith.constant 0 : i32
      %broadcast_in_dim3A_157 = vector.broadcast %jit3A_155 : i32 to vector<16xi32>
      %broadcast_in_dim3A_158 = vector.broadcast %jit3A_156 : i32 to vector<16xi32>
      %select_n3A_159 = arith.select %le3A_154, %broadcast_in_dim3A_157, %broadcast_in_dim3A_158 : vector<16xi1>, vector<16xi32>
      %add3A_160 = arith.addi %add3A_149, %select_n3A_159 : vector<16xi32>
      %broadcast_in_dim3A_161 = arith.constant 8191 : i32
      %broadcast_in_dim3A_162 = vector.broadcast %broadcast_in_dim3A_161 : i32 to vector<16xi32>
      %gather3A_163 = tpu.vector_load_idx %arg5[%broadcast_in_dim3A_162] : memref<8192xi32, #tpu.memory_space<vmem>>[vector<16xi32>], vector<16xi32>,
      %eq3A = arith.constant 8191 : i32
      %eq3A_164 = vector.broadcast %eq3A : i32 to vector<16xi32>
      %eq3A_165 = arith.cmpi eq, %add3A_160, %eq3A_164 : vector<16xi32>
      %le3A_166 = arith.cmpi sle, %gather3A_163, %add3A_20 : vector<16xi32>
      %and3A = arith.andi %eq3A_165, %le3A_166 : vector<16xi1>
      %jit3A_167 = arith.constant 1 : i32
      %jit3A_168 = arith.constant 0 : i32
      %broadcast_in_dim3A_169 = vector.broadcast %jit3A_167 : i32 to vector<16xi32>
      %broadcast_in_dim3A_170 = vector.broadcast %jit3A_168 : i32 to vector<16xi32>
      %select_n3A_171 = arith.select %and3A, %broadcast_in_dim3A_169, %broadcast_in_dim3A_170 : vector<16xi1>, vector<16xi32>
      %add3A_172 = arith.addi %add3A_160, %select_n3A_171 : vector<16xi32>
      %sub3A = arith.constant 1 : i32
      %sub3A_173 = vector.broadcast %sub3A : i32 to vector<16xi32>
      %sub3A_174 = arith.subi %add3A_172, %sub3A_173 : vector<16xi32>
      %max3A = arith.constant 0 : i32
      %max3A_175 = vector.broadcast %max3A : i32 to vector<16xi32>
      %max3A_176 = arith.maxsi %sub3A_174, %max3A_175 : vector<16xi32>
      %gt3A = arith.constant 0 : i32
      %gt3A_177 = vector.broadcast %gt3A : i32 to vector<16xi32>
      %gt3A_178 = arith.cmpi sgt, %add3A_172, %gt3A_177 : vector<16xi32>
      %gather3A_179 = tpu.vector_load_idx %arg5[%max3A_176] : memref<8192xi32, #tpu.memory_space<vmem>>[vector<16xi32>], vector<16xi32>,
      %eq3A_180 = arith.cmpi eq, %gather3A_179, %add3A_20 : vector<16xi32>
      %and3A_181 = arith.andi %gt3A_178, %eq3A_180 : vector<16xi1>
      %mul3A_182 = arith.constant 8 : i32
      %mul3A_183 = vector.broadcast %mul3A_182 : i32 to vector<16xi32>
      %mul3A_184 = arith.muli %max3A_176, %mul3A_183 : vector<16xi32>
      %mul3A_185 = arith.constant 8 : i32
      %mul3A_186 = vector.broadcast %mul3A_185 : i32 to vector<16xi32>
      %mul3A_187 = arith.muli %add3A_16, %mul3A_186 : vector<16xi32>
      %add3A_188 = arith.constant 0 : i32
      %add3A_189 = vector.broadcast %add3A_188 : i32 to vector<16xi32>
      %add3A_190 = arith.addi %mul3A_184, %add3A_189 : vector<16xi32>
      %gather3A_191 = tpu.vector_load_idx %arg6[%add3A_190] : memref<65536xf32, #tpu.memory_space<vmem>>[vector<16xi32>], vector<16xf32>,
      %jit3A_192 = arith.constant 0.000000e+00 : f32
      %broadcast_in_dim3A_193 = vector.broadcast %jit3A_192 : f32 to vector<16xf32>
      %select_n3A_194 = arith.select %and3A_181, %gather3A_191, %broadcast_in_dim3A_193 : vector<16xi1>, vector<16xf32>
      %add3A_195 = arith.constant 0 : i32
      %add3A_196 = vector.broadcast %add3A_195 : i32 to vector<16xi32>
      %add3A_197 = arith.addi %mul3A_187, %add3A_196 : vector<16xi32>
      tpu.vector_store_idx %arg7[%add3A_197], %select_n3A_194 : memref<16384xf32, #tpu.memory_space<vmem>>[vector<16xi32>], vector<16xf32>,
      %add3A_198 = arith.constant 1 : i32
      %add3A_199 = vector.broadcast %add3A_198 : i32 to vector<16xi32>
      %add3A_200 = arith.addi %mul3A_184, %add3A_199 : vector<16xi32>
      %gather3A_201 = tpu.vector_load_idx %arg6[%add3A_200] : memref<65536xf32, #tpu.memory_space<vmem>>[vector<16xi32>], vector<16xf32>,
      %jit3A_202 = arith.constant 0.000000e+00 : f32
      %broadcast_in_dim3A_203 = vector.broadcast %jit3A_202 : f32 to vector<16xf32>
      %select_n3A_204 = arith.select %and3A_181, %gather3A_201, %broadcast_in_dim3A_203 : vector<16xi1>, vector<16xf32>
      %add3A_205 = arith.constant 1 : i32
      %add3A_206 = vector.broadcast %add3A_205 : i32 to vector<16xi32>
      %add3A_207 = arith.addi %mul3A_187, %add3A_206 : vector<16xi32>
      tpu.vector_store_idx %arg7[%add3A_207], %select_n3A_204 : memref<16384xf32, #tpu.memory_space<vmem>>[vector<16xi32>], vector<16xf32>,
      %add3A_208 = arith.constant 2 : i32
      %add3A_209 = vector.broadcast %add3A_208 : i32 to vector<16xi32>
      %add3A_210 = arith.addi %mul3A_184, %add3A_209 : vector<16xi32>
      %gather3A_211 = tpu.vector_load_idx %arg6[%add3A_210] : memref<65536xf32, #tpu.memory_space<vmem>>[vector<16xi32>], vector<16xf32>,
      %jit3A_212 = arith.constant 0.000000e+00 : f32
      %broadcast_in_dim3A_213 = vector.broadcast %jit3A_212 : f32 to vector<16xf32>
      %select_n3A_214 = arith.select %and3A_181, %gather3A_211, %broadcast_in_dim3A_213 : vector<16xi1>, vector<16xf32>
      %add3A_215 = arith.constant 2 : i32
      %add3A_216 = vector.broadcast %add3A_215 : i32 to vector<16xi32>
      %add3A_217 = arith.addi %mul3A_187, %add3A_216 : vector<16xi32>
      tpu.vector_store_idx %arg7[%add3A_217], %select_n3A_214 : memref<16384xf32, #tpu.memory_space<vmem>>[vector<16xi32>], vector<16xf32>,
      %add3A_218 = arith.constant 3 : i32
      %add3A_219 = vector.broadcast %add3A_218 : i32 to vector<16xi32>
      %add3A_220 = arith.addi %mul3A_184, %add3A_219 : vector<16xi32>
      %gather3A_221 = tpu.vector_load_idx %arg6[%add3A_220] : memref<65536xf32, #tpu.memory_space<vmem>>[vector<16xi32>], vector<16xf32>,
      %jit3A_222 = arith.constant 0.000000e+00 : f32
      %broadcast_in_dim3A_223 = vector.broadcast %jit3A_222 : f32 to vector<16xf32>
      %select_n3A_224 = arith.select %and3A_181, %gather3A_221, %broadcast_in_dim3A_223 : vector<16xi1>, vector<16xf32>
      %add3A_225 = arith.constant 3 : i32
      %add3A_226 = vector.broadcast %add3A_225 : i32 to vector<16xi32>
      %add3A_227 = arith.addi %mul3A_187, %add3A_226 : vector<16xi32>
      tpu.vector_store_idx %arg7[%add3A_227], %select_n3A_224 : memref<16384xf32, #tpu.memory_space<vmem>>[vector<16xi32>], vector<16xf32>,
      %add3A_228 = arith.constant 4 : i32
      %add3A_229 = vector.broadcast %add3A_228 : i32 to vector<16xi32>
      %add3A_230 = arith.addi %mul3A_184, %add3A_229 : vector<16xi32>
      %gather3A_231 = tpu.vector_load_idx %arg6[%add3A_230] : memref<65536xf32, #tpu.memory_space<vmem>>[vector<16xi32>], vector<16xf32>,
      %jit3A_232 = arith.constant 0.000000e+00 : f32
      %broadcast_in_dim3A_233 = vector.broadcast %jit3A_232 : f32 to vector<16xf32>
      %select_n3A_234 = arith.select %and3A_181, %gather3A_231, %broadcast_in_dim3A_233 : vector<16xi1>, vector<16xf32>
      %add3A_235 = arith.constant 4 : i32
      %add3A_236 = vector.broadcast %add3A_235 : i32 to vector<16xi32>
      %add3A_237 = arith.addi %mul3A_187, %add3A_236 : vector<16xi32>
      tpu.vector_store_idx %arg7[%add3A_237], %select_n3A_234 : memref<16384xf32, #tpu.memory_space<vmem>>[vector<16xi32>], vector<16xf32>,
      %add3A_238 = arith.constant 5 : i32
      %add3A_239 = vector.broadcast %add3A_238 : i32 to vector<16xi32>
      %add3A_240 = arith.addi %mul3A_184, %add3A_239 : vector<16xi32>
      %gather3A_241 = tpu.vector_load_idx %arg6[%add3A_240] : memref<65536xf32, #tpu.memory_space<vmem>>[vector<16xi32>], vector<16xf32>,
      %jit3A_242 = arith.constant 0.000000e+00 : f32
      %broadcast_in_dim3A_243 = vector.broadcast %jit3A_242 : f32 to vector<16xf32>
      %select_n3A_244 = arith.select %and3A_181, %gather3A_241, %broadcast_in_dim3A_243 : vector<16xi1>, vector<16xf32>
      %add3A_245 = arith.constant 5 : i32
      %add3A_246 = vector.broadcast %add3A_245 : i32 to vector<16xi32>
      %add3A_247 = arith.addi %mul3A_187, %add3A_246 : vector<16xi32>
      tpu.vector_store_idx %arg7[%add3A_247], %select_n3A_244 : memref<16384xf32, #tpu.memory_space<vmem>>[vector<16xi32>], vector<16xf32>,
      %add3A_248 = arith.constant 6 : i32
      %add3A_249 = vector.broadcast %add3A_248 : i32 to vector<16xi32>
      %add3A_250 = arith.addi %mul3A_184, %add3A_249 : vector<16xi32>
      %gather3A_251 = tpu.vector_load_idx %arg6[%add3A_250] : memref<65536xf32, #tpu.memory_space<vmem>>[vector<16xi32>], vector<16xf32>,
      %jit3A_252 = arith.constant 0.000000e+00 : f32
      %broadcast_in_dim3A_253 = vector.broadcast %jit3A_252 : f32 to vector<16xf32>
      %select_n3A_254 = arith.select %and3A_181, %gather3A_251, %broadcast_in_dim3A_253 : vector<16xi1>, vector<16xf32>
      %add3A_255 = arith.constant 6 : i32
      %add3A_256 = vector.broadcast %add3A_255 : i32 to vector<16xi32>
      %add3A_257 = arith.addi %mul3A_187, %add3A_256 : vector<16xi32>
      tpu.vector_store_idx %arg7[%add3A_257], %select_n3A_254 : memref<16384xf32, #tpu.memory_space<vmem>>[vector<16xi32>], vector<16xf32>,
      %add3A_258 = arith.constant 7 : i32
      %add3A_259 = vector.broadcast %add3A_258 : i32 to vector<16xi32>
      %add3A_260 = arith.addi %mul3A_184, %add3A_259 : vector<16xi32>
      %gather3A_261 = tpu.vector_load_idx %arg6[%add3A_260] : memref<65536xf32, #tpu.memory_space<vmem>>[vector<16xi32>], vector<16xf32>,
      %jit3A_262 = arith.constant 0.000000e+00 : f32
      %broadcast_in_dim3A_263 = vector.broadcast %jit3A_262 : f32 to vector<16xf32>
      %select_n3A_264 = arith.select %and3A_181, %gather3A_261, %broadcast_in_dim3A_263 : vector<16xi1>, vector<16xf32>
      %add3A_265 = arith.constant 7 : i32
      %add3A_266 = vector.broadcast %add3A_265 : i32 to vector<16xi32>
      %add3A_267 = arith.addi %mul3A_187, %add3A_266 : vector<16xi32>
      tpu.vector_store_idx %arg7[%add3A_267], %select_n3A_264 : memref<16384xf32, #tpu.memory_space<vmem>>[vector<16xi32>], vector<16xf32>,
      %scan3A_268 = arith.constant 0 : i32
      scf.yield %scan3A_268 : i32
    }
    %scan3A_6 = arith.constant 128 : i32
    %mul3A_7 = arith.constant 2048 : i32
    %mul3A_8 = arith.muli %add3A, %mul3A_7 : i32
    %mul3A_9 = arith.constant 8 : i32
    %mul3A_10 = arith.muli %mul3A_8, %mul3A_9 : i32
    "tpu.region"() ({
      %run_scoped3A = tpu.sem_alloc : memref<!tpu.dma_semaphore, #tpu.memory_space<semaphore_mem>>
      %dma_start3A = tpu.memref_slice %arg4[%mul3A_10] : memref<524288xf32, #tpu.memory_space<hbm>> -> memref<16384xf32, #tpu.memory_space<hbm>>
      %dma_start3A_11 = tpu.memref_slice %arg4[%mul3A_10] : memref<524288xf32, #tpu.memory_space<hbm>> -> memref<16384xf32, #tpu.memory_space<hbm>>
      tpu.enqueue_dma source(%arg7 : memref<16384xf32, #tpu.memory_space<vmem>>) target(%dma_start3A_11 : memref<16384xf32, #tpu.memory_space<hbm>>) target_semaphore(%run_scoped3A : memref<!tpu.dma_semaphore, #tpu.memory_space<semaphore_mem>>)
      %dma_wait3A = tpu.memref_slice %arg4[%mul3A_10] : memref<524288xf32, #tpu.memory_space<hbm>> -> memref<16384xf32, #tpu.memory_space<hbm>>
      %dma_wait3A_12 = tpu.memref_slice %arg4[%mul3A_10] : memref<524288xf32, #tpu.memory_space<hbm>> -> memref<16384xf32, #tpu.memory_space<hbm>>
      tpu.wait_dma2 semaphore(%run_scoped3A : memref<!tpu.dma_semaphore, #tpu.memory_space<semaphore_mem>>) src(%arg7 : memref<16384xf32, #tpu.memory_space<vmem>>) dst(%dma_wait3A_12 : memref<16384xf32, #tpu.memory_space<hbm>>)
      tpu.yield
    }) : () -> ()
    return
  }
}

</mosaic_0001>

<sc_bundles>
// kernel: kernel.11.cloned.1.call-start
scs
__scs_entry_jumppad:
0x0: {  	(pc) =	sbr.rel $0x88, $3  }
0x1: {  	(tag) =	ssettag $0x0;
	lr =	simm.s32 $0x1  }
0x2: {  	[smem:$0x3F9B] =	sst lr;
	_ =	strace $0xD0000000  }
0x3: {  	_ = 	snop  }
0x4: {  	_ = 	snop  }
0x5: {  	_ = 	snop  }
0x6: {  	_ = 	snop  }
0x7: {  	_ = 	snop  }
__scs_overlays_trampoline_lowered:
0x8: {  	[smem:$0x3FAA] =	sst s0  }
0x9: {  	[smem:$0x3FAB] =	sst s1  }
0xa: {  	[smem:$0x3FAC] =	sst s2  }
0xb: {  	[smem:$0x3FAD] =	sst s3  }
0xc: {  	[smem:$0x3FAE] =	sst s4  }
0xd: {  	[smem:$0x3FAF] =	sst s5  }
0xe: {  	[smem:$0x3FB0] =	sst s6  }
0xf: {  	[smem:$0x3FB1] =	sst s7  }
0x10: {  	[smem:$0x3FB2] =	sst s8  }
0x11: {  	[smem:$0x3FB3] =	sst s9;
	s0 =	simm.s32 @!p0 $0x0  }
0x12: {  	s1 =	sld [smem:$0x3F99];
	s0 =	simm.s32 @p0 $0x1  }
0x13: {  	[smem:$0x3FB4] =	sst s0;
	s0 =	simm.s32 @!p1 $0x0  }
0x14: {  	s2 =	sld [smem:$0x3F98];
	s0 =	simm.s32 @p1 $0x1  }
0x15: {  	[smem:$0x3FB5] =	sst s0;
	s0 =	simm.s32 @!p2 $0x0  }
0x16: {  	s3 =	sld [smem:$0x3FDB];
	s0 =	simm.s32 @p2 $0x1  }
0x17: {  	s4 =	simm.s32 $0x1BF5;
	[smem:$0x3FB7] =	sst s0  }
0x18: {  	s0 =	sld [smem:$0x3F9A];
	_ =	swait.ge [sflag:s4], $0x0  }
0x19: {  	s7 =	sld [smem:$0x3F9B]  }
0x1a: {  	s8 =	sadd.s32 $0xFFFFE003, lr  }
0x1b: {  	s9 =	sadd.s32 $0xFFFFFEF7, lr;
	s5 =	simm.s32 $0xFFFFFFFF;
	p2 =	slt.u32 s8, $0xFFFFF086  }
0x1c: {  	p1 =	slt.u32 s9, $0xF7A;
	s5 =	simm.s32 @!p2 $0x0  }
0x1d: {  	s5 =	simm.s32 @p1 $0x1;
	p0 =	seq.s32 s7, s2  }
0x1e: {  	s7 =	smul.u32 @!p0 $0xF7A, s2;
	p2 =	seq.s32 @!p0 s5, $0x0  }
0x1f: {  	s9 =	smul.u32 $0xF7A, s1;
	s8 =	simm.s32 @!p0 $0x1BF5;
	p2 =	por !p2, p0  }
0x20: {  	[sflag:s8] =	ssyncset.s32 @!p0 $0xFFFFF086;
	s6 =	sadd.s32 @!p0 s3, s7;
	s7 =	simm.s32 @!p0 $0x108  }
0x21: {  	s3 =	sadd.s32 s3, s9;
	s6 =	sadd.s32 @!p0 $0x88, s6;
	s7 =	simm.s32 @p2 $0x1082  }
0x22: {  	[simem:s7], [sflag:s8] =	dma.local @!p0 [hbm:s6], $0xF7A  }
0x23: {  	s9 =	sor.u32 $0xD0000000, s2;
	s6 =	simm.s32 $0x108;
	_ =	swait.ge @!p0 [sflag:s8], $0x0  }
0x24: {  	s3 =	sadd.s32 $0x88, s3;
	s6 =	simm.s32 @!p1 $0x1082;
	[sflag:s4] =	ssyncset.s32 $0xFFFFF086  }
0x25: {  	[simem:s6], [sflag:s4] =	dma.local [hbm:s3], $0xF7A  }
0x26: {  	[smem:$0x3F9B] =	sst s1;
	(tag) =	ssettag s2;
	_ =	strace s9  }
0x27: {  	s1 =	sld [smem:$0x3FAB]  }
0x28: {  	s2 =	sld [smem:$0x3FAC]  }
0x29: {  	s4 =	sld [smem:$0x3FAE]  }
0x2a: {  	p0 =	seq.s32 s5, $0x0;
	s5 =	sld [smem:$0x3FAF]  }
0x2b: {  	s6 =	sld [smem:$0x3FB0]  }
0x2c: {  	s7 =	sld [smem:$0x3FB1]  }
0x2d: {  	s3 =	simm.s32 $0x108;
	s8 =	sld [smem:$0x3FB2]  }
0x2e: {  	s3 =	simm.s32 @!p0 $0x1082;
	s9 =	sld [smem:$0x3FB3]  }
0x2f: {  	lr =	sadd.s32 s0, s3;
	s0 =	sld [smem:$0x3FAA]  }
0x30: {  	s3 =	sld [smem:$0x3FAD]  }
0x31: {  	[smem:$0x3FB6] =	sst s10  }
0x32: {  	s10 =	sld [smem:$0x3FB4];
	_ =	sdelay $0x3  }
0x33: {  	p0 =	seq.s32 s10, $0x1;
	s10 =	sld [smem:$0x3FB6];
	_ =	sdelay $0x3  }
0x34: {  	[smem:$0x3FB6] =	sst s10  }
0x35: {  	s10 =	sld [smem:$0x3FB5];
	_ =	sdelay $0x3  }
0x36: {  	p1 =	seq.s32 s10, $0x1;
	s10 =	sld [smem:$0x3FB6];
	_ =	sdelay $0x3  }
0x37: {  	[smem:$0x3FB6] =	sst s10  }
0x38: {  	s10 =	sld [smem:$0x3FB7]  }
0x39: {  	_ = 	snop;
	(pc) =	sbr.ind lr, $3  }
0x3a: {  	_ = 	snop  }
0x3b: {  	_ = 	snop  }
0x3c: {  	p2 =	seq.s32 s10, $0x1;
	s10 =	sld [smem:$0x3FB6]  }
0x3d: {  	_ =	shalt  }
0x3e: {  	_ =	shalt  }
0x3f: {  	_ =	shalt  }
0x40: {  	_ =	shalt  }
0x41: {  	_ =	shalt  }
0x42: {  	_ =	shalt  }
0x43: {  	_ =	shalt  }
0x44: {  	_ =	shalt  }
0x45: {  	_ =	shalt  }
0x46: {  	_ =	shalt  }
0x47: {  	_ =	shalt  }
0x48: {  	_ =	shalt  }
0x49: {  	_ =	shalt  }
0x4a: {  	_ =	shalt  }
0x4b: {  	_ =	shalt  }
0x4c: {  	_ =	shalt  }
0x4d: {  	_ =	shalt  }
0x4e: {  	_ =	shalt  }
0x4f: {  	_ =	shalt  }
0x50: {  	_ =	shalt  }
0x51: {  	_ =	shalt  }
0x52: {  	_ =	shalt  }
0x53: {  	_ =	shalt  }
0x54: {  	_ =	shalt  }
0x55: {  	_ =	shalt  }
0x56: {  	_ =	shalt  }
0x57: {  	_ =	shalt  }
0x58: {  	_ =	shalt  }
0x59: {  	_ =	shalt  }
0x5a: {  	_ =	shalt  }
0x5b: {  	_ =	shalt  }
0x5c: {  	_ =	shalt  }
0x5d: {  	_ =	shalt  }
0x5e: {  	_ =	shalt  }
0x5f: {  	_ =	shalt  }
0x60: {  	_ =	shalt  }
0x61: {  	_ =	shalt  }
0x62: {  	_ =	shalt  }
0x63: {  	_ =	shalt  }
0x64: {  	_ =	shalt  }
0x65: {  	_ =	shalt  }
0x66: {  	_ =	shalt  }
0x67: {  	_ =	shalt  }
0x68: {  	_ =	shalt  }
0x69: {  	_ =	shalt  }
0x6a: {  	_ =	shalt  }
0x6b: {  	_ =	shalt  }
0x6c: {  	_ =	shalt  }
0x6d: {  	_ =	shalt  }
0x6e: {  	_ =	shalt  }
0x6f: {  	_ =	shalt  }
0x70: {  	_ =	shalt  }
0x71: {  	_ =	shalt  }
0x72: {  	_ =	shalt  }
0x73: {  	_ =	shalt  }
0x74: {  	_ =	shalt  }
0x75: {  	_ =	shalt  }
0x76: {  	_ =	shalt  }
0x77: {  	_ =	shalt  }
0x78: {  	_ =	shalt  }
0x79: {  	_ =	shalt  }
0x7a: {  	_ =	shalt  }
0x7b: {  	_ =	shalt  }
0x7c: {  	_ =	shalt  }
0x7d: {  	_ =	shalt  }
0x7e: {  	_ =	shalt  }
0x7f: {  	_ =	shalt  }
0x80: {  	_ =	shalt  }
0x81: {  	_ =	shalt  }
0x82: {  	_ =	shalt  }
0x83: {  	_ =	shalt  }
0x84: {  	_ =	shalt  }
0x85: {  	_ =	shalt  }
0x86: {  	_ =	shalt  }
0x87: {  	_ =	shalt  }
.Lfunc_end0:
.L_simem_size_0:
called_computation.2_lowered:
.L_overlay_start_0:
0x88: {  	s2 =	sld [smem:$0x3FD9]  }
0x89: {  	s3 =	sld [smem:$0x3FFE];
	_ =	sdelay $0x1  }
0x8a: {  	s1 =	srdreg.scid  }
0x8b: {  	s0 =	sand.u32 $0x1, s1  }
0x8c: {  	s17 =	sshll.u32 s0, $0xA;
	s2 =	sadd.s32 s3, s2  }
0x8d: {  	s2 =	sadd.s32 s2, s17  }
0x8e: {  	[smem:$0x3FC2] =	sst s2  }
0x8f: {  	_ = 	snop  }
0x90: {  	s2 =	sld [smem:$0x3FC4]  }
0x91: {  	s18 =	sld [smem:$0x3FD0];
	(tm) =	ssettm $0x1  }
0x92: {  	s4 =	sld [smem:$0x3FFB];
	_ =	sdelay $0x3  }
0x93: {  	_ =	strace s4  }
0x94: {  	s4 =	sld [smem:$0x3FFC];
	_ =	sdelay $0x3  }
0x95: {  	_ =	strace s4  }
0x96: {  	s4 =	sld [smem:$0x3FFD];
	_ =	sdelay $0x3  }
0x97: {  	_ =	strace s4  }
0x98: {  	_ =	strace $0x8FFFFFFF  }
0x99: {  	s19 =	sld [smem:$0x3FDB];
	_ =	sdelay $0x1  }
0x9a: {  	s5 =	simm.s32 $_scs_section_size  }
0x9b: {  	s6 =	simm.s32 $_size__tile_overlayer_lowered;
	s7 =	simm.s32 $_tile_overlayer_lowered  }
0x9c: {  	s22 =	simm.s32 $0x1BFF;
	s21 =	sshll.u32 s7, $0x1;
	s4 =	sadd.s32 s5, s19  }
0x9d: {  	s8 =	simm.s32 $0x0;
	s20 =	sshll.u32 s6, $0x1;
	s6 =	sadd.s32 s21, s4  }
0x9e: {  	[timem:s8], [sflag:s22] =	dma.local [hbm:s6], s20  }
0x9f: {  	_ =	swait.ge [sflag:s22], s20  }
0xa0: {  	s5 =	ssub.s32 $0x0, s20;
	[sflag:s22] =	ssyncset.done $0x0  }
0xa1: {  	[sflag:s22] =	ssyncadd.s32 s5;
	_ =	sdelay $0x1  }
0xa2: {  	s23 =	simm.s32 $0x1B8B  }
0xa3: {  	_ =	swait.ge [sflag:s23], $0x1  }
0xa4: {  	[sflag:s23] =	ssyncset.done $0x0  }
0xa5: {  	s25 =	simm.s32 $0x1B8E;
	s24 =	sld [smem:$0x3FFE];
	[sflag:s23] =	ssyncadd.s32 $0xFFFFFFFF  }
0xa6: {  	s26 =	simm.s32 $execute0_lowered;
	[smem:$0x3FD2] =	sst s25  }
0xa7: {  	s6 =	sshll.u32 s26, $0x1;
	_ =	strace $0x8000004C;
	[dreg:$0x1] =	wrdreg $0xFFFFFFFF  }
0xa8: {  	s28 =	simm.s32 $_size_execute0_lowered;
	s4 =	sadd.s32 s4, s6;
	[dreg:$0x0] =	wrdreg $0x0  }
0xa9: {  	s6 =	sshll.u32 s28, $0x1;
	[dreg:$0x2] =	wrdreg s4  }
0xaa: {  	[dreg:$0x3] =	wrdreg s6  }
0xab: {  	[dreg:$0x4] =	wrdreg $0xC0  }
0xac: {  	_ =	task [dreg:s8], $0x5FFFF  }
0xad: {  	[dreg:$0x1] =	wrdreg $0xFFFFFFFF  }
0xae: {  	[dreg:$0x0] =	wrdreg $0x60  }
0xaf: {  	[dreg:$0x2] =	wrdreg s24  }
0xb0: {  	[dreg:$0x3] =	wrdreg s2  }
0xb1: {  	[dreg:$0x4] =	wrdreg s18  }
0xb2: {  	[dreg:$0x5] =	wrdreg $0x9  }
0xb3: {  	_ =	task.clear_ibuf [dreg:s8], $0x6FFFF;
	_ =	strace $0x9000004C  }
0xb4: {  	s29 =	simm.s32 $0x9;
	_ =	strace $0x8000004E  }
0xb5: {  	_ =	swait.ge [sflag:s29], $0x1  }
0xb6: {  	[sflag:s29] =	ssyncadd.s32 $0xFFFFFFFF  }
0xb7: {  	_ =	strace $0x9000004E  }
0xb8: {  	_ =	sfence  }
0xb9: {  	s30 =	sld [smem:$0x0];
	_ =	sdelay $0x2  }
0xba: {  	s31 =	sshll.u32 s1, $0xD;
	s1 =	sshrl.u32 s1, $0x2  }
0xbb: {  	s3 =	sand.u32 $0x4000, s31;
	s1 =	sadd.s32 s1, s30  }
0xbc: {  	s0 =	sor.u32 s3, s0;
	s1 =	sshll.u32 s1, $0x11  }
0xbd: {  	s0 =	sor.u32 s1, s0  }
0xbe: {  	s0 =	sadd.s32 $0x8F2B, s0  }
0xbf: {  	[sflag:s0] =	ssyncadd.remote.s32 $0x1  }
0xc0: {  	_ =	sfence.sel $0xFFFF  }
0xc1: {  	[dreg:$0x0] =	wrdreg $0xFFFFFFFF;
	(pc) =	sbr.abs _section_cstart, $3  }
0xc2: {  	[dreg:$0x1] =	wrdreg $0xFFFFFFFF  }
0xc3: {  	_ =	task.clear_ibuf [dreg:s8], $0x2FFFF;
	_ =	strace $0x9FFFFFFF  }
0xc4: {  	(tm) =	ssettm $0x7FFFFFFF  }
0xc5: {  	_ =	shalt  }
tec
execute0_lowered:
.L_overlay_start_1:
0x0: {  	(tag) =	ssettag $0x1  }
0x1: {  	s4 =	rddreg [dreg:$0x0]  }
0x2: {  	s1 =	srdreg.scid;
	s2 =	rddreg [dreg:$0x1]  }
0x3: {  	s0 =	stileid.u32;
	s6 =	rddreg [dreg:$0x2];
	v12 =	vlaneseq.u32;
	s9 =	simm.s32 $0x12000  }
0x4: {  	v1 =	vimm.s32 $0xFFF;
	v2 =	vimm.s32 $0x1000;
	v3 =	vimm.s32 $0x800;
	s10 =	simm.s32 $0x2;
	s11 =	simm.s32 $0x0;
	s5 =	sand.u32 $0x1, s1  }
0x5: {  	v4 =	vimm.s32 $0x400;
	v5 =	vimm.s32 $0x200;
	v6 =	vimm.s32 $0x100;
	s31 =	sshll.u32 s0, $0xC;
	s1 =	rddreg [dreg:$0x3];
	s3 =	sshll.u32 s5, $0xB  }
0x6: {  	v7 =	vimm.s32 $0x80;
	v8 =	vimm.s32 $0x40;
	v9 =	vimm.s32 $0x20;
	s5 =	ssub.s32 $0x2, s5;
	s7 =	sor.u32 s3, s31;
	s3 =	simm.s32 $0x0  }
0x7: {  	v10 =	vimm.s32 $0x10;
	v11 =	vimm.s32 $0x8;
	v13 =	vimm.s32 $0x4;
	s4 =	sadd.s32 $0x1200, s4;
	s8 =	sshrl.u32 s5, $0x1;
	[smem:$0x7FF] =	sst s3  }
0x8: {  	v14 =	vimm.s32 $0x1;
	v15 =	vimm.s32 $0x2;
	v0 =	vor.u32 s7, v12;
	s8 =	ssub.s32 s5, s8;
	s5 =	sadd.s32 s6, s7;
	s7 =	simm.s32 $0x2000  }
0x9: {  	v16 =	vimm.s32 $0x0;
	v17 =	vimm.s32 $0x1FFF;
	v12 =	vmul.u32 $0x8, v12;
	_ =	strace $0x8000004D;
	s6 =	smax.u32 s8, $0x1;
	s8 =	simm.s32 $0x1  }
.LBB2_1:
0xa: {  	[tilespmem:s3], [sflag:$0x1] =	stream.linear.gather [hbm4b:s2+s3], $0x2000, $0x38;
	[tilespmem:$0x16000] =	vst v63  }
0xb: {  	_ = 	snop  }
0xc: {  	[tilespmem:s7], [sflag:$0x1] =	stream.linear.gather [hbm4b:s4+s3], $0x10000, $0x38;
	[tilespmem:$0x16000] =	vst v63  }
0xd: {  	_ =	swait.ge [sflag:s8], $0x2000  }
0xe: {  	[sflag:s8] =	ssyncset.done $0x0  }
0xf: {  	[sflag:s8] =	ssyncadd.s32 $0xFFFFE000  }
0x10: {  	_ =	swait.ge [sflag:s8], $0x10000  }
0x11: {  	[sflag:s8] =	ssyncset.done $0x0  }
0x12: {  	s12 =	simm.s32 $0x0;
	[sflag:s8] =	ssyncadd.s32 $0xFFFF0000  }
.LBB2_2:
0x13: {  	v18 =	vld.idx.msk [tilespmem:v1+s3+$0x0], $0xffff;
	_ =	sdelay $0x3  }
0x14: {  	v19 =	vor.u32 s12, v0  }
0x15: {  	vm0 =	vgt.s32 v18, v19  }
0x16: {  	v18 =	vsel vm0, $0x0, v2  }
0x17: {  	v20 =	vor.u32 $0x7FF, v18;
	_ =	sdelay $0x4  }
0x18: {  	v20 =	vld.idx.msk [tilespmem:v20+s3+$0x0], $0xffff;
	_ =	sdelay $0x4  }
0x19: {  	vm13 =	vgt.s32 v20, v19  }
0x1a: {  	v20 =	vsel vm13, $0x0, v3  }
0x1b: {  	v18 =	vor.u32 v18, v20  }
0x1c: {  	v20 =	vor.u32 $0x3FF, v18;
	_ =	sdelay $0x4  }
0x1d: {  	v20 =	vld.idx.msk [tilespmem:v20+s3+$0x0], $0xffff;
	_ =	sdelay $0x4  }
0x1e: {  	vm14 =	vgt.s32 v20, v19  }
0x1f: {  	v20 =	vsel vm14, $0x0, v4  }
0x20: {  	v18 =	vor.u32 v20, v18  }
0x21: {  	v20 =	vor.u32 $0x1FF, v18;
	_ =	sdelay $0x4  }
0x22: {  	v20 =	vld.idx.msk [tilespmem:v20+s3+$0x0], $0xffff;
	_ =	sdelay $0x4  }
0x23: {  	vm15 =	vgt.s32 v20, v19  }
0x24: {  	v20 =	vsel vm15, $0x0, v5  }
0x25: {  	v18 =	vor.u32 v20, v18  }
0x26: {  	v20 =	vor.u32 $0xFF, v18;
	_ =	sdelay $0x4  }
0x27: {  	v20 =	vld.idx.msk [tilespmem:v20+s3+$0x0], $0xffff;
	_ =	sdelay $0x4  }
0x28: {  	vm4 =	vgt.s32 v20, v19  }
0x29: {  	v20 =	vsel vm4, $0x0, v6  }
0x2a: {  	v18 =	vor.u32 v20, v18  }
0x2b: {  	v20 =	vor.u32 $0x7F, v18;
	_ =	sdelay $0x4  }
0x2c: {  	v20 =	vld.idx.msk [tilespmem:v20+s3+$0x0], $0xffff;
	_ =	sdelay $0x4  }
0x2d: {  	vm5 =	vgt.s32 v20, v19  }
0x2e: {  	v20 =	vsel vm5, $0x0, v7  }
0x2f: {  	v18 =	vor.u32 v20, v18  }
0x30: {  	v20 =	vor.u32 $0x3F, v18;
	_ =	sdelay $0x4  }
0x31: {  	v20 =	vld.idx.msk [tilespmem:v20+s3+$0x0], $0xffff;
	_ =	sdelay $0x4  }
0x32: {  	vm6 =	vgt.s32 v20, v19  }
0x33: {  	v20 =	vsel vm6, $0x0, v8  }
0x34: {  	v18 =	vor.u32 v20, v18  }
0x35: {  	v20 =	vadd.s32 $0x1F, v18;
	_ =	sdelay $0x4  }
0x36: {  	v20 =	vld.idx.msk [tilespmem:v20+s3+$0x0], $0xffff;
	_ =	sdelay $0x4  }
0x37: {  	vm7 =	vgt.s32 v20, v19  }
0x38: {  	v20 =	vsel vm7, $0x0, v9  }
0x39: {  	v18 =	vadd.s32 v20, v18  }
0x3a: {  	v20 =	vadd.s32 $0xF, v18;
	_ =	sdelay $0x4  }
0x3b: {  	v20 =	vld.idx.msk [tilespmem:v20+s3+$0x0], $0xffff;
	_ =	sdelay $0x4  }
0x3c: {  	vm8 =	vgt.s32 v20, v19  }
0x3d: {  	v20 =	vsel vm8, $0x0, v10  }
0x3e: {  	v18 =	vadd.s32 v20, v18  }
0x3f: {  	v20 =	vadd.s32 $0x7, v18;
	_ =	sdelay $0x4  }
0x40: {  	v20 =	vld.idx.msk [tilespmem:v20+s3+$0x0], $0xffff;
	_ =	sdelay $0x4  }
0x41: {  	vm9 =	vgt.s32 v20, v19  }
0x42: {  	v20 =	vsel vm9, $0x0, v11  }
0x43: {  	v18 =	vadd.s32 v20, v18  }
0x44: {  	v20 =	vadd.s32 $0x3, v18;
	_ =	sdelay $0x4  }
0x45: {  	v20 =	vld.idx.msk [tilespmem:v20+s3+$0x0], $0xffff;
	_ =	sdelay $0x4  }
0x46: {  	vm10 =	vgt.s32 v20, v19  }
0x47: {  	v20 =	vsel vm10, $0x0, v13  }
0x48: {  	v18 =	vadd.s32 v20, v18  }
0x49: {  	v20 =	vadd.s32 $0x1, v18;
	_ =	sdelay $0x4  }
0x4a: {  	v20 =	vld.idx.msk [tilespmem:v20+s3+$0x0], $0xffff;
	_ =	sdelay $0x4  }
0x4b: {  	vm11 =	vgt.s32 v20, v19  }
0x4c: {  	v20 =	vsel vm11, $0x0, v15  }
0x4d: {  	v18 =	vadd.s32 v20, v18;
	_ =	sdelay $0x4  }
0x4e: {  	v20 =	vld.idx.msk [tilespmem:v18+s3+$0x0], $0xffff;
	_ =	sdelay $0x2  }
0x4f: {  	v21 =	vld.idx.msk [tilespmem:v17+s3+$0x0], $0xffff;
	_ =	sdelay $0x1  }
0x50: {  	vm12 =	vle.s32 v20, v19  }
0x51: {  	v20 =	vsel vm12, $0x1, v16  }
0x52: {  	v18 =	vadd.s32 v20, v18  }
0x53: {  	vm1 =	vle.s32 v21, v19;
	vm13 =	veq.s32 v18, $0x1FFF  }
0x54: {  	vm0 =	vmand vm1, vm13  }
0x55: {  	v56 =	vsel vm0, $0x1, v16  }
0x56: {  	v18 =	vadd.s32 v56, v18  }
0x57: {  	v20 =	vmax.u32 v18, $0x1  }
0x58: {  	v20 =	vsub.s32 v20, v14;
	_ =	sdelay $0x1  }
0x59: {  	v57 =	vshll.u32 v20, $0x3;
	_ =	sdelay $0x2  }
0x5a: {  	v20 =	vld.idx.msk [tilespmem:v20+s3+$0x0], $0xffff  }
0x5b: {  	v22 =	vmov s12  }
0x5c: {  	v22 =	vshll.u32 v22, $0x3;
	v23 =	vld.idx.msk [tilespmem:v57+s7+$0x0], $0xffff  }
0x5d: {  	v22 =	vor.u32 v12, v22  }
0x5e: {  	v24 =	vor.u32 $0x1, v57  }
0x5f: {  	vm15 =	vne.s32 v18, $0x0;
	vm14 =	veq.s32 v20, v19  }
0x60: {  	vm0 =	vmand vm14, vm15  }
0x61: {  	v18 =	vnsel vm0, $0x0, v23  }
0x62: {  	[tilespmem:v22+s9+$0x0] =	vst.idx.msk $0xffff, v18  }
0x63: {  	v18 =	vld.idx.msk [tilespmem:v24+s7+$0x0], $0xffff  }
0x64: {  	v19 =	vor.u32 $0x1, v22  }
0x65: {  	v58 =	vor.u32 $0x2, v57;
	_ =	sdelay $0x2  }
0x66: {  	v18 =	vnsel vm0, $0x0, v18  }
0x67: {  	[tilespmem:v19+s9+$0x0] =	vst.idx.msk $0xffff, v18  }
0x68: {  	v18 =	vld.idx.msk [tilespmem:v58+s7+$0x0], $0xffff  }
0x69: {  	v19 =	vor.u32 $0x2, v22  }
0x6a: {  	v59 =	vor.u32 $0x3, v57;
	_ =	sdelay $0x2  }
0x6b: {  	v18 =	vnsel vm0, $0x0, v18  }
0x6c: {  	[tilespmem:v19+s9+$0x0] =	vst.idx.msk $0xffff, v18  }
0x6d: {  	v18 =	vld.idx.msk [tilespmem:v59+s7+$0x0], $0xffff  }
0x6e: {  	v19 =	vor.u32 $0x3, v22  }
0x6f: {  	v60 =	vor.u32 $0x4, v57;
	_ =	sdelay $0x2  }
0x70: {  	v18 =	vnsel vm0, $0x0, v18  }
0x71: {  	[tilespmem:v19+s9+$0x0] =	vst.idx.msk $0xffff, v18  }
0x72: {  	v18 =	vld.idx.msk [tilespmem:v60+s7+$0x0], $0xffff  }
0x73: {  	v19 =	vor.u32 $0x4, v22  }
0x74: {  	v61 =	vor.u32 $0x5, v57;
	_ =	sdelay $0x2  }
0x75: {  	v18 =	vnsel vm0, $0x0, v18  }
0x76: {  	[tilespmem:v19+s9+$0x0] =	vst.idx.msk $0xffff, v18  }
0x77: {  	v18 =	vld.idx.msk [tilespmem:v61+s7+$0x0], $0xffff  }
0x78: {  	v19 =	vor.u32 $0x5, v22  }
0x79: {  	v62 =	vor.u32 $0x6, v57;
	_ =	sdelay $0x2  }
0x7a: {  	v18 =	vnsel vm0, $0x0, v18  }
0x7b: {  	[tilespmem:v19+s9+$0x0] =	vst.idx.msk $0xffff, v18  }
0x7c: {  	v18 =	vld.idx.msk [tilespmem:v62+s7+$0x0], $0xffff  }
0x7d: {  	v19 =	vor.u32 $0x6, v22  }
0x7e: {  	v63 =	vor.u32 $0x7, v57;
	_ =	sdelay $0x2  }
0x7f: {  	v18 =	vnsel vm0, $0x0, v18  }
0x80: {  	[tilespmem:v19+s9+$0x0] =	vst.idx.msk $0xffff, v18  }
0x81: {  	v18 =	vld.idx.msk [tilespmem:v63+s7+$0x0], $0xffff  }
0x82: {  	p0 =	sne.s32 s12, $0x7F0;
	v19 =	vor.u32 $0x7, v22  }
.Ltmp0:
0x83: {  	_ = 	snop;
	(pc) =	sbr.rel @p0 .LBB2_2-.Ltmp0, $3  }
0x84: {  	_ =	sdelay $0x1  }
0x85: {  	v18 =	vnsel vm0, $0x0, v18  }
0x86: {  	s12 =	sadd.s32 $0x10, s12;
	[tilespmem:v19+s9+$0x0] =	vst.idx.msk $0xffff, v18  }
0x87: {  	s11 =	sadd.s32 $0x1, s11  }
0x88: {  	p0 =	sne.s32 s11, s6  }
.Ltmp1:
0x89: {  	_ = 	snop;
	(pc) =	sbr.rel @p0 .LBB2_1-.Ltmp1, $4  }
0x8a: {  	[hbm4b:s5+s3] =	stream.linear.scatter [tilespmem:s9], [sflag:$0x2], $0x4000, $0x38;
	[tilespmem:$0x16000] =	vst v63  }
0x8b: {  	_ =	swait.ge [sflag:s10], $0x4000  }
0x8c: {  	[sflag:s10] =	ssyncset.done $0x0  }
0x8d: {  	[sflag:s10] =	ssyncadd.s32 $0xFFFFC000  }
0x8e: {  	_ =	sfence.sel $0x180000  }
0x8f: {  	[bflag:$0x0] =	sbarrier.arrive $0xFFFF  }
0x90: {  	p0 =	sne.s32 s0, $0x0;
	_ =	strace $0x9000004D  }
0x91: {  	s0 =	sadd.s32 @!p0 $0x100000, s1;
	[bflag:$0x2] =	sbarrier.arrive $0xFFFF  }
0x92: {  	[sflag:s0] =	ssyncadd.tile.s32 @!p0 $0x1;
	_ =	shalt  }
.Lfunc_end2:
_tile_overlayer_lowered:
.L_overlay_start_2:
0x93: {  	(tag) =	ssettag $0x2  }
0x94: {  	s0 =	rddreg [dreg:$0x0];
	s2 =	stileid.u32  }
0x95: {  	s1 =	rddreg [dreg:$0x1];
	p0 =	sne.s32 s2, $0x0  }
0x96: {  	s3 =	rddreg [dreg:$0x2];
	[bflag:$0x3] =	sbarrier.arrive $0xFFFF;
	s2 =	simm.s32 @!p0 $0x1C02  }
0x97: {  	[timem:s3], [sflag:s2] =	dma.local @!p0 [hbm:s0], s1  }
0x98: {  	s0 =	simm.s32 @!p0 $0x2  }
0x99: {  	_ =	swait.ge @!p0 [sflag:s0], s1  }
0x9a: {  	s1 =	ssub.s32 @!p0 $0x0, s1;
	[sflag:s0] =	ssyncset.done @!p0 $0x0  }
0x9b: {  	[sflag:s0] =	ssyncadd.s32 @!p0 s1  }
0x9c: {  	[bflag:$0x3] =	sbarrier.arrive $0xFFFF  }
0x9d: {  	_ =	shalt  }

// kernel: kernel.5.cloned.1.call-start
scs
__scs_entry_jumppad:
0x0: {  	(pc) =	sbr.rel $0x88, $3  }
0x1: {  	(tag) =	ssettag $0x0;
	lr =	simm.s32 $0x1  }
0x2: {  	[smem:$0x3F9B] =	sst lr;
	_ =	strace $0xD0000000  }
0x3: {  	_ = 	snop  }
0x4: {  	_ = 	snop  }
0x5: {  	_ = 	snop  }
0x6: {  	_ = 	snop  }
0x7: {  	_ = 	snop  }
__scs_overlays_trampoline_lowered:
0x8: {  	[smem:$0x3FAA] =	sst s0  }
0x9: {  	[smem:$0x3FAB] =	sst s1  }
0xa: {  	[smem:$0x3FAC] =	sst s2  }
0xb: {  	[smem:$0x3FAD] =	sst s3  }
0xc: {  	[smem:$0x3FAE] =	sst s4  }
0xd: {  	[smem:$0x3FAF] =	sst s5  }
0xe: {  	[smem:$0x3FB0] =	sst s6  }
0xf: {  	[smem:$0x3FB1] =	sst s7  }
0x10: {  	[smem:$0x3FB2] =	sst s8  }
0x11: {  	[smem:$0x3FB3] =	sst s9;
	s0 =	simm.s32 @!p0 $0x0  }
0x12: {  	s1 =	sld [smem:$0x3F99];
	s0 =	simm.s32 @p0 $0x1  }
0x13: {  	[smem:$0x3FB4] =	sst s0;
	s0 =	simm.s32 @!p1 $0x0  }
0x14: {  	s2 =	sld [smem:$0x3F98];
	s0 =	simm.s32 @p1 $0x1  }
0x15: {  	[smem:$0x3FB5] =	sst s0;
	s0 =	simm.s32 @!p2 $0x0  }
0x16: {  	s3 =	sld [smem:$0x3FDB];
	s0 =	simm.s32 @p2 $0x1  }
0x17: {  	s4 =	simm.s32 $0x1BF5;
	[smem:$0x3FB7] =	sst s0  }
0x18: {  	s0 =	sld [smem:$0x3F9A];
	_ =	swait.ge [sflag:s4], $0x0  }
0x19: {  	s7 =	sld [smem:$0x3F9B]  }
0x1a: {  	s8 =	sadd.s32 $0xFFFFE003, lr  }
0x1b: {  	s9 =	sadd.s32 $0xFFFFFEF7, lr;
	s5 =	simm.s32 $0xFFFFFFFF;
	p2 =	slt.u32 s8, $0xFFFFF086  }
0x1c: {  	p1 =	slt.u32 s9, $0xF7A;
	s5 =	simm.s32 @!p2 $0x0  }
0x1d: {  	s5 =	simm.s32 @p1 $0x1;
	p0 =	seq.s32 s7, s2  }
0x1e: {  	s7 =	smul.u32 @!p0 $0xF7A, s2;
	p2 =	seq.s32 @!p0 s5, $0x0  }
0x1f: {  	s9 =	smul.u32 $0xF7A, s1;
	s8 =	simm.s32 @!p0 $0x1BF5;
	p2 =	por !p2, p0  }
0x20: {  	[sflag:s8] =	ssyncset.s32 @!p0 $0xFFFFF086;
	s6 =	sadd.s32 @!p0 s3, s7;
	s7 =	simm.s32 @!p0 $0x108  }
0x21: {  	s3 =	sadd.s32 s3, s9;
	s6 =	sadd.s32 @!p0 $0x88, s6;
	s7 =	simm.s32 @p2 $0x1082  }
0x22: {  	[simem:s7], [sflag:s8] =	dma.local @!p0 [hbm:s6], $0xF7A  }
0x23: {  	s9 =	sor.u32 $0xD0000000, s2;
	s6 =	simm.s32 $0x108;
	_ =	swait.ge @!p0 [sflag:s8], $0x0  }
0x24: {  	s3 =	sadd.s32 $0x88, s3;
	s6 =	simm.s32 @!p1 $0x1082;
	[sflag:s4] =	ssyncset.s32 $0xFFFFF086  }
0x25: {  	[simem:s6], [sflag:s4] =	dma.local [hbm:s3], $0xF7A  }
0x26: {  	[smem:$0x3F9B] =	sst s1;
	(tag) =	ssettag s2;
	_ =	strace s9  }
0x27: {  	s1 =	sld [smem:$0x3FAB]  }
0x28: {  	s2 =	sld [smem:$0x3FAC]  }
0x29: {  	s4 =	sld [smem:$0x3FAE]  }
0x2a: {  	p0 =	seq.s32 s5, $0x0;
	s5 =	sld [smem:$0x3FAF]  }
0x2b: {  	s6 =	sld [smem:$0x3FB0]  }
0x2c: {  	s7 =	sld [smem:$0x3FB1]  }
0x2d: {  	s3 =	simm.s32 $0x108;
	s8 =	sld [smem:$0x3FB2]  }
0x2e: {  	s3 =	simm.s32 @!p0 $0x1082;
	s9 =	sld [smem:$0x3FB3]  }
0x2f: {  	lr =	sadd.s32 s0, s3;
	s0 =	sld [smem:$0x3FAA]  }
0x30: {  	s3 =	sld [smem:$0x3FAD]  }
0x31: {  	[smem:$0x3FB6] =	sst s10  }
0x32: {  	s10 =	sld [smem:$0x3FB4];
	_ =	sdelay $0x3  }
0x33: {  	p0 =	seq.s32 s10, $0x1;
	s10 =	sld [smem:$0x3FB6];
	_ =	sdelay $0x3  }
0x34: {  	[smem:$0x3FB6] =	sst s10  }
0x35: {  	s10 =	sld [smem:$0x3FB5];
	_ =	sdelay $0x3  }
0x36: {  	p1 =	seq.s32 s10, $0x1;
	s10 =	sld [smem:$0x3FB6];
	_ =	sdelay $0x3  }
0x37: {  	[smem:$0x3FB6] =	sst s10  }
0x38: {  	s10 =	sld [smem:$0x3FB7]  }
0x39: {  	_ = 	snop;
	(pc) =	sbr.ind lr, $3  }
0x3a: {  	_ = 	snop  }
0x3b: {  	_ = 	snop  }
0x3c: {  	p2 =	seq.s32 s10, $0x1;
	s10 =	sld [smem:$0x3FB6]  }
0x3d: {  	_ =	shalt  }
0x3e: {  	_ =	shalt  }
0x3f: {  	_ =	shalt  }
0x40: {  	_ =	shalt  }
0x41: {  	_ =	shalt  }
0x42: {  	_ =	shalt  }
0x43: {  	_ =	shalt  }
0x44: {  	_ =	shalt  }
0x45: {  	_ =	shalt  }
0x46: {  	_ =	shalt  }
0x47: {  	_ =	shalt  }
0x48: {  	_ =	shalt  }
0x49: {  	_ =	shalt  }
0x4a: {  	_ =	shalt  }
0x4b: {  	_ =	shalt  }
0x4c: {  	_ =	shalt  }
0x4d: {  	_ =	shalt  }
0x4e: {  	_ =	shalt  }
0x4f: {  	_ =	shalt  }
0x50: {  	_ =	shalt  }
0x51: {  	_ =	shalt  }
0x52: {  	_ =	shalt  }
0x53: {  	_ =	shalt  }
0x54: {  	_ =	shalt  }
0x55: {  	_ =	shalt  }
0x56: {  	_ =	shalt  }
0x57: {  	_ =	shalt  }
0x58: {  	_ =	shalt  }
0x59: {  	_ =	shalt  }
0x5a: {  	_ =	shalt  }
0x5b: {  	_ =	shalt  }
0x5c: {  	_ =	shalt  }
0x5d: {  	_ =	shalt  }
0x5e: {  	_ =	shalt  }
0x5f: {  	_ =	shalt  }
0x60: {  	_ =	shalt  }
0x61: {  	_ =	shalt  }
0x62: {  	_ =	shalt  }
0x63: {  	_ =	shalt  }
0x64: {  	_ =	shalt  }
0x65: {  	_ =	shalt  }
0x66: {  	_ =	shalt  }
0x67: {  	_ =	shalt  }
0x68: {  	_ =	shalt  }
0x69: {  	_ =	shalt  }
0x6a: {  	_ =	shalt  }
0x6b: {  	_ =	shalt  }
0x6c: {  	_ =	shalt  }
0x6d: {  	_ =	shalt  }
0x6e: {  	_ =	shalt  }
0x6f: {  	_ =	shalt  }
0x70: {  	_ =	shalt  }
0x71: {  	_ =	shalt  }
0x72: {  	_ =	shalt  }
0x73: {  	_ =	shalt  }
0x74: {  	_ =	shalt  }
0x75: {  	_ =	shalt  }
0x76: {  	_ =	shalt  }
0x77: {  	_ =	shalt  }
0x78: {  	_ =	shalt  }
0x79: {  	_ =	shalt  }
0x7a: {  	_ =	shalt  }
0x7b: {  	_ =	shalt  }
0x7c: {  	_ =	shalt  }
0x7d: {  	_ =	shalt  }
0x7e: {  	_ =	shalt  }
0x7f: {  	_ =	shalt  }
0x80: {  	_ =	shalt  }
0x81: {  	_ =	shalt  }
0x82: {  	_ =	shalt  }
0x83: {  	_ =	shalt  }
0x84: {  	_ =	shalt  }
0x85: {  	_ =	shalt  }
0x86: {  	_ =	shalt  }
0x87: {  	_ =	shalt  }
.Lfunc_end0:
.L_simem_size_0:
called_computation_lowered:
.L_overlay_start_0:
0x88: {  	s2 =	sld [smem:$0x3FD9]  }
0x89: {  	s3 =	sld [smem:$0x3FFE];
	_ =	sdelay $0x1  }
0x8a: {  	s1 =	srdreg.scid  }
0x8b: {  	s0 =	sand.u32 $0x1, s1  }
0x8c: {  	s17 =	sshll.u32 s0, $0xA;
	s2 =	sadd.s32 s3, s2  }
0x8d: {  	s2 =	sadd.s32 s2, s17  }
0x8e: {  	[smem:$0x3FC2] =	sst s2  }
0x8f: {  	_ = 	snop  }
0x90: {  	s2 =	sld [smem:$0x3FC9]  }
0x91: {  	s18 =	sld [smem:$0x3FC8]  }
0x92: {  	s4 =	sld [smem:$0x3FC5]  }
0x93: {  	s5 =	sld [smem:$0x3FD0];
	(tm) =	ssettm $0x1  }
0x94: {  	s6 =	sld [smem:$0x3FFB];
	_ =	sdelay $0x3  }
0x95: {  	_ =	strace s6  }
0x96: {  	s6 =	sld [smem:$0x3FFC];
	_ =	sdelay $0x3  }
0x97: {  	_ =	strace s6  }
0x98: {  	s6 =	sld [smem:$0x3FFD];
	_ =	sdelay $0x3  }
0x99: {  	_ =	strace s6  }
0x9a: {  	_ =	strace $0x8FFFFFFF  }
0x9b: {  	s19 =	sld [smem:$0x3FDB];
	_ =	sdelay $0x1  }
0x9c: {  	s7 =	simm.s32 $_scs_section_size  }
0x9d: {  	s8 =	simm.s32 $_size__tile_overlayer_lowered;
	s9 =	simm.s32 $_tile_overlayer_lowered  }
0x9e: {  	s22 =	simm.s32 $0x1BFF;
	s21 =	sshll.u32 s9, $0x1;
	s6 =	sadd.s32 s7, s19  }
0x9f: {  	s10 =	simm.s32 $0x0;
	s20 =	sshll.u32 s8, $0x1;
	s8 =	sadd.s32 s21, s6  }
0xa0: {  	[timem:s10], [sflag:s22] =	dma.local [hbm:s8], s20  }
0xa1: {  	_ =	swait.ge [sflag:s22], s20  }
0xa2: {  	s7 =	ssub.s32 $0x0, s20;
	[sflag:s22] =	ssyncset.done $0x0  }
0xa3: {  	[sflag:s22] =	ssyncadd.s32 s7;
	_ =	sdelay $0x1  }
0xa4: {  	s23 =	simm.s32 $0x1B8B  }
0xa5: {  	_ =	swait.ge [sflag:s23], $0x1  }
0xa6: {  	[sflag:s23] =	ssyncset.done $0x0  }
0xa7: {  	s25 =	simm.s32 $0x1B8E;
	s24 =	sld [smem:$0x3FFE];
	[sflag:s23] =	ssyncadd.s32 $0xFFFFFFFF  }
0xa8: {  	s26 =	simm.s32 $execute0_lowered;
	[smem:$0x3FD2] =	sst s25  }
0xa9: {  	s8 =	sshll.u32 s26, $0x1;
	_ =	strace $0x80000046;
	[dreg:$0x1] =	wrdreg $0xFFFFFFFF  }
0xaa: {  	s28 =	simm.s32 $_size_execute0_lowered;
	s6 =	sadd.s32 s6, s8;
	[dreg:$0x0] =	wrdreg $0x0  }
0xab: {  	s8 =	sshll.u32 s28, $0x1;
	[dreg:$0x2] =	wrdreg s6  }
0xac: {  	[dreg:$0x3] =	wrdreg s8  }
0xad: {  	[dreg:$0x4] =	wrdreg $0xC0  }
0xae: {  	_ =	task [dreg:s10], $0x5FFFF  }
0xaf: {  	[dreg:$0x1] =	wrdreg $0xFFFFFFFF  }
0xb0: {  	[dreg:$0x0] =	wrdreg $0x60  }
0xb1: {  	[dreg:$0x2] =	wrdreg s2  }
0xb2: {  	[dreg:$0x3] =	wrdreg s18  }
0xb3: {  	[dreg:$0x4] =	wrdreg s24  }
0xb4: {  	[dreg:$0x5] =	wrdreg s4  }
0xb5: {  	[dreg:$0x6] =	wrdreg s5  }
0xb6: {  	[dreg:$0x7] =	wrdreg $0x9  }
0xb7: {  	_ =	task.clear_ibuf [dreg:s10], $0x8FFFF;
	_ =	strace $0x90000046  }
0xb8: {  	s29 =	simm.s32 $0x9;
	_ =	strace $0x80000048  }
0xb9: {  	_ =	swait.ge [sflag:s29], $0x1  }
0xba: {  	[sflag:s29] =	ssyncadd.s32 $0xFFFFFFFF  }
0xbb: {  	_ =	strace $0x90000048  }
0xbc: {  	_ =	sfence  }
0xbd: {  	s30 =	sld [smem:$0x0];
	_ =	sdelay $0x2  }
0xbe: {  	s31 =	sshll.u32 s1, $0xD;
	s1 =	sshrl.u32 s1, $0x2  }
0xbf: {  	s3 =	sand.u32 $0x4000, s31;
	s1 =	sadd.s32 s1, s30  }
0xc0: {  	s0 =	sor.u32 s3, s0;
	s1 =	sshll.u32 s1, $0x11  }
0xc1: {  	s0 =	sor.u32 s1, s0  }
0xc2: {  	s0 =	sadd.s32 $0x8F2B, s0  }
0xc3: {  	[sflag:s0] =	ssyncadd.remote.s32 $0x1  }
0xc4: {  	_ =	sfence.sel $0xFFFF  }
0xc5: {  	[dreg:$0x0] =	wrdreg $0xFFFFFFFF;
	(pc) =	sbr.abs _section_cstart, $3  }
0xc6: {  	[dreg:$0x1] =	wrdreg $0xFFFFFFFF  }
0xc7: {  	_ =	task.clear_ibuf [dreg:s10], $0x2FFFF;
	_ =	strace $0x9FFFFFFF  }
0xc8: {  	(tm) =	ssettm $0x7FFFFFFF  }
0xc9: {  	_ =	shalt  }
tec
execute0_lowered:
.L_overlay_start_1:
0x0: {  	(tag) =	ssettag $0x1  }
0x1: {  	v0 =	vimm.s32 $0x65432100  }
0x2: {  	s0 =	rddreg [dreg:$0x0];
	v1 =	vimm.s32 $0xEDCBA987;
	v2 =	vimm.s32 $0xFFEDCBA9;
	v3 =	vimm.s32 $0x87654321  }
0x3: {  	s1 =	rddreg [dreg:$0x1];
	v5 =	vimm.s32 $0xDCBA9876;
	vm0 =	vcmask $0x3F3C;
	v1 =	vunpack.c.l.s4.s8 v1  }
0x4: {  	s3 =	rddreg [dreg:$0x2];
	v0 =	vunpack.c.l.s4.s8 v0;
	v2 =	vunpack.c.l.s4.s8 v2;
	v3 =	vunpack.c.l.s4.s8 v3  }
0x5: {  	s2 =	rddreg [dreg:$0x3];
	v6 =	vimm.s32 $0xBA987654;
	v7 =	vimm.s32 $0x32100000;
	v1 =	vunpack.c.0.s8.s32 v1  }
0x6: {  	s4 =	rddreg [dreg:$0x4];
	s5 =	simm.s32 $0x0;
	v4 =	vunpack.c.0.s8.s32 v0;
	v2 =	vunpack.c.0.s8.s32 v2;
	v3 =	vunpack.c.0.s8.s32 v3  }
0x7: {  	s6 =	srdreg.scid;
	s7 =	stileid.u32;
	vm1 =	vcmask $0x3F04;
	s13 =	simm.s32 $0x14880;
	v5 =	vunpack.c.l.s4.s8 v5;
	v1 =	vand.u32 $0xF, v1  }
0x8: {  	s14 =	simm.s32 $0x2;
	s15 =	simm.s32 $0x800;
	s16 =	simm.s32 $0x4000;
	v2 =	vcombine.low v3, v2;
	v3 =	vimm.s32 $0x54321000;
	v1 =	vcombine.low v4, v1  }
0x9: {  	s17 =	simm.s32 $0x1000;
	s18 =	simm.s32 $0x2800;
	s19 =	simm.s32 $0x1800;
	v3 =	vunpack.c.l.s4.s8 v3;
	v4 =	vunpack.c.0.s8.s32 v5;
	v5 =	vimm.s32 $0xE40000  }
0xa: {  	vm2 =	vcmask $0x3F08;
	vm4 =	vcmask $0x3F30;
	s20 =	simm.s32 $0x3000;
	s21 =	simm.s32 $0x2000;
	s22 =	simm.s32 $0x3800;
	v5 =	vunpack.c.l.s2.s4 v5  }
0xb: {  	vm3 =	vcmask $0x3F10;
	s23 =	simm.s32 $0x1;
	s24 =	simm.s32 $0x14800;
	s25 =	simm.s32 $0x4800;
	vm5 =	vcmask $0x3F0C;
	v3 =	vunpack.c.0.s8.s32 v3  }
0xc: {  	s26 =	simm.s32 $0x14900;
	s28 =	simm.s32 $0x0;
	s29 =	simm.s32 $0x0;
	v6 =	vunpack.c.l.s4.s8 v6;
	v4 =	vand.u32 $0xF, v4;
	v5 =	vunpack.c.l.s4.s8 v5  }
0xd: {  	vm6 =	vmmov $0x1;
	[smem:$0x7FF] =	sst s5;
	s8 =	sand.u32 $0x1, s6;
	s7 =	sshll.u32 s7, $0x1;
	v3 =	vcombine.low v3, v4;
	v4 =	vunpack.c.l.s4.s8 v7  }
0xe: {  	s6 =	sadd.s32 $0x1200, s3;
	_ =	strace $0x80000047;
	s10 =	sor.u32 s8, s7;
	v6 =	vunpack.c.0.s8.s32 v6;
	v7 =	vimm.s32 $0x7060504;
	v5 =	vunpack.c.0.s8.s32 v5  }
0xf: {  	s7 =	sadd.s32 $0x31200, s3;
	s11 =	ssub.s32 $0x2, s8;
	v0 =	vimm.f32 $0.0e+00;
	s9 =	sshll.u32 s10, $0xD;
	v7 =	vunpack.c.0.s8.s32 v7;
	v4 =	vunpack.c.0.s8.s32 v4  }
0x10: {  	s30 =	sshrl.u32 s11, $0x1;
	s8 =	sshll.u32 s10, $0xB;
	s31 =	sshll.u32 s10, $0x1;
	v6 =	vand.u32 $0xF, v6;
	v2 =	vand.u32 $0xF, v2;
	v5 =	vand.u32 $0x3, v5  }
0x11: {  	s3 =	sadd.s32 s9, s3;
	s12 =	ssub.s32 s11, s30;
	s9 =	sadd.s32 s2, s8;
	v4 =	vcombine.low v4, v6;
	v5 =	vsel vm4, v7, v5;
	v7 =	vlaneseq.u32  }
0x12: {  	s11 =	sadd.s32 s4, s31;
	s10 =	sadd.s32 $0x61200, s3;
	s12 =	smax.u32 s12, $0x1;
	vm4 =	vcmask $0x3F20;
	v6 =	vimm.s32 $0xF;
	v7 =	vor.u32 $0x80000000, v7  }
.LBB2_1:
0x13: {  	s3 =	simm.s32 $0x40;
	s4 =	simm.s32 $0x0  }
.LBB2_2:
0x14: {  	p0 =	sne.s32 s3, $0x3FFC0;
	[tilespmem:s4+$0x4800] =	vst v0;
	s4 =	smov.u32 s3;
	s3 =	sadd.s32 $0x40, s3  }
.Ltmp0:
0x15: {  	(pc) =	sbr.rel @p0 .LBB2_2-.Ltmp0, $2  }
0x16: {  	_ =	sdelay $0x2  }
0x17: {  	s4 =	sshra.s32 s4, $0x2  }
0x18: {  	[tilespmem:s4+$0x4800] =	vst v0  }
0x19: {  	[tilespmem:s13], [sflag:$0x2] =	stream.linear.gather [hbm4b:s9+s29], $0x10, $0x38;
	[tilespmem:$0x14980] =	vst v63  }
0x1a: {  	_ =	swait.ge [sflag:s14], $0x10  }
0x1b: {  	[sflag:s14] =	ssyncset.done $0x0  }
0x1c: {  	[sflag:s14] =	ssyncadd.s32 $0xFFFFFFF0  }
0x1d: {  	v9 =	vimm.f32 $1.000000000e+00;
	v10 =	vimm.s32 $0xFFFFFFFF;
	s30 =	simm.s32 $0x0;
	v8 =	vld.msk [tilespmem:s13+$0x0], $0xffff  }
.LBB2_4:
0x1e: {  	s3 =	sshll.u32 s30, $0x8  }
0x1f: {  	s3 =	sadd.s32 s8, s3  }
0x20: {  	s4 =	sadd.s32 s0, s3  }
0x21: {  	[tilespmem:s29], [sflag:$0x1] =	stream.linear.gather [hbm4b:s4+s29], $0x800, $0x38;
	[tilespmem:$0x14980] =	vst v63  }
0x22: {  	s4 =	sadd.s32 s1, s3  }
0x23: {  	[tilespmem:s15], [sflag:$0x1] =	stream.linear.gather [hbm4b:s4+s29], $0x800, $0x38;
	[tilespmem:$0x14980] =	vst v63  }
0x24: {  	s4 =	sadd.s32 s2, s3  }
0x25: {  	[tilespmem:s16], [sflag:$0x1] =	stream.linear.gather [hbm4b:s4+s29], $0x800, $0x38;
	[tilespmem:$0x14980] =	vst v63  }
0x26: {  	s4 =	sadd.s32 s6, s3  }
0x27: {  	[tilespmem:s17], [sflag:$0x1] =	stream.linear.gather [hbm4b:s4+s29], $0x800, $0x38;
	[tilespmem:$0x14980] =	vst v63  }
0x28: {  	s4 =	sadd.s32 s7, s3  }
0x29: {  	[tilespmem:s18], [sflag:$0x1] =	stream.linear.gather [hbm4b:s4+s29], $0x800, $0x38;
	[tilespmem:$0x14980] =	vst v63  }
0x2a: {  	s4 =	sor.u32 $0x10000, s3  }
0x2b: {  	s31 =	sadd.s32 s6, s4  }
0x2c: {  	[tilespmem:s19], [sflag:$0x1] =	stream.linear.gather [hbm4b:s31+s29], $0x800, $0x38;
	[tilespmem:$0x14980] =	vst v63  }
0x2d: {  	s3 =	sor.u32 $0x20000, s3;
	s4 =	sadd.s32 s7, s4  }
0x2e: {  	[tilespmem:s20], [sflag:$0x1] =	stream.linear.gather [hbm4b:s4+s29], $0x800, $0x38;
	[tilespmem:$0x14980] =	vst v63  }
0x2f: {  	s4 =	sadd.s32 s6, s3  }
0x30: {  	[tilespmem:s21], [sflag:$0x1] =	stream.linear.gather [hbm4b:s4+s29], $0x800, $0x38;
	[tilespmem:$0x14980] =	vst v63  }
0x31: {  	s3 =	sadd.s32 s7, s3  }
0x32: {  	[tilespmem:s22], [sflag:$0x1] =	stream.linear.gather [hbm4b:s3+s29], $0x800, $0x38;
	[tilespmem:$0x14980] =	vst v63  }
0x33: {  	_ =	swait.ge [sflag:s23], $0x800  }
0x34: {  	[sflag:s23] =	ssyncset.done $0x0  }
0x35: {  	[sflag:s23] =	ssyncadd.s32 $0xFFFFF800  }
0x36: {  	_ =	swait.ge [sflag:s23], $0x800  }
0x37: {  	[sflag:s23] =	ssyncset.done $0x0  }
0x38: {  	[sflag:s23] =	ssyncadd.s32 $0xFFFFF800  }
0x39: {  	_ =	swait.ge [sflag:s23], $0x800  }
0x3a: {  	[sflag:s23] =	ssyncset.done $0x0  }
0x3b: {  	[sflag:s23] =	ssyncadd.s32 $0xFFFFF800  }
0x3c: {  	_ =	swait.ge [sflag:s23], $0x800  }
0x3d: {  	[sflag:s23] =	ssyncset.done $0x0  }
0x3e: {  	[sflag:s23] =	ssyncadd.s32 $0xFFFFF800  }
0x3f: {  	_ =	swait.ge [sflag:s23], $0x800  }
0x40: {  	[sflag:s23] =	ssyncset.done $0x0  }
0x41: {  	[sflag:s23] =	ssyncadd.s32 $0xFFFFF800  }
0x42: {  	_ =	swait.ge [sflag:s23], $0x800  }
0x43: {  	[sflag:s23] =	ssyncset.done $0x0  }
0x44: {  	[sflag:s23] =	ssyncadd.s32 $0xFFFFF800  }
0x45: {  	_ =	swait.ge [sflag:s23], $0x800  }
0x46: {  	[sflag:s23] =	ssyncset.done $0x0  }
0x47: {  	[sflag:s23] =	ssyncadd.s32 $0xFFFFF800  }
0x48: {  	_ =	swait.ge [sflag:s23], $0x800  }
0x49: {  	[sflag:s23] =	ssyncset.done $0x0  }
0x4a: {  	[sflag:s23] =	ssyncadd.s32 $0xFFFFF800  }
0x4b: {  	_ =	swait.ge [sflag:s23], $0x800  }
0x4c: {  	[sflag:s23] =	ssyncset.done $0x0  }
0x4d: {  	s4 =	simm.s32 $0x0;
	[sflag:s23] =	ssyncadd.s32 $0xFFFFF800  }
0x4e: {  	v11 =	vld [tilespmem:s4+$0x0];
	_ =	sdelay $0x1  }
0x4f: {  	v12 =	vld [tilespmem:s4+$0x4000];
	_ =	sdelay $0x2  }
0x50: {  	v13 =	vsub.f32 $1.000000000e+00, v11;
	_ =	sdelay $0x1  }
0x51: {  	[tilespmem:$0x14880] =	vst v12;
	v13 =	vadd.f32 $1.000000010e-10, v13  }
0x52: {  	v14 =	vld.idx.msk [tilespmem:v1+s13+$0x0], $0xffff  }
0x53: {  	v15 =	vld.idx.msk [tilespmem:v2+s13+$0x0], $0xffff;
	[tilespmem:$0x14800] =	vst v13  }
0x54: {  	v16 =	vld.idx.msk [tilespmem:v1+s13+$0x0], $0xffff;
	_ =	sdelay $0x1  }
0x55: {  	v17 =	vld.idx.msk [tilespmem:v1+s24+$0x0], $0xffff;
	_ =	sdelay $0x2  }
0x56: {  	vm7 =	veq.s32 v16, v12  }
0x57: {  	vm7 =	vmand vm7, vm1  }
0x58: {  	v37 =	vnsel vm7, $0x3F800000, v17  }
0x59: {  	v16 =	vmul.f32 v37, v13;
	_ =	sdelay $0x1  }
0x5a: {  	[tilespmem:$0x14800] =	vst v16  }
0x5b: {  	v38 =	vld.idx.msk [tilespmem:v3+s13+$0x0], $0xffff;
	_ =	sdelay $0x1  }
0x5c: {  	v18 =	vld.idx.msk [tilespmem:v3+s24+$0x0], $0xffff;
	_ =	sdelay $0x2  }
0x5d: {  	vm7 =	veq.s32 v38, v12  }
0x5e: {  	vm7 =	vmand vm7, vm2  }
0x5f: {  	v39 =	vnsel vm7, $0x3F800000, v18  }
0x60: {  	v16 =	vmul.f32 v39, v16;
	_ =	sdelay $0x1  }
0x61: {  	[tilespmem:$0x14800] =	vst v16  }
0x62: {  	v40 =	vld.idx.msk [tilespmem:v4+s13+$0x0], $0xffff;
	_ =	sdelay $0x1  }
0x63: {  	v41 =	vld.idx.msk [tilespmem:v4+s24+$0x0], $0xffff;
	_ =	sdelay $0x2  }
0x64: {  	vm7 =	veq.s32 v40, v12  }
0x65: {  	vm7 =	vmand vm7, vm3  }
0x66: {  	v42 =	vnsel vm7, $0x3F800000, v41  }
0x67: {  	v16 =	vmul.f32 v42, v16;
	_ =	sdelay $0x1  }
0x68: {  	[tilespmem:$0x14800] =	vst v16  }
0x69: {  	(erf) = vrcp.f32 v13;
	v43 =	vld.idx.msk [tilespmem:v5+s13+$0x0], $0xffff;
	_ =	sdelay $0x1  }
0x6a: {  	v44 =	vld.idx.msk [tilespmem:v5+s24+$0x0], $0xffff;
	_ =	sdelay $0x2  }
0x6b: {  	vm7 =	veq.s32 v43, v12  }
0x6c: {  	vm7 =	vmand vm7, vm4  }
0x6d: {  	v45 =	vnsel vm7, $0x3F800000, v44  }
0x6e: {  	v16 =	vmul.f32 v45, v16  }
0x6f: {  	v46 =	vpop (erf)  }
0x70: {  	vm7 =	veq.s32 v12, v10;
	v10 =	vmul.f32 v16, v46  }
0x71: {  	v9 =	vnsel vm7, $0x3F800000, v9  }
0x72: {  	vm7 =	veq.s32 v12, v14;
	v9 =	vmul.f32 v10, v9  }
0x73: {  	v10 =	vsel vm7, $0x80000000, v7  }
0x74: {  	(xrf0) =	vmax.scan.msk.u32 $0xffff, v10;
	v11 =	vmul.f32 v9, v11  }
0x75: {  	v9 =	vmul.f32 v9, v13  }
0x76: {  	(xrf2) =	vadd.scan.msk.f32 $0xffff, v11  }
0x77: {  	[tilespmem:$0x14800] =	vst v9  }
0x78: {  	v9 =	vld.idx.msk [tilespmem:v6+s24+$0x0], $0xffff;
	[tilespmem:$0x14880] =	vst v12  }
0x79: {  	v10 =	vld [tilespmem:s4+$0x800]  }
0x7a: {  	v13, _, _ =	vpop (xrf0)  }
0x7b: {  	v14 =	vld [tilespmem:s4+$0x1800];
	v47 =	vadd.s32 $0x7FFFFFFF, v13  }
0x7c: {  	v48 =	vld [tilespmem:s4+$0x1000];
	vm7 =	vgt.s32 v47, $0x0  }
0x7d: {  	v19 =	vld [tilespmem:s4+$0x3000];
	v16 =	vnsel vm7, $0x0, v47  }
0x7e: {  	v20 =	vld [tilespmem:s4+$0x2800];
	v21 =	vmul.f32 v11, v10  }
0x7f: {  	v49 =	vld [tilespmem:s4+$0x3800]  }
0x80: {  	v22 =	vld [tilespmem:s4+$0x2000];
	v23, _, _ =	vpop (xrf2);
	(xrf2) =	vadd.scan.msk.f32 $0xffff, v21  }
0x81: {  	v10 =	vld.idx.msk [tilespmem:v6+s13+$0x0], $0xffff;
	[tilespmem:$0x14800] =	vst v23  }
0x82: {  	vm7 =	vne.s32 v12, v15;
	v15 =	vld.idx.msk [tilespmem:v16+s24+$0x0], $0xffff  }
0x83: {  	v12 =	vshll.u32 v12, $0x3;
	v19 =	vmax.f32 v19, $-1.000000000e+00;
	v20 =	vmax.f32 v20, $-1.000000000e+00  }
0x84: {  	vm7 =	vmor vm7, vm0;
	v19 =	vmin.f32 v19, $1.000000000e+00;
	v20 =	vmin.f32 v20, $1.000000000e+00  }
0x85: {  	v18 =	vmax.f32 v49, $-1.000000000e+00;
	v50 =	vmul.f32 v19, v19;
	v24 =	vmul.f32 v20, v20  }
0x86: {  	vm8 =	vgt.u32 v13, $0x80000000;
	v18 =	vmin.f32 v18, $1.000000000e+00  }
0x87: {  	v51 =	vmul.f32 v18, v18;
	v13 =	vadd.f32 v50, v24;
	v15 =	vnsel vm8, $0x0, v15  }
0x88: {  	v17 =	vmul.f32 v48, v11;
	v15 =	vsub.f32 v23, v15  }
0x89: {  	v13 =	vadd.f32 v51, v13  }
0x8a: {  	v52, _, _ =	vpop (xrf2);
	[tilespmem:v12+s25+$0x0] =	vst.idx.add.f32.msk vm7, v15;
	(xrf2) =	vadd.scan.msk.f32 $0xffff, v17  }
0x8b: {  	v15 =	vshrl.u32 v13, $0x1;
	v13 =	vmul.f32 $5.000000000e-01, v13;
	[tilespmem:$0x14800] =	vst v52  }
0x8c: {  	v15 =	vsub.s32 $0x5F3759DF, v15;
	v53 =	vld.idx.msk [tilespmem:v16+s24+$0x0], $0xffff  }
0x8d: {  	v54 =	vmul.f32 v15, v13;
	_ =	sdelay $0x1  }
0x8e: {  	v55 =	vor.u32 $0x1, v12;
	v23 =	vmul.f32 v15, v54;
	_ =	sdelay $0x1  }
0x8f: {  	v23 =	vsub.f32 $1.500000000e+00, v23;
	v17 =	vnsel vm8, $0x0, v53  }
0x90: {  	v14 =	vmul.f32 v14, v11;
	v17 =	vsub.f32 v52, v17  }
0x91: {  	v15 =	vmul.f32 v15, v23  }
0x92: {  	v56, _, _ =	vpop (xrf2);
	[tilespmem:v55+s25+$0x0] =	vst.idx.add.f32.msk vm7, v17;
	(xrf2) =	vadd.scan.msk.f32 $0xffff, v14  }
0x93: {  	v14 =	vmul.f32 v15, v13;
	[tilespmem:$0x14800] =	vst v56  }
0x94: {  	v17 =	vld.idx.msk [tilespmem:v16+s24+$0x0], $0xffff  }
0x95: {  	v14 =	vmul.f32 v14, v15;
	_ =	sdelay $0x1  }
0x96: {  	v57 =	vor.u32 $0x2, v12;
	v14 =	vsub.f32 $1.500000000e+00, v14;
	_ =	sdelay $0x1  }
0x97: {  	v14 =	vmul.f32 v14, v15;
	v15 =	vnsel vm8, $0x0, v17  }
0x98: {  	v58 =	vmul.f32 v22, v11;
	v15 =	vsub.f32 v56, v15  }
0x99: {  	v13 =	vmul.f32 v14, v13  }
0x9a: {  	v59, _, _ =	vpop (xrf2);
	[tilespmem:v57+s25+$0x0] =	vst.idx.add.f32.msk vm7, v15;
	(xrf2) =	vadd.scan.msk.f32 $0xffff, v58  }
0x9b: {  	v13 =	vmul.f32 v13, v14;
	[tilespmem:$0x14800] =	vst v59  }
0x9c: {  	v15 =	vld.idx.msk [tilespmem:v16+s24+$0x0], $0xffff  }
0x9d: {  	v13 =	vsub.f32 $1.500000000e+00, v13;
	_ =	sdelay $0x1  }
0x9e: {  	v13 =	vmul.f32 v13, v14;
	v14 =	vor.u32 $0x3, v12  }
0x9f: {  	v60 =	vmul.f32 v20, v11  }
0xa0: {  	v13 =	vmin.f32 v13, $9.999999950e+11;
	v15 =	vnsel vm8, $0x0, v15  }
0xa1: {  	v17 =	vmul.f32 v13, v60;
	v15 =	vsub.f32 v59, v15;
	_ =	sdelay $0x1  }
0xa2: {  	v61, _, _ =	vpop (xrf2);
	[tilespmem:v14+s25+$0x0] =	vst.idx.add.f32.msk vm7, v15;
	(xrf2) =	vadd.scan.msk.f32 $0xffff, v17  }
0xa3: {  	[tilespmem:$0x14800] =	vst v61  }
0xa4: {  	v14 =	vld.idx.msk [tilespmem:v16+s24+$0x0], $0xffff;
	_ =	sdelay $0x2  }
0xa5: {  	v15 =	vor.u32 $0x4, v12  }
0xa6: {  	v62 =	vmul.f32 v19, v11  }
0xa7: {  	v14 =	vnsel vm8, $0x0, v14  }
0xa8: {  	v17 =	vmul.f32 v13, v62;
	v14 =	vsub.f32 v61, v14;
	_ =	sdelay $0x1  }
0xa9: {  	v63, _, _ =	vpop (xrf2);
	[tilespmem:v15+s25+$0x0] =	vst.idx.add.f32.msk vm7, v14;
	(xrf2) =	vadd.scan.msk.f32 $0xffff, v17  }
0xaa: {  	[tilespmem:$0x14800] =	vst v63  }
0xab: {  	v14 =	vld.idx.msk [tilespmem:v16+s24+$0x0], $0xffff;
	_ =	sdelay $0x2  }
0xac: {  	v15 =	vor.u32 $0x5, v12  }
0xad: {  	v11 =	vmul.f32 v18, v11  }
0xae: {  	v14 =	vnsel vm8, $0x0, v14  }
0xaf: {  	v11 =	vmul.f32 v13, v11;
	v13 =	vsub.f32 v63, v14;
	_ =	sdelay $0x1  }
0xb0: {  	v14, _, _ =	vpop (xrf2);
	[tilespmem:v15+s25+$0x0] =	vst.idx.add.f32.msk vm7, v13;
	(xrf2) =	vadd.scan.msk.f32 $0xffff, v11  }
0xb1: {  	[tilespmem:$0x14800] =	vst v14  }
0xb2: {  	v11 =	vld.idx.msk [tilespmem:v16+s24+$0x0], $0xffff;
	_ =	sdelay $0x2  }
0xb3: {  	v13 =	vor.u32 $0x6, v12;
	_ =	sdelay $0x1  }
0xb4: {  	v11 =	vnsel vm8, $0x0, v11  }
0xb5: {  	v11 =	vsub.f32 v14, v11;
	_ =	sdelay $0x1  }
0xb6: {  	v14, _, _ =	vpop (xrf2);
	[tilespmem:v13+s25+$0x0] =	vst.idx.add.f32.msk vm7, v11  }
0xb7: {  	[tilespmem:$0x14800] =	vst v14  }
0xb8: {  	v11 =	vld.idx.msk [tilespmem:v16+s24+$0x0], $0xffff;
	_ =	sdelay $0x4  }
0xb9: {  	v13 =	vnsel vm8, $0x0, v11;
	v11 =	vor.u32 $0x7, v12;
	_ =	sdelay $0x1  }
0xba: {  	s31 =	simm.s32 $0x40;
	s3 =	simm.s32 $0x80;
	v12 =	vsub.f32 v14, v13  }
.LBB2_5:
0xbb: {  	p0 =	sne.s32 s3, $0x1FC0  }
0xbc: {  	s4 =	sshra.s32 s31, $0x2;
	s31 =	smov.u32 s3;
	s3 =	sadd.s32 $0x40, s3  }
0xbd: {  	[tilespmem:v11+s25+$0x0] =	vst.idx.add.f32.msk vm7, v12  }
0xbe: {  	v11 =	vld [tilespmem:s4+$0x0]  }
0xbf: {  	v12 =	vld [tilespmem:s4+$0x4000];
	_ =	sdelay $0x3  }
0xc0: {  	v13 =	vsub.f32 $1.000000000e+00, v11  }
0xc1: {  	[tilespmem:$0x14880] =	vst v12;
	vm8 =	veq.s32 v12, v10  }
0xc2: {  	v10 =	vld.idx.msk [tilespmem:v1+s13+$0x0], $0xffff;
	v13 =	vadd.f32 $1.000000010e-10, v13  }
0xc3: {  	v14 =	vld.idx.msk [tilespmem:v2+s13+$0x0], $0xffff  }
0xc4: {  	[tilespmem:$0x14800] =	vst v13  }
0xc5: {  	v15 =	vld.idx.msk [tilespmem:v1+s13+$0x0], $0xffff  }
0xc6: {  	v16 =	vld.idx.msk [tilespmem:v1+s24+$0x0], $0xffff;
	_ =	sdelay $0x1  }
0xc7: {  	vm9 =	veq.s32 v12, v10  }
0xc8: {  	vm7 =	vne.s32 v12, v14;
	v10 =	vsel vm9, $0x80000000, v7  }
0xc9: {  	(xrf0) =	vmax.scan.msk.u32 $0xffff, v10  }
0xca: {  	vm9 =	veq.s32 v15, v12  }
0xcb: {  	vm9 =	vmand vm9, vm1  }
0xcc: {  	v10 =	vnsel vm9, $0x3F800000, v16  }
0xcd: {  	v10 =	vmul.f32 v10, v13;
	_ =	sdelay $0x1  }
0xce: {  	[tilespmem:$0x14800] =	vst v10;
	v14, _, _ =	vpop (xrf0)  }
0xcf: {  	v15 =	vld.idx.msk [tilespmem:v3+s13+$0x0], $0xffff;
	v16 =	vadd.s32 $0x7FFFFFFF, v14  }
0xd0: {  	v17 =	vld.idx.msk [tilespmem:v3+s24+$0x0], $0xffff;
	vm9 =	vgt.s32 v16, $0x0;
	_ =	sdelay $0x4  }
0xd1: {  	vm10 =	veq.s32 v15, v12  }
0xd2: {  	vm10 =	vmand vm10, vm2  }
0xd3: {  	v15 =	vnsel vm10, $0x3F800000, v17  }
0xd4: {  	v10 =	vmul.f32 v15, v10;
	_ =	sdelay $0x1  }
0xd5: {  	[tilespmem:$0x14800] =	vst v10  }
0xd6: {  	v15 =	vld.idx.msk [tilespmem:v4+s13+$0x0], $0xffff  }
0xd7: {  	v17 =	vld.idx.msk [tilespmem:v4+s24+$0x0], $0xffff;
	_ =	sdelay $0x4  }
0xd8: {  	vm10 =	veq.s32 v15, v12  }
0xd9: {  	vm10 =	vmand vm10, vm3  }
0xda: {  	v15 =	vnsel vm10, $0x3F800000, v17  }
0xdb: {  	v10 =	vmul.f32 v15, v10;
	_ =	sdelay $0x1  }
0xdc: {  	[tilespmem:$0x14800] =	vst v10  }
0xdd: {  	v15 =	vld.idx.msk [tilespmem:v5+s13+$0x0], $0xffff;
	(erf) = vrcp.f32 v13  }
0xde: {  	v17 =	vld.idx.msk [tilespmem:v5+s24+$0x0], $0xffff;
	_ =	sdelay $0x4  }
0xdf: {  	vm10 =	veq.s32 v15, v12  }
0xe0: {  	vm10 =	vmand vm10, vm4  }
0xe1: {  	v17 =	vnsel vm10, $0x3F800000, v17  }
0xe2: {  	v10 =	vmul.f32 v17, v10;
	v15 =	vpop (erf);
	_ =	sdelay $0x1  }
0xe3: {  	v9 =	vnsel vm8, $0x3F800000, v9;
	v10 =	vmul.f32 v10, v15;
	_ =	sdelay $0x1  }
0xe4: {  	v9 =	vmul.f32 v10, v9;
	_ =	sdelay $0x1  }
0xe5: {  	v15 =	vmul.f32 v9, v11;
	v9 =	vmul.f32 v9, v13;
	_ =	sdelay $0x1  }
0xe6: {  	[tilespmem:$0x14800] =	vst v9;
	(xrf2) =	vadd.scan.msk.f32 $0xffff, v15  }
0xe7: {  	v9 =	vld.idx.msk [tilespmem:v6+s24+$0x0], $0xffff  }
0xe8: {  	[tilespmem:$0x14880] =	vst v12  }
0xe9: {  	v10 =	vld [tilespmem:s4+$0x800]  }
0xea: {  	v13 =	vld [tilespmem:s4+$0x1800]  }
0xeb: {  	v17 =	vld [tilespmem:s4+$0x1000]  }
0xec: {  	v11 =	vnsel vm9, $0x0, v16;
	v18 =	vld [tilespmem:s4+$0x3800]  }
0xed: {  	v16 =	vld [tilespmem:s4+$0x3000]  }
0xee: {  	v19 =	vld [tilespmem:s4+$0x2800];
	v20 =	vmul.f32 v15, v10  }
0xef: {  	v10 =	vld.idx.msk [tilespmem:v6+s13+$0x0], $0xffff;
	v13 =	vmul.f32 v13, v15  }
0xf0: {  	v17 =	vmul.f32 v17, v15;
	v21 =	vld [tilespmem:s4+$0x2000];
	v22, _, _ =	vpop (xrf2);
	(xrf2) =	vadd.scan.msk.f32 $0xffff, v20  }
0xf1: {  	v18 =	vmax.f32 v18, $-1.000000000e+00;
	[tilespmem:$0x14800] =	vst v22  }
0xf2: {  	vm7 =	vmor vm7, vm0;
	v16 =	vmax.f32 v16, $-1.000000000e+00;
	v18 =	vmin.f32 v18, $1.000000000e+00;
	v20 =	vld.idx.msk [tilespmem:v11+s24+$0x0], $0xffff  }
0xf3: {  	v19 =	vmax.f32 v19, $-1.000000000e+00;
	v16 =	vmin.f32 v16, $1.000000000e+00;
	v23 =	vmul.f32 v18, v15  }
0xf4: {  	v19 =	vmin.f32 v19, $1.000000000e+00;
	v24 =	vmul.f32 v16, v16;
	v16 =	vmul.f32 v16, v15  }
0xf5: {  	v12 =	vshll.u32 v12, $0x3;
	v25 =	vmul.f32 v19, v19;
	v21 =	vmul.f32 v21, v15  }
0xf6: {  	vm8 =	vgt.u32 v14, $0x80000000;
	v15 =	vmul.f32 v19, v15  }
0xf7: {  	v18 =	vmul.f32 v18, v18;
	v14 =	vadd.f32 v24, v25  }
0xf8: {  	v20 =	vnsel vm8, $0x0, v20  }
0xf9: {  	v14 =	vadd.f32 v18, v14;
	v18 =	vsub.f32 v22, v20  }
0xfa: {  	v19, _, _ =	vpop (xrf2)  }
0xfb: {  	v20 =	vshrl.u32 v14, $0x1;
	v14 =	vmul.f32 $5.000000000e-01, v14;
	[tilespmem:v12+s25+$0x0] =	vst.idx.add.f32.msk vm7, v18;
	(xrf2) =	vadd.scan.msk.f32 $0xffff, v17  }
0xfc: {  	v17 =	vsub.s32 $0x5F3759DF, v20;
	[tilespmem:$0x14800] =	vst v19  }
0xfd: {  	v18 =	vmul.f32 v17, v14;
	v20 =	vld.idx.msk [tilespmem:v11+s24+$0x0], $0xffff;
	_ =	sdelay $0x1  }
0xfe: {  	v18 =	vmul.f32 v17, v18  }
0xff: {  	v22 =	vor.u32 $0x1, v12  }
0x100: {  	v18 =	vsub.f32 $1.500000000e+00, v18;
	_ =	sdelay $0x1  }
0x101: {  	v17 =	vmul.f32 v17, v18;
	v18 =	vnsel vm8, $0x0, v20  }
0x102: {  	v18 =	vsub.f32 v19, v18  }
0x103: {  	v19 =	vmul.f32 v17, v14;
	v20, _, _ =	vpop (xrf2)  }
0x104: {  	[tilespmem:v22+s25+$0x0] =	vst.idx.add.f32.msk vm7, v18;
	(xrf2) =	vadd.scan.msk.f32 $0xffff, v13  }
0x105: {  	v13 =	vmul.f32 v19, v17;
	[tilespmem:$0x14800] =	vst v20  }
0x106: {  	v18 =	vld.idx.msk [tilespmem:v11+s24+$0x0], $0xffff  }
0x107: {  	v13 =	vsub.f32 $1.500000000e+00, v13;
	_ =	sdelay $0x1  }
0x108: {  	v13 =	vmul.f32 v13, v17;
	v17 =	vor.u32 $0x2, v12;
	_ =	sdelay $0x1  }
0x109: {  	v14 =	vmul.f32 v13, v14  }
0x10a: {  	v18 =	vnsel vm8, $0x0, v18  }
0x10b: {  	v18 =	vsub.f32 v20, v18;
	v14 =	vmul.f32 v14, v13  }
0x10c: {  	v19, _, _ =	vpop (xrf2)  }
0x10d: {  	v14 =	vsub.f32 $1.500000000e+00, v14;
	[tilespmem:v17+s25+$0x0] =	vst.idx.add.f32.msk vm7, v18;
	(xrf2) =	vadd.scan.msk.f32 $0xffff, v21  }
0x10e: {  	[tilespmem:$0x14800] =	vst v19  }
0x10f: {  	v13 =	vmul.f32 v14, v13;
	v14 =	vld.idx.msk [tilespmem:v11+s24+$0x0], $0xffff;
	_ =	sdelay $0x1  }
0x110: {  	v13 =	vmin.f32 v13, $9.999999950e+11  }
0x111: {  	v18 =	vor.u32 $0x3, v12;
	v16 =	vmul.f32 v13, v16;
	v17 =	vmul.f32 v13, v23;
	_ =	sdelay $0x2  }
0x112: {  	v14 =	vnsel vm8, $0x0, v14  }
0x113: {  	v13 =	vmul.f32 v13, v15;
	v14 =	vsub.f32 v19, v14  }
0x114: {  	v15, _, _ =	vpop (xrf2)  }
0x115: {  	[tilespmem:v18+s25+$0x0] =	vst.idx.add.f32.msk vm7, v14;
	(xrf2) =	vadd.scan.msk.f32 $0xffff, v13  }
0x116: {  	[tilespmem:$0x14800] =	vst v15  }
0x117: {  	v13 =	vld.idx.msk [tilespmem:v11+s24+$0x0], $0xffff;
	_ =	sdelay $0x2  }
0x118: {  	v14 =	vor.u32 $0x4, v12;
	_ =	sdelay $0x2  }
0x119: {  	v13 =	vnsel vm8, $0x0, v13  }
0x11a: {  	v13 =	vsub.f32 v15, v13  }
0x11b: {  	v15, _, _ =	vpop (xrf2)  }
0x11c: {  	[tilespmem:v14+s25+$0x0] =	vst.idx.add.f32.msk vm7, v13;
	(xrf2) =	vadd.scan.msk.f32 $0xffff, v16  }
0x11d: {  	[tilespmem:$0x14800] =	vst v15  }
0x11e: {  	v13 =	vld.idx.msk [tilespmem:v11+s24+$0x0], $0xffff;
	_ =	sdelay $0x2  }
0x11f: {  	v14 =	vor.u32 $0x5, v12;
	_ =	sdelay $0x2  }
0x120: {  	v13 =	vnsel vm8, $0x0, v13  }
0x121: {  	v13 =	vsub.f32 v15, v13  }
0x122: {  	v15, _, _ =	vpop (xrf2)  }
0x123: {  	[tilespmem:v14+s25+$0x0] =	vst.idx.add.f32.msk vm7, v13;
	(xrf2) =	vadd.scan.msk.f32 $0xffff, v17  }
0x124: {  	[tilespmem:$0x14800] =	vst v15  }
0x125: {  	v13 =	vld.idx.msk [tilespmem:v11+s24+$0x0], $0xffff;
	_ =	sdelay $0x2  }
0x126: {  	v14 =	vor.u32 $0x6, v12;
	_ =	sdelay $0x2  }
0x127: {  	v13 =	vnsel vm8, $0x0, v13  }
0x128: {  	v13 =	vsub.f32 v15, v13  }
0x129: {  	v15, _, _ =	vpop (xrf2)  }
0x12a: {  	[tilespmem:v14+s25+$0x0] =	vst.idx.add.f32.msk vm7, v13  }
0x12b: {  	[tilespmem:$0x14800] =	vst v15  }
0x12c: {  	v13 =	vld.idx.msk [tilespmem:v11+s24+$0x0], $0xffff;
	_ =	sdelay $0x2  }
.Ltmp1:
0x12d: {  	v11 =	vor.u32 $0x7, v12;
	(pc) =	sbr.rel @p0 .LBB2_5-.Ltmp1, $3  }
0x12e: {  	_ =	sdelay $0x1  }
0x12f: {  	v12 =	vnsel vm8, $0x0, v13  }
0x130: {  	v12 =	vsub.f32 v15, v12  }
0x131: {  	_ =	sdelay $0x4  }
0x132: {  	s3 =	sshra.s32 s31, $0x2;
	[tilespmem:v11+s25+$0x0] =	vst.idx.add.f32.msk vm7, v12  }
0x133: {  	v11 =	vld [tilespmem:s3+$0x0];
	_ =	sdelay $0x1  }
0x134: {  	v12 =	vld [tilespmem:s3+$0x4000];
	_ =	sdelay $0x2  }
0x135: {  	v13 =	vsub.f32 $1.000000000e+00, v11;
	_ =	sdelay $0x1  }
0x136: {  	[tilespmem:$0x14880] =	vst v12;
	v13 =	vadd.f32 $1.000000010e-10, v13  }
0x137: {  	v14 =	vld.idx.msk [tilespmem:v1+s13+$0x0], $0xffff  }
0x138: {  	v15 =	vld.idx.msk [tilespmem:v2+s13+$0x0], $0xffff;
	[tilespmem:$0x14800] =	vst v13  }
0x139: {  	v16 =	vld.idx.msk [tilespmem:v1+s13+$0x0], $0xffff;
	_ =	sdelay $0x1  }
0x13a: {  	v17 =	vld.idx.msk [tilespmem:v1+s24+$0x0], $0xffff;
	_ =	sdelay $0x2  }
0x13b: {  	vm7 =	veq.s32 v16, v12  }
0x13c: {  	vm7 =	vmand vm7, vm1  }
0x13d: {  	v23 =	vnsel vm7, $0x3F800000, v17  }
0x13e: {  	v16 =	vmul.f32 v23, v13;
	_ =	sdelay $0x1  }
0x13f: {  	[tilespmem:$0x14800] =	vst v16  }
0x140: {  	v24 =	vld.idx.msk [tilespmem:v3+s13+$0x0], $0xffff;
	_ =	sdelay $0x1  }
0x141: {  	v18 =	vld.idx.msk [tilespmem:v3+s24+$0x0], $0xffff;
	_ =	sdelay $0x2  }
0x142: {  	vm7 =	veq.s32 v24, v12  }
0x143: {  	vm7 =	vmand vm7, vm2  }
0x144: {  	v25 =	vnsel vm7, $0x3F800000, v18  }
0x145: {  	v16 =	vmul.f32 v25, v16;
	_ =	sdelay $0x1  }
0x146: {  	[tilespmem:$0x14800] =	vst v16  }
0x147: {  	v26 =	vld.idx.msk [tilespmem:v4+s13+$0x0], $0xffff;
	_ =	sdelay $0x1  }
0x148: {  	v27 =	vld.idx.msk [tilespmem:v4+s24+$0x0], $0xffff;
	_ =	sdelay $0x2  }
0x149: {  	vm7 =	veq.s32 v26, v12  }
0x14a: {  	vm7 =	vmand vm7, vm3  }
0x14b: {  	v28 =	vnsel vm7, $0x3F800000, v27  }
0x14c: {  	v16 =	vmul.f32 v28, v16;
	_ =	sdelay $0x1  }
0x14d: {  	[tilespmem:$0x14800] =	vst v16  }
0x14e: {  	(erf) = vrcp.f32 v13;
	v29 =	vld.idx.msk [tilespmem:v5+s13+$0x0], $0xffff;
	_ =	sdelay $0x1  }
0x14f: {  	v30 =	vld.idx.msk [tilespmem:v5+s24+$0x0], $0xffff;
	_ =	sdelay $0x2  }
0x150: {  	vm7 =	veq.s32 v29, v12  }
0x151: {  	vm7 =	vmand vm7, vm4  }
0x152: {  	v31 =	vnsel vm7, $0x3F800000, v30  }
0x153: {  	v16 =	vmul.f32 v31, v16  }
0x154: {  	v32 =	vpop (erf)  }
0x155: {  	vm7 =	veq.s32 v12, v10;
	v10 =	vmul.f32 v16, v32  }
0x156: {  	v9 =	vnsel vm7, $0x3F800000, v9  }
0x157: {  	vm7 =	veq.s32 v12, v14;
	v9 =	vmul.f32 v10, v9  }
0x158: {  	v10 =	vsel vm7, $0x80000000, v7  }
0x159: {  	(xrf0) =	vmax.scan.msk.u32 $0xffff, v10;
	v11 =	vmul.f32 v9, v11  }
0x15a: {  	v9 =	vmul.f32 v9, v13  }
0x15b: {  	(xrf2) =	vadd.scan.msk.f32 $0xffff, v11  }
0x15c: {  	[tilespmem:$0x14800] =	vst v9  }
0x15d: {  	v9 =	vld.idx.msk [tilespmem:v6+s24+$0x0], $0xffff;
	[tilespmem:$0x14880] =	vst v12  }
0x15e: {  	v10 =	vld [tilespmem:s3+$0x800]  }
0x15f: {  	v33, _, _ =	vpop (xrf0)  }
0x160: {  	v34 =	vld [tilespmem:s3+$0x1800];
	v35 =	vadd.s32 $0x7FFFFFFF, v33  }
0x161: {  	v36 =	vld [tilespmem:s3+$0x1000];
	vm7 =	vgt.s32 v35, $0x0  }
0x162: {  	v19 =	vld [tilespmem:s3+$0x3000];
	v16 =	vnsel vm7, $0x0, v35  }
0x163: {  	v20 =	vld [tilespmem:s3+$0x2800];
	v21 =	vmul.f32 v11, v10  }
0x164: {  	v37 =	vld [tilespmem:s3+$0x3800]  }
0x165: {  	v22 =	vld [tilespmem:s3+$0x2000];
	v23, _, _ =	vpop (xrf2);
	(xrf2) =	vadd.scan.msk.f32 $0xffff, v21  }
0x166: {  	v10 =	vld.idx.msk [tilespmem:v6+s13+$0x0], $0xffff;
	[tilespmem:$0x14800] =	vst v23  }
0x167: {  	vm7 =	vne.s32 v12, v15;
	v38 =	vld.idx.msk [tilespmem:v16+s24+$0x0], $0xffff  }
0x168: {  	v12 =	vshll.u32 v12, $0x3;
	v19 =	vmax.f32 v19, $-1.000000000e+00;
	v20 =	vmax.f32 v20, $-1.000000000e+00  }
0x169: {  	vm7 =	vmor vm7, vm0;
	v19 =	vmin.f32 v19, $1.000000000e+00;
	v20 =	vmin.f32 v20, $1.000000000e+00  }
0x16a: {  	v18 =	vmax.f32 v37, $-1.000000000e+00;
	v39 =	vmul.f32 v19, v19;
	v24 =	vmul.f32 v20, v20  }
0x16b: {  	vm8 =	vgt.u32 v33, $0x80000000;
	v18 =	vmin.f32 v18, $1.000000000e+00  }
0x16c: {  	v41 =	vmul.f32 v18, v18;
	v40 =	vadd.f32 v39, v24;
	v15 =	vnsel vm8, $0x0, v38  }
0x16d: {  	v17 =	vmul.f32 v36, v11;
	v15 =	vsub.f32 v23, v15  }
0x16e: {  	v13 =	vadd.f32 v41, v40  }
0x16f: {  	v42, _, _ =	vpop (xrf2);
	[tilespmem:v12+s25+$0x0] =	vst.idx.add.f32.msk vm7, v15;
	(xrf2) =	vadd.scan.msk.f32 $0xffff, v17  }
0x170: {  	v43 =	vshrl.u32 v13, $0x1;
	v13 =	vmul.f32 $5.000000000e-01, v13;
	[tilespmem:$0x14800] =	vst v42  }
0x171: {  	v15 =	vsub.s32 $0x5F3759DF, v43;
	v44 =	vld.idx.msk [tilespmem:v16+s24+$0x0], $0xffff  }
0x172: {  	v45 =	vmul.f32 v15, v13;
	_ =	sdelay $0x1  }
0x173: {  	v46 =	vor.u32 $0x1, v12;
	v23 =	vmul.f32 v15, v45;
	_ =	sdelay $0x1  }
0x174: {  	v23 =	vsub.f32 $1.500000000e+00, v23;
	v17 =	vnsel vm8, $0x0, v44  }
0x175: {  	v14 =	vmul.f32 v34, v11;
	v17 =	vsub.f32 v42, v17  }
0x176: {  	v15 =	vmul.f32 v15, v23  }
0x177: {  	v47, _, _ =	vpop (xrf2);
	[tilespmem:v46+s25+$0x0] =	vst.idx.add.f32.msk vm7, v17;
	(xrf2) =	vadd.scan.msk.f32 $0xffff, v14  }
0x178: {  	v48 =	vmul.f32 v15, v13;
	[tilespmem:$0x14800] =	vst v47  }
0x179: {  	v17 =	vld.idx.msk [tilespmem:v16+s24+$0x0], $0xffff  }
0x17a: {  	v14 =	vmul.f32 v48, v15;
	_ =	sdelay $0x1  }
0x17b: {  	v49 =	vor.u32 $0x2, v12;
	v14 =	vsub.f32 $1.500000000e+00, v14;
	_ =	sdelay $0x1  }
0x17c: {  	v14 =	vmul.f32 v14, v15;
	v50 =	vnsel vm8, $0x0, v17  }
0x17d: {  	v51 =	vmul.f32 v22, v11;
	v15 =	vsub.f32 v47, v50  }
0x17e: {  	v13 =	vmul.f32 v14, v13  }
0x17f: {  	v52, _, _ =	vpop (xrf2);
	[tilespmem:v49+s25+$0x0] =	vst.idx.add.f32.msk vm7, v15;
	(xrf2) =	vadd.scan.msk.f32 $0xffff, v51  }
0x180: {  	v13 =	vmul.f32 v13, v14;
	[tilespmem:$0x14800] =	vst v52  }
0x181: {  	v15 =	vld.idx.msk [tilespmem:v16+s24+$0x0], $0xffff  }
0x182: {  	v13 =	vsub.f32 $1.500000000e+00, v13;
	_ =	sdelay $0x1  }
0x183: {  	v53 =	vor.u32 $0x3, v12;
	v13 =	vmul.f32 v13, v14  }
0x184: {  	v54 =	vmul.f32 v20, v11  }
0x185: {  	v13 =	vmin.f32 v13, $9.999999950e+11;
	v15 =	vnsel vm8, $0x0, v15  }
0x186: {  	v17 =	vmul.f32 v13, v54;
	v15 =	vsub.f32 v52, v15;
	_ =	sdelay $0x1  }
0x187: {  	v55, _, _ =	vpop (xrf2);
	[tilespmem:v53+s25+$0x0] =	vst.idx.add.f32.msk vm7, v15;
	(xrf2) =	vadd.scan.msk.f32 $0xffff, v17  }
0x188: {  	[tilespmem:$0x14800] =	vst v55  }
0x189: {  	v14 =	vld.idx.msk [tilespmem:v16+s24+$0x0], $0xffff;
	_ =	sdelay $0x2  }
0x18a: {  	v56 =	vor.u32 $0x4, v12  }
0x18b: {  	v57 =	vmul.f32 v19, v11  }
0x18c: {  	v14 =	vnsel vm8, $0x0, v14  }
0x18d: {  	v17 =	vmul.f32 v13, v57;
	v14 =	vsub.f32 v55, v14;
	_ =	sdelay $0x1  }
0x18e: {  	v58, _, _ =	vpop (xrf2);
	[tilespmem:v56+s25+$0x0] =	vst.idx.add.f32.msk vm7, v14;
	(xrf2) =	vadd.scan.msk.f32 $0xffff, v17  }
0x18f: {  	[tilespmem:$0x14800] =	vst v58  }
0x190: {  	v14 =	vld.idx.msk [tilespmem:v16+s24+$0x0], $0xffff;
	_ =	sdelay $0x2  }
0x191: {  	v59 =	vor.u32 $0x5, v12  }
0x192: {  	v11 =	vmul.f32 v18, v11  }
0x193: {  	v14 =	vnsel vm8, $0x0, v14  }
0x194: {  	v11 =	vmul.f32 v13, v11;
	v60 =	vsub.f32 v58, v14;
	_ =	sdelay $0x1  }
0x195: {  	v61, _, _ =	vpop (xrf2);
	[tilespmem:v59+s25+$0x0] =	vst.idx.add.f32.msk vm7, v60;
	(xrf2) =	vadd.scan.msk.f32 $0xffff, v11  }
0x196: {  	[tilespmem:$0x14800] =	vst v61  }
0x197: {  	v11 =	vld.idx.msk [tilespmem:v16+s24+$0x0], $0xffff;
	_ =	sdelay $0x2  }
0x198: {  	v62 =	vor.u32 $0x6, v12;
	_ =	sdelay $0x1  }
0x199: {  	v11 =	vnsel vm8, $0x0, v11  }
0x19a: {  	v11 =	vsub.f32 v61, v11;
	_ =	sdelay $0x1  }
0x19b: {  	v63, _, _ =	vpop (xrf2);
	[tilespmem:v62+s25+$0x0] =	vst.idx.add.f32.msk vm7, v11  }
0x19c: {  	[tilespmem:$0x14800] =	vst v63  }
0x19d: {  	v11 =	vld.idx.msk [tilespmem:v16+s24+$0x0], $0xffff;
	_ =	sdelay $0x1  }
0x19e: {  	s30 =	sadd.s32 $0x1, s30  }
0x19f: {  	p0 =	sne.s32 s30, $0x8;
	v12 =	vor.u32 $0x7, v12  }
.Ltmp2:
0x1a0: {  	_ = 	snop;
	(pc) =	sbr.rel @p0 .LBB2_4-.Ltmp2, $3  }
0x1a1: {  	v11 =	vnsel vm8, $0x0, v11  }
0x1a2: {  	v11 =	vsub.f32 v63, v11;
	_ =	sdelay $0x1  }
0x1a3: {  	[tilespmem:v12+s25+$0x0] =	vst.idx.add.f32.msk vm7, v11  }
0x1a4: {  	[hbm4b:s10+s5] =	stream.linear.scatter [tilespmem:s25], [sflag:$0x2], $0x10000, $0x38;
	v10 =	vcvt.s32.f32 v10;
	[tilespmem:$0x14980] =	vst v63  }
0x1a5: {  	v8 =	vcvt.s32.f32 v8;
	v9 =	vsel vm5, $0x0, v9;
	_ =	swait.ge [sflag:s14], $0x10000  }
0x1a6: {  	s28 =	sadd.s32 $0x1, s28;
	[sflag:s14] =	ssyncset.done $0x0;
	v9 =	vsel vm2, v9, v10  }
0x1a7: {  	p0 =	sne.s32 s28, s12;
	[sflag:s14] =	ssyncadd.s32 $0xFFFF0000;
	v8 =	vsel vm6, v8, v9  }
.Ltmp3:
0x1a8: {  	[tilespmem:$0x14900] =	vst v8;
	(pc) =	sbr.rel @p0 .LBB2_1-.Ltmp3, $4  }
0x1a9: {  	[hbm4b:s11+s5] =	stream.linear.scatter [tilespmem:s26], [sflag:$0x2], $0x10, $0x38;
	[tilespmem:$0x14980] =	vst v63  }
0x1aa: {  	_ =	swait.ge [sflag:s14], $0x10  }
0x1ab: {  	[sflag:s14] =	ssyncset.done $0x0  }
0x1ac: {  	[sflag:s14] =	ssyncadd.s32 $0xFFFFFFF0  }
0x1ad: {  	_ =	sfence.sel $0x180000  }
0x1ae: {  	[bflag:$0x0] =	sbarrier.arrive $0xFFFF  }
0x1af: {  	_ =	strace $0x90000047  }
0x1b0: {  	s0 =	stileid.u32;
	[bflag:$0x2] =	sbarrier.arrive $0xFFFF  }
0x1b1: {  	p0 =	sne.s32 s0, $0x0;
	s0 =	rddreg [dreg:$0x5]  }
0x1b2: {  	s0 =	sadd.s32 @!p0 $0x100000, s0  }
0x1b3: {  	[sflag:s0] =	ssyncadd.tile.s32 @!p0 $0x1;
	_ =	shalt  }
.Lfunc_end2:
_tile_overlayer_lowered:
.L_overlay_start_2:
0x1b4: {  	(tag) =	ssettag $0x2  }
0x1b5: {  	s0 =	rddreg [dreg:$0x0];
	s2 =	stileid.u32  }
0x1b6: {  	s1 =	rddreg [dreg:$0x1];
	p0 =	sne.s32 s2, $0x0  }
0x1b7: {  	s3 =	rddreg [dreg:$0x2];
	[bflag:$0x3] =	sbarrier.arrive $0xFFFF;
	s2 =	simm.s32 @!p0 $0x1C02  }
0x1b8: {  	[timem:s3], [sflag:s2] =	dma.local @!p0 [hbm:s0], s1  }
0x1b9: {  	s0 =	simm.s32 @!p0 $0x2  }
0x1ba: {  	_ =	swait.ge @!p0 [sflag:s0], s1  }
0x1bb: {  	s1 =	ssub.s32 @!p0 $0x0, s1;
	[sflag:s0] =	ssyncset.done @!p0 $0x0  }
0x1bc: {  	[sflag:s0] =	ssyncadd.s32 @!p0 s1  }
0x1bd: {  	[bflag:$0x3] =	sbarrier.arrive $0xFFFF  }
0x1be: {  	_ =	shalt  }

// kernel: kernel.8.cloned.1.call-start
scs
__scs_entry_jumppad:
0x0: {  	(pc) =	sbr.rel $0x88, $3  }
0x1: {  	(tag) =	ssettag $0x0;
	lr =	simm.s32 $0x1  }
0x2: {  	[smem:$0x3F9B] =	sst lr;
	_ =	strace $0xD0000000  }
0x3: {  	_ = 	snop  }
0x4: {  	_ = 	snop  }
0x5: {  	_ = 	snop  }
0x6: {  	_ = 	snop  }
0x7: {  	_ = 	snop  }
__scs_overlays_trampoline_lowered:
0x8: {  	[smem:$0x3FAA] =	sst s0  }
0x9: {  	[smem:$0x3FAB] =	sst s1  }
0xa: {  	[smem:$0x3FAC] =	sst s2  }
0xb: {  	[smem:$0x3FAD] =	sst s3  }
0xc: {  	[smem:$0x3FAE] =	sst s4  }
0xd: {  	[smem:$0x3FAF] =	sst s5  }
0xe: {  	[smem:$0x3FB0] =	sst s6  }
0xf: {  	[smem:$0x3FB1] =	sst s7  }
0x10: {  	[smem:$0x3FB2] =	sst s8  }
0x11: {  	[smem:$0x3FB3] =	sst s9;
	s0 =	simm.s32 @!p0 $0x0  }
0x12: {  	s1 =	sld [smem:$0x3F99];
	s0 =	simm.s32 @p0 $0x1  }
0x13: {  	[smem:$0x3FB4] =	sst s0;
	s0 =	simm.s32 @!p1 $0x0  }
0x14: {  	s2 =	sld [smem:$0x3F98];
	s0 =	simm.s32 @p1 $0x1  }
0x15: {  	[smem:$0x3FB5] =	sst s0;
	s0 =	simm.s32 @!p2 $0x0  }
0x16: {  	s3 =	sld [smem:$0x3FDB];
	s0 =	simm.s32 @p2 $0x1  }
0x17: {  	s4 =	simm.s32 $0x1BF5;
	[smem:$0x3FB7] =	sst s0  }
0x18: {  	s0 =	sld [smem:$0x3F9A];
	_ =	swait.ge [sflag:s4], $0x0  }
0x19: {  	s7 =	sld [smem:$0x3F9B]  }
0x1a: {  	s8 =	sadd.s32 $0xFFFFE003, lr  }
0x1b: {  	s9 =	sadd.s32 $0xFFFFFEF7, lr;
	s5 =	simm.s32 $0xFFFFFFFF;
	p2 =	slt.u32 s8, $0xFFFFF086  }
0x1c: {  	p1 =	slt.u32 s9, $0xF7A;
	s5 =	simm.s32 @!p2 $0x0  }
0x1d: {  	s5 =	simm.s32 @p1 $0x1;
	p0 =	seq.s32 s7, s2  }
0x1e: {  	s7 =	smul.u32 @!p0 $0xF7A, s2;
	p2 =	seq.s32 @!p0 s5, $0x0  }
0x1f: {  	s9 =	smul.u32 $0xF7A, s1;
	s8 =	simm.s32 @!p0 $0x1BF5;
	p2 =	por !p2, p0  }
0x20: {  	[sflag:s8] =	ssyncset.s32 @!p0 $0xFFFFF086;
	s6 =	sadd.s32 @!p0 s3, s7;
	s7 =	simm.s32 @!p0 $0x108  }
0x21: {  	s3 =	sadd.s32 s3, s9;
	s6 =	sadd.s32 @!p0 $0x88, s6;
	s7 =	simm.s32 @p2 $0x1082  }
0x22: {  	[simem:s7], [sflag:s8] =	dma.local @!p0 [hbm:s6], $0xF7A  }
0x23: {  	s9 =	sor.u32 $0xD0000000, s2;
	s6 =	simm.s32 $0x108;
	_ =	swait.ge @!p0 [sflag:s8], $0x0  }
0x24: {  	s3 =	sadd.s32 $0x88, s3;
	s6 =	simm.s32 @!p1 $0x1082;
	[sflag:s4] =	ssyncset.s32 $0xFFFFF086  }
0x25: {  	[simem:s6], [sflag:s4] =	dma.local [hbm:s3], $0xF7A  }
0x26: {  	[smem:$0x3F9B] =	sst s1;
	(tag) =	ssettag s2;
	_ =	strace s9  }
0x27: {  	s1 =	sld [smem:$0x3FAB]  }
0x28: {  	s2 =	sld [smem:$0x3FAC]  }
0x29: {  	s4 =	sld [smem:$0x3FAE]  }
0x2a: {  	p0 =	seq.s32 s5, $0x0;
	s5 =	sld [smem:$0x3FAF]  }
0x2b: {  	s6 =	sld [smem:$0x3FB0]  }
0x2c: {  	s7 =	sld [smem:$0x3FB1]  }
0x2d: {  	s3 =	simm.s32 $0x108;
	s8 =	sld [smem:$0x3FB2]  }
0x2e: {  	s3 =	simm.s32 @!p0 $0x1082;
	s9 =	sld [smem:$0x3FB3]  }
0x2f: {  	lr =	sadd.s32 s0, s3;
	s0 =	sld [smem:$0x3FAA]  }
0x30: {  	s3 =	sld [smem:$0x3FAD]  }
0x31: {  	[smem:$0x3FB6] =	sst s10  }
0x32: {  	s10 =	sld [smem:$0x3FB4];
	_ =	sdelay $0x3  }
0x33: {  	p0 =	seq.s32 s10, $0x1;
	s10 =	sld [smem:$0x3FB6];
	_ =	sdelay $0x3  }
0x34: {  	[smem:$0x3FB6] =	sst s10  }
0x35: {  	s10 =	sld [smem:$0x3FB5];
	_ =	sdelay $0x3  }
0x36: {  	p1 =	seq.s32 s10, $0x1;
	s10 =	sld [smem:$0x3FB6];
	_ =	sdelay $0x3  }
0x37: {  	[smem:$0x3FB6] =	sst s10  }
0x38: {  	s10 =	sld [smem:$0x3FB7]  }
0x39: {  	_ = 	snop;
	(pc) =	sbr.ind lr, $3  }
0x3a: {  	_ = 	snop  }
0x3b: {  	_ = 	snop  }
0x3c: {  	p2 =	seq.s32 s10, $0x1;
	s10 =	sld [smem:$0x3FB6]  }
0x3d: {  	_ =	shalt  }
0x3e: {  	_ =	shalt  }
0x3f: {  	_ =	shalt  }
0x40: {  	_ =	shalt  }
0x41: {  	_ =	shalt  }
0x42: {  	_ =	shalt  }
0x43: {  	_ =	shalt  }
0x44: {  	_ =	shalt  }
0x45: {  	_ =	shalt  }
0x46: {  	_ =	shalt  }
0x47: {  	_ =	shalt  }
0x48: {  	_ =	shalt  }
0x49: {  	_ =	shalt  }
0x4a: {  	_ =	shalt  }
0x4b: {  	_ =	shalt  }
0x4c: {  	_ =	shalt  }
0x4d: {  	_ =	shalt  }
0x4e: {  	_ =	shalt  }
0x4f: {  	_ =	shalt  }
0x50: {  	_ =	shalt  }
0x51: {  	_ =	shalt  }
0x52: {  	_ =	shalt  }
0x53: {  	_ =	shalt  }
0x54: {  	_ =	shalt  }
0x55: {  	_ =	shalt  }
0x56: {  	_ =	shalt  }
0x57: {  	_ =	shalt  }
0x58: {  	_ =	shalt  }
0x59: {  	_ =	shalt  }
0x5a: {  	_ =	shalt  }
0x5b: {  	_ =	shalt  }
0x5c: {  	_ =	shalt  }
0x5d: {  	_ =	shalt  }
0x5e: {  	_ =	shalt  }
0x5f: {  	_ =	shalt  }
0x60: {  	_ =	shalt  }
0x61: {  	_ =	shalt  }
0x62: {  	_ =	shalt  }
0x63: {  	_ =	shalt  }
0x64: {  	_ =	shalt  }
0x65: {  	_ =	shalt  }
0x66: {  	_ =	shalt  }
0x67: {  	_ =	shalt  }
0x68: {  	_ =	shalt  }
0x69: {  	_ =	shalt  }
0x6a: {  	_ =	shalt  }
0x6b: {  	_ =	shalt  }
0x6c: {  	_ =	shalt  }
0x6d: {  	_ =	shalt  }
0x6e: {  	_ =	shalt  }
0x6f: {  	_ =	shalt  }
0x70: {  	_ =	shalt  }
0x71: {  	_ =	shalt  }
0x72: {  	_ =	shalt  }
0x73: {  	_ =	shalt  }
0x74: {  	_ =	shalt  }
0x75: {  	_ =	shalt  }
0x76: {  	_ =	shalt  }
0x77: {  	_ =	shalt  }
0x78: {  	_ =	shalt  }
0x79: {  	_ =	shalt  }
0x7a: {  	_ =	shalt  }
0x7b: {  	_ =	shalt  }
0x7c: {  	_ =	shalt  }
0x7d: {  	_ =	shalt  }
0x7e: {  	_ =	shalt  }
0x7f: {  	_ =	shalt  }
0x80: {  	_ =	shalt  }
0x81: {  	_ =	shalt  }
0x82: {  	_ =	shalt  }
0x83: {  	_ =	shalt  }
0x84: {  	_ =	shalt  }
0x85: {  	_ =	shalt  }
0x86: {  	_ =	shalt  }
0x87: {  	_ =	shalt  }
.Lfunc_end0:
.L_simem_size_0:
called_computation.1_lowered:
.L_overlay_start_0:
0x88: {  	s2 =	sld [smem:$0x3FD9]  }
0x89: {  	s3 =	sld [smem:$0x3FFE];
	_ =	sdelay $0x1  }
0x8a: {  	s1 =	srdreg.scid  }
0x8b: {  	s0 =	sand.u32 $0x1, s1  }
0x8c: {  	s17 =	sshll.u32 s0, $0xA;
	s2 =	sadd.s32 s3, s2  }
0x8d: {  	s2 =	sadd.s32 s2, s17  }
0x8e: {  	[smem:$0x3FC2] =	sst s2  }
0x8f: {  	_ = 	snop  }
0x90: {  	s2 =	sld [smem:$0x3FD0];
	(tm) =	ssettm $0x1  }
0x91: {  	s18 =	sld [smem:$0x3FFB];
	_ =	sdelay $0x3  }
0x92: {  	_ =	strace s18  }
0x93: {  	s3 =	sld [smem:$0x3FFC];
	_ =	sdelay $0x3  }
0x94: {  	_ =	strace s3  }
0x95: {  	s3 =	sld [smem:$0x3FFD];
	_ =	sdelay $0x3  }
0x96: {  	_ =	strace s3  }
0x97: {  	_ =	strace $0x8FFFFFFF  }
0x98: {  	s19 =	sld [smem:$0x3FDB];
	_ =	sdelay $0x1  }
0x99: {  	s4 =	simm.s32 $_scs_section_size  }
0x9a: {  	s5 =	simm.s32 $_size__tile_overlayer_lowered;
	s6 =	simm.s32 $_tile_overlayer_lowered  }
0x9b: {  	s22 =	simm.s32 $0x1BFF;
	s21 =	sshll.u32 s6, $0x1;
	s3 =	sadd.s32 s4, s19  }
0x9c: {  	s7 =	simm.s32 $0x0;
	s20 =	sshll.u32 s5, $0x1;
	s5 =	sadd.s32 s21, s3  }
0x9d: {  	[timem:s7], [sflag:s22] =	dma.local [hbm:s5], s20  }
0x9e: {  	_ =	swait.ge [sflag:s22], s20  }
0x9f: {  	s4 =	ssub.s32 $0x0, s20;
	[sflag:s22] =	ssyncset.done $0x0  }
0xa0: {  	[sflag:s22] =	ssyncadd.s32 s4;
	_ =	sdelay $0x1  }
0xa1: {  	s23 =	simm.s32 $0x1B8B  }
0xa2: {  	_ =	swait.ge [sflag:s23], $0x1  }
0xa3: {  	[sflag:s23] =	ssyncset.done $0x0  }
0xa4: {  	s25 =	simm.s32 $0x1B8E;
	s24 =	sld [smem:$0x3FFE];
	[sflag:s23] =	ssyncadd.s32 $0xFFFFFFFF  }
0xa5: {  	s26 =	simm.s32 $execute0_lowered;
	[smem:$0x3FD2] =	sst s25  }
0xa6: {  	s5 =	sshll.u32 s26, $0x1;
	_ =	strace $0x80000049;
	[dreg:$0x1] =	wrdreg $0xFFFFFFFF  }
0xa7: {  	s28 =	simm.s32 $_size_execute0_lowered;
	s3 =	sadd.s32 s3, s5;
	[dreg:$0x0] =	wrdreg $0x0  }
0xa8: {  	s5 =	sshll.u32 s28, $0x1;
	[dreg:$0x2] =	wrdreg s3  }
0xa9: {  	[dreg:$0x3] =	wrdreg s5  }
0xaa: {  	[dreg:$0x4] =	wrdreg $0xC0  }
0xab: {  	_ =	task [dreg:s7], $0x5FFFF  }
0xac: {  	[dreg:$0x1] =	wrdreg $0xFFFFFFFF  }
0xad: {  	[dreg:$0x0] =	wrdreg $0x60  }
0xae: {  	[dreg:$0x2] =	wrdreg s24  }
0xaf: {  	[dreg:$0x3] =	wrdreg s2  }
0xb0: {  	[dreg:$0x4] =	wrdreg $0x9  }
0xb1: {  	_ =	task.clear_ibuf [dreg:s7], $0x5FFFF;
	_ =	strace $0x90000049  }
0xb2: {  	s29 =	simm.s32 $0x9;
	_ =	strace $0x8000004B  }
0xb3: {  	_ =	swait.ge [sflag:s29], $0x1  }
0xb4: {  	[sflag:s29] =	ssyncadd.s32 $0xFFFFFFFF  }
0xb5: {  	_ =	strace $0x9000004B  }
0xb6: {  	_ =	sfence  }
0xb7: {  	s30 =	sld [smem:$0x0];
	_ =	sdelay $0x2  }
0xb8: {  	s31 =	sshll.u32 s1, $0xD;
	s1 =	sshrl.u32 s1, $0x2  }
0xb9: {  	s3 =	sand.u32 $0x4000, s31;
	s1 =	sadd.s32 s1, s30  }
0xba: {  	s0 =	sor.u32 s3, s0;
	s1 =	sshll.u32 s1, $0x11  }
0xbb: {  	s0 =	sor.u32 s1, s0  }
0xbc: {  	s0 =	sadd.s32 $0x8F2B, s0  }
0xbd: {  	[sflag:s0] =	ssyncadd.remote.s32 $0x1  }
0xbe: {  	_ =	sfence.sel $0xFFFF  }
0xbf: {  	[dreg:$0x0] =	wrdreg $0xFFFFFFFF;
	(pc) =	sbr.abs _section_cstart, $3  }
0xc0: {  	[dreg:$0x1] =	wrdreg $0xFFFFFFFF  }
0xc1: {  	_ =	task.clear_ibuf [dreg:s7], $0x2FFFF;
	_ =	strace $0x9FFFFFFF  }
0xc2: {  	(tm) =	ssettm $0x7FFFFFFF  }
0xc3: {  	_ =	shalt  }
tec
execute0_lowered:
.L_overlay_start_1:
0x0: {  	(tag) =	ssettag $0x1  }
0x1: {  	s5 =	rddreg [dreg:$0x0]  }
0x2: {  	s2 =	rddreg [dreg:$0x1]  }
0x3: {  	s0 =	rddreg [dreg:$0x2];
	s3 =	simm.s32 $0x0;
	s4 =	srdreg.scid  }
0x4: {  	s1 =	stileid.u32;
	s10 =	simm.s32 $0x1800;
	s11 =	simm.s32 $0x2  }
0x5: {  	s12 =	simm.s32 $0x1;
	s13 =	simm.s32 $0x800;
	s15 =	simm.s32 $0x1000  }
0x6: {  	s16 =	simm.s32 $0x0;
	s6 =	sand.u32 $0x1, s4;
	s31 =	sshll.u32 s1, $0x1  }
0x7: {  	[smem:$0x7FF] =	sst s3;
	s4 =	sadd.s32 $0x61200, s5;
	s7 =	sor.u32 s6, s31  }
0x8: {  	_ =	strace $0x8000004A;
	s6 =	ssub.s32 $0x2, s6;
	s14 =	sshll.u32 s7, $0x8  }
0x9: {  	s9 =	sshrl.u32 s6, $0x1;
	s8 =	sadd.s32 s14, s5;
	s5 =	sshll.u32 s7, $0xB  }
0xa: {  	v0 =	vlaneseq.u32;
	s9 =	ssub.s32 s6, s9;
	s6 =	sadd.s32 s4, s14;
	v1 =	vmov s14;
	s14 =	simm.s32 $0x1A00  }
0xb: {  	v2 =	vimm.f32 $0.0e+00;
	v3 =	vmul.u32 $0x8, v0;
	s7 =	sor.u32 $0x20000, s5;
	s8 =	sadd.s32 $0x1200, s8;
	s9 =	smax.u32 s9, $0x1  }
.LBB2_1:
0xc: {  	[tilespmem:s10], [sflag:$0x2] =	stream.linear.gather [hbm4b:s2+s3], $0x200, $0x38;
	[tilespmem:$0x1C00] =	vst v63  }
0xd: {  	s17 =	simm.s32 $0x0  }
0xe: {  	s18 =	simm.s32 $0x10;
	v4 =	vmov s17  }
0xf: {  	_ =	swait.ge [sflag:s11], $0x200;
	v5 =	vmov s18;
	v6 =	vor.u32 $0x1, v4  }
0x10: {  	[sflag:s11] =	ssyncset.done $0x0;
	v5 =	vand.u32 $0xFFFFFFF0, v5  }
0x11: {  	v7 =	vimm.f32 $1.000000000e+00;
	[sflag:s11] =	ssyncadd.s32 $0xFFFFFE00;
	v5 =	vbroadcast v5, $0x0  }
0x12: {  	[tilespmem:$0x1A00] =	vst v7  }
0x13: {  	v8 =	vld.idx.msk [tilespmem:v4+s10+$0x0], $0xffff  }
0x14: {  	v4 =	vor.u32 $0x2, v4;
	v6 =	vld.idx.msk [tilespmem:v6+s10+$0x0], $0xffff;
	_ =	sdelay $0x2  }
0x15: {  	v5 =	vld.idx.msk [tilespmem:v5+s10+$0x0], $0xffff;
	_ =	sdelay $0x1  }
0x16: {  	v8 =	vtrunc.f32 v8;
	v4 =	vld.idx.msk [tilespmem:v4+s10+$0x0], $0xffff;
	v6 =	vtrunc.f32 v6  }
0x17: {  	v8 =	vcvt.f32.s32 v8;
	v9 =	vcvt.f32.s32 v6;
	_ =	sdelay $0x1  }
0x18: {  	v5 =	vtrunc.f32 v5;
	vm0 =	veq.s32 v8, v9  }
0x19: {  	s30 =	simm.s32 $0x20;
	s31 =	simm.s32 $0x10;
	v5 =	vcvt.f32.s32 v5;
	v7 =	vnsel vm0, $0x3F800000, v7  }
0x1a: {  	v6 =	vmov s31;
	v8 =	vmov s30;
	v4 =	vmul.f32 v7, v4  }
0x1b: {  	v8 =	vand.u32 $0xFFFFFFF0, v8;
	v7 =	vor.u32 $0x1, v6;
	vm15 =	veq.s32 v9, v5  }
0x1c: {  	s17 =	simm.s32 $0x1A10;
	s18 =	simm.s32 $0x30;
	v5 =	vor.u32 $0x2, v6;
	v8 =	vbroadcast v8, $0x0;
	v4 =	vnsel vm15, $0x3F800000, v4  }
.LBB2_2:
0x1d: {  	p0 =	sne.s32 s18, $0x1F0  }
0x1e: {  	[tilespmem:s17+$0x0] =	vst v4;
	s17 =	sadd.s32 $0x10, s17;
	s19 =	smov.u32 s18;
	s18 =	sadd.s32 $0x10, s18  }
0x1f: {  	v6 =	vld.idx.msk [tilespmem:v6+s10+$0x0], $0xffff  }
0x20: {  	v7 =	vld.idx.msk [tilespmem:v7+s10+$0x0], $0xffff;
	_ =	sdelay $0x2  }
0x21: {  	v8 =	vld.idx.msk [tilespmem:v8+s10+$0x0], $0xffff;
	_ =	sdelay $0x1  }
0x22: {  	v6 =	vtrunc.f32 v6;
	v9 =	vld.idx.msk [tilespmem:v5+s10+$0x0], $0xffff  }
0x23: {  	v5 =	vtrunc.f32 v7  }
0x24: {  	v6 =	vcvt.f32.s32 v6;
	v10 =	vcvt.f32.s32 v5;
	_ =	sdelay $0x1  }
.Ltmp0:
0x25: {  	s20 =	sadd.s32 $0xFFFFFFF0, s19;
	v11 =	vmov s19;
	v5 =	vtrunc.f32 v8;
	vm0 =	veq.s32 v6, v10;
	(pc) =	sbr.rel @p0 .LBB2_2-.Ltmp0, $4  }
0x26: {  	v6 =	vmov s20;
	v8 =	vcvt.f32.s32 v5;
	v4 =	vnsel vm0, $0x3F800000, v4  }
0x27: {  	v7 =	vor.u32 $0x1, v6;
	v5 =	vor.u32 $0x2, v6;
	v4 =	vmul.f32 v4, v9  }
0x28: {  	v9 =	vand.u32 $0xFFFFFFF0, v11;
	vm0 =	veq.s32 v10, v8  }
0x29: {  	v8 =	vbroadcast v9, $0x0;
	v4 =	vnsel vm0, $0x3F800000, v4  }
0x2a: {  	_ =	sdelay $0x2  }
0x2b: {  	[tilespmem:s17+$0x0] =	vst v4  }
0x2c: {  	v6 =	vld.idx.msk [tilespmem:v6+s10+$0x0], $0xffff  }
0x2d: {  	v7 =	vld.idx.msk [tilespmem:v7+s10+$0x0], $0xffff;
	_ =	sdelay $0x2  }
0x2e: {  	v8 =	vld.idx.msk [tilespmem:v8+s10+$0x0], $0xffff;
	_ =	sdelay $0x1  }
0x2f: {  	v5 =	vld.idx.msk [tilespmem:v5+s10+$0x0], $0xffff;
	v6 =	vtrunc.f32 v6;
	v7 =	vtrunc.f32 v7  }
0x30: {  	v6 =	vcvt.f32.s32 v6;
	v7 =	vcvt.f32.s32 v7;
	_ =	sdelay $0x1  }
0x31: {  	v8 =	vtrunc.f32 v8;
	vm0 =	veq.s32 v6, v7  }
0x32: {  	v63 =	vcvt.f32.s32 v8;
	v4 =	vnsel vm0, $0x3F800000, v4  }
0x33: {  	v4 =	vmul.f32 v4, v5  }
0x34: {  	vm15 =	veq.s32 v7, v63  }
0x35: {  	s31 =	sadd.s32 $0x10, s17;
	v4 =	vnsel vm15, $0x3F800000, v4  }
0x36: {  	s17 =	simm.s32 $0x40;
	s18 =	simm.s32 $0x0;
	[tilespmem:s31+$0x0] =	vst v4  }
.LBB2_4:
0x37: {  	p0 =	sne.s32 s17, $0x1FC0;
	[tilespmem:s18+$0x1000] =	vst v2;
	s18 =	smov.u32 s17;
	s17 =	sadd.s32 $0x40, s17  }
.Ltmp1:
0x38: {  	(pc) =	sbr.rel @p0 .LBB2_4-.Ltmp1, $2  }
0x39: {  	_ =	sdelay $0x2  }
0x3a: {  	s18 =	sshra.s32 s18, $0x2  }
0x3b: {  	[tilespmem:s18+$0x1000] =	vst v2;
	s17 =	simm.s32 $0x0;
	s18 =	simm.s32 $0x0  }
0x3c: {  	[tilespmem:s17], [sflag:$0x1] =	stream.linear.gather [hbm4b:s6+s17], $0x800, $0x38;
	[tilespmem:$0x1C00] =	vst v63  }
.LBB2_6:
0x3d: {  	s19 =	sshll.u32 s18, $0x5  }
0x3e: {  	v4 =	vmov s19  }
0x3f: {  	s19 =	sshllo.u32 s18, $0x1;
	v4 =	vbroadcast v4, $0x0  }
0x40: {  	s20 =	sshll.u32 s19, $0x10  }
0x41: {  	_ =	swait.ge [sflag:s12], $0x800;
	s20 =	sor.u32 s5, s20  }
0x42: {  	[sflag:s12] =	ssyncset.done $0x0;
	s20 =	sshrl.u32 s20, $0x3  }
0x43: {  	[sflag:s12] =	ssyncadd.s32 $0xFFFFF800;
	s20 =	sadd.s32 s4, s20  }
0x44: {  	[tilespmem:s13], [sflag:$0x1] =	stream.linear.gather [hbm4b:s20+s17], $0x800, $0x38;
	[tilespmem:$0x1C00] =	vst v63  }
0x45: {  	v5 =	vld.idx.msk [tilespmem:v4+s10+$0x0], $0xffff;
	_ =	sdelay $0x4  }
0x46: {  	v4 =	vld.idx.msk [tilespmem:v4+s14+$0x0], $0xffff;
	v5 =	vtrunc.f32 v5  }
0x47: {  	v6 =	vld [tilespmem:s17+$0x0];
	v5 =	vcvt.f32.s32 v5  }
0x48: {  	v7 =	vor.u32 s17, v0;
	s20 =	simm.s32 $0x1000  }
0x49: {  	v7 =	vshrl.u32 v7, $0x3;
	v8 =	vld [tilespmem:s20+$0x0];
	v5 =	vsub.s32 v5, v1  }
0x4a: {  	vm0 =	veq.s32 v7, v5  }
0x4b: {  	v7 =	vnsel vm0, $0x3F800000, v4  }
0x4c: {  	v6 =	vmul.f32 v6, v7;
	_ =	sdelay $0x1  }
0x4d: {  	v6 =	vadd.f32 v6, v8;
	_ =	sdelay $0x1  }
0x4e: {  	s21 =	simm.s32 $0x10;
	[tilespmem:s20+$0x0] =	vst v6  }
0x4f: {  	s22 =	simm.s32 $0x20;
	s23 =	simm.s32 $0x10;
	v6 =	vld [tilespmem:s21+$0x0]  }
.LBB2_7:
0x50: {  	p0 =	sne.s32 s22, $0x7F0;
	v7 =	vor.u32 s21, v0;
	s20 =	sadd.s32 $0x10, s20;
	s21 =	smov.u32 s22  }
0x51: {  	v7 =	vshrl.u32 v7, $0x3;
	v8 =	vld [tilespmem:s20+$0x0]  }
0x52: {  	vm0 =	veq.s32 v7, v5  }
0x53: {  	v7 =	vnsel vm0, $0x3F800000, v4  }
0x54: {  	v6 =	vmul.f32 v6, v7  }
.Ltmp2:
0x55: {  	(pc) =	sbr.rel @p0 .LBB2_7-.Ltmp2, $3  }
0x56: {  	v6 =	vadd.f32 v6, v8;
	_ =	sdelay $0x1  }
0x57: {  	s23 =	sadd.s32 $0x10, s23;
	[tilespmem:s20+$0x0] =	vst v6  }
0x58: {  	s22 =	sadd.s32 $0x10, s22;
	v6 =	vld [tilespmem:s23+$0x0]  }
0x59: {  	v7 =	vor.u32 s21, v0;
	s20 =	sadd.s32 $0x10, s20  }
0x5a: {  	v7 =	vshrl.u32 v7, $0x3;
	v8 =	vld [tilespmem:s20+$0x0]  }
0x5b: {  	vm0 =	veq.s32 v7, v5  }
0x5c: {  	v4 =	vnsel vm0, $0x3F800000, v4  }
0x5d: {  	v4 =	vmul.f32 v6, v4  }
0x5e: {  	s19 =	sshll.u32 s19, $0x4  }
0x5f: {  	v5 =	vmov s19;
	v4 =	vadd.f32 v4, v8  }
0x60: {  	p0 =	seq.s32 s18, $0xF;
	v5 =	vbroadcast v5, $0x0  }
0x61: {  	s19 =	sshll.u32 @!p0 s18, $0x11;
	[tilespmem:s20+$0x0] =	vst v4  }
0x62: {  	s19 =	sadd.s32 @!p0 s7, s19;
	_ =	swait.ge [sflag:s12], $0x800  }
0x63: {  	s19 =	sshrl.u32 @!p0 s19, $0x3;
	[sflag:s12] =	ssyncset.done $0x0  }
0x64: {  	s19 =	sadd.s32 @!p0 s4, s19;
	s20 =	simm.s32 @!p0 $0x0;
	[sflag:s12] =	ssyncadd.s32 $0xFFFFF800  }
0x65: {  	[tilespmem:s20], [sflag:$0x1] =	stream.linear.gather @!p0 [hbm4b:s19+s20], $0x800, $0x38;
	[tilespmem:$0x1C00] =	vst v63  }
0x66: {  	v4 =	vld.idx.msk [tilespmem:v5+s10+$0x0], $0xffff;
	_ =	sdelay $0x4  }
0x67: {  	s30 =	simm.s32 $0x800;
	v6 =	vtrunc.f32 v4;
	v4 =	vld.idx.msk [tilespmem:v5+s14+$0x0], $0xffff  }
0x68: {  	s31 =	simm.s32 $0x0;
	v5 =	vcvt.f32.s32 v6;
	v6 =	vld [tilespmem:s30+$0x0]  }
0x69: {  	v7 =	vor.u32 s31, v0;
	s19 =	simm.s32 $0x1000  }
0x6a: {  	v7 =	vshrl.u32 v7, $0x3;
	v8 =	vld [tilespmem:s19+$0x0];
	v5 =	vsub.s32 v5, v1  }
0x6b: {  	vm15 =	veq.s32 v7, v5  }
0x6c: {  	v7 =	vnsel vm15, $0x3F800000, v4  }
0x6d: {  	v6 =	vmul.f32 v6, v7;
	_ =	sdelay $0x1  }
0x6e: {  	v6 =	vadd.f32 v6, v8;
	_ =	sdelay $0x1  }
0x6f: {  	s20 =	simm.s32 $0x810;
	[tilespmem:s19+$0x0] =	vst v6  }
0x70: {  	s21 =	simm.s32 $0x10;
	s22 =	simm.s32 $0x20;
	v6 =	vld [tilespmem:s20+$0x0]  }
.LBB2_9:
0x71: {  	p0 =	sne.s32 s22, $0x7F0;
	v7 =	vor.u32 s21, v0;
	s19 =	sadd.s32 $0x10, s19;
	s21 =	smov.u32 s22  }
0x72: {  	v7 =	vshrl.u32 v7, $0x3;
	v8 =	vld [tilespmem:s19+$0x0]  }
0x73: {  	vm0 =	veq.s32 v7, v5  }
0x74: {  	v7 =	vnsel vm0, $0x3F800000, v4  }
0x75: {  	v6 =	vmul.f32 v6, v7  }
.Ltmp3:
0x76: {  	(pc) =	sbr.rel @p0 .LBB2_9-.Ltmp3, $3  }
0x77: {  	v6 =	vadd.f32 v6, v8;
	_ =	sdelay $0x1  }
0x78: {  	s20 =	sadd.s32 $0x10, s20;
	[tilespmem:s19+$0x0] =	vst v6  }
0x79: {  	s22 =	sadd.s32 $0x10, s22;
	v6 =	vld [tilespmem:s20+$0x0]  }
0x7a: {  	v7 =	vor.u32 s21, v0;
	s19 =	sadd.s32 $0x10, s19  }
0x7b: {  	v7 =	vshrl.u32 v7, $0x3;
	v8 =	vld [tilespmem:s19+$0x0]  }
0x7c: {  	s18 =	sadd.s32 $0x1, s18;
	vm0 =	veq.s32 v7, v5  }
0x7d: {  	p0 =	sne.s32 s18, $0x10;
	v4 =	vnsel vm0, $0x3F800000, v4  }
.Ltmp4:
0x7e: {  	v4 =	vmul.f32 v6, v4;
	(pc) =	sbr.rel @p0 .LBB2_6-.Ltmp4, $3  }
0x7f: {  	_ = 	snop  }
0x80: {  	v4 =	vadd.f32 v4, v8;
	_ =	sdelay $0x1  }
0x81: {  	[tilespmem:s19+$0x0] =	vst v4  }
0x82: {  	s17 =	simm.s32 $0x0  }
0x83: {  	v4 =	vmov s17  }
0x84: {  	v4 =	vshll.u32 v4, $0x3  }
0x85: {  	v4 =	vor.u32 v3, v4;
	_ =	sdelay $0x4  }
0x86: {  	v5 =	vld.idx.msk [tilespmem:v4+s15+$0x0], $0xffff;
	_ =	sdelay $0x4  }
0x87: {  	v5 =	vadd.f32 $1.000000010e-10, v5;
	_ =	sdelay $0x1  }
0x88: {  	v4 =	vor.u32 $0x1, v4;
	(erf) = vrcp.f32 v5;
	_ =	sdelay $0x4  }
0x89: {  	s31 =	simm.s32 $0x10;
	v5 =	vld.idx.msk [tilespmem:v4+s15+$0x0], $0xffff  }
0x8a: {  	v6 =	vmov s31;
	s17 =	simm.s32 $0x20  }
.LBB2_12:
0x8b: {  	p0 =	sne.s32 s17, $0xF0;
	v6 =	vshll.u32 v6, $0x3  }
0x8c: {  	v6 =	vor.u32 v3, v6  }
0x8d: {  	v7 =	vpop (erf)  }
0x8e: {  	v5 =	vmul.f32 v7, v5;
	_ =	sdelay $0x1  }
0x8f: {  	[tilespmem:v4+s15+$0x0] =	vst.idx.msk $0xffff, v5  }
0x90: {  	v4 =	vld.idx.msk [tilespmem:v6+s15+$0x0], $0xffff;
	_ =	sdelay $0x5  }
0x91: {  	v5 =	vadd.f32 $1.000000010e-10, v4  }
0x92: {  	v4 =	vor.u32 $0x1, v6  }
0x93: {  	(erf) = vrcp.f32 v5;
	_ =	sdelay $0x1  }
.Ltmp5:
0x94: {  	(pc) =	sbr.rel @p0 .LBB2_12-.Ltmp5, $3  }
0x95: {  	_ = 	snop  }
0x96: {  	v5 =	vld.idx.msk [tilespmem:v4+s15+$0x0], $0xffff;
	_ =	sdelay $0x1  }
0x97: {  	v6 =	vmov s17;
	s17 =	sadd.s32 $0x10, s17  }
0x98: {  	v6 =	vshll.u32 v6, $0x3  }
0x99: {  	v6 =	vor.u32 v3, v6  }
0x9a: {  	v7 =	vpop (erf)  }
0x9b: {  	v5 =	vmul.f32 v7, v5;
	_ =	sdelay $0x1  }
0x9c: {  	[tilespmem:v4+s15+$0x0] =	vst.idx.msk $0xffff, v5  }
0x9d: {  	v4 =	vld.idx.msk [tilespmem:v6+s15+$0x0], $0xffff;
	_ =	sdelay $0x4  }
0x9e: {  	v4 =	vadd.f32 $1.000000010e-10, v4;
	_ =	sdelay $0x1  }
0x9f: {  	v5 =	vor.u32 $0x1, v6;
	(erf) = vrcp.f32 v4;
	_ =	sdelay $0x4  }
0xa0: {  	v4 =	vld.idx.msk [tilespmem:v5+s15+$0x0], $0xffff;
	_ =	sdelay $0x3  }
0xa1: {  	v63 =	vpop (erf)  }
0xa2: {  	s16 =	sadd.s32 $0x1, s16;
	v4 =	vmul.f32 v63, v4  }
0xa3: {  	p0 =	sne.s32 s16, s9  }
.Ltmp6:
0xa4: {  	[tilespmem:v5+s15+$0x0] =	vst.idx.msk $0xffff, v4;
	(pc) =	sbr.rel @p0 .LBB2_1-.Ltmp6, $4  }
0xa5: {  	[hbm4b:s8+s3] =	stream.linear.scatter [tilespmem:s15], [sflag:$0x2], $0x800, $0x38;
	[tilespmem:$0x1C00] =	vst v63  }
0xa6: {  	_ =	swait.ge [sflag:s11], $0x800  }
0xa7: {  	[sflag:s11] =	ssyncset.done $0x0  }
0xa8: {  	[sflag:s11] =	ssyncadd.s32 $0xFFFFF800  }
0xa9: {  	_ =	sfence.sel $0x180000  }
0xaa: {  	[bflag:$0x0] =	sbarrier.arrive $0xFFFF  }
0xab: {  	p0 =	sne.s32 s1, $0x0;
	_ =	strace $0x9000004A  }
0xac: {  	s0 =	sadd.s32 @!p0 $0x100000, s0;
	[bflag:$0x2] =	sbarrier.arrive $0xFFFF  }
0xad: {  	[sflag:s0] =	ssyncadd.tile.s32 @!p0 $0x1;
	_ =	shalt  }
.Lfunc_end2:
_tile_overlayer_lowered:
.L_overlay_start_2:
0xae: {  	(tag) =	ssettag $0x2  }
0xaf: {  	s0 =	rddreg [dreg:$0x0];
	s2 =	stileid.u32  }
0xb0: {  	s1 =	rddreg [dreg:$0x1];
	p0 =	sne.s32 s2, $0x0  }
0xb1: {  	s3 =	rddreg [dreg:$0x2];
	[bflag:$0x3] =	sbarrier.arrive $0xFFFF;
	s2 =	simm.s32 @!p0 $0x1C02  }
0xb2: {  	[timem:s3], [sflag:s2] =	dma.local @!p0 [hbm:s0], s1  }
0xb3: {  	s0 =	simm.s32 @!p0 $0x2  }
0xb4: {  	_ =	swait.ge @!p0 [sflag:s0], s1  }
0xb5: {  	s1 =	ssub.s32 @!p0 $0x0, s1;
	[sflag:s0] =	ssyncset.done @!p0 $0x0  }
0xb6: {  	[sflag:s0] =	ssyncadd.s32 @!p0 s1  }
0xb7: {  	[bflag:$0x3] =	sbarrier.arrive $0xFFFF  }
0xb8: {  	_ =	shalt  }

</sc_bundles>
